<compile_context>
chip_gen: v7x
topology: tpu7x:2x2x1
jax: 0.10.2.dev20260603
libtpu: 0.0.44.dev20260713+nightly
codegen_flags: <defaults>
</compile_context>

<pallas_src>
import functools

import jax
import jax.numpy as jnp
from jax import lax
from jax.experimental import pallas as pl
from jax.experimental.pallas import tpu as pltpu
from jax.experimental.pallas import tpu_sc as plsc

N_NODES = 10000
N_EDGES = 320000
IN_FEATS = 128
HIDDEN = 32

N_TILES = 32
EPT = N_EDGES // N_TILES
N_GROUPS = 4
F_TILE = HIDDEN // (N_TILES // N_GROUPS)
EPG = N_EDGES // N_GROUPS
CHUNK = 10000
NP = 10240

_SC_MESH = plsc.VectorSubcoreMesh(core_axis_name="c", subcore_axis_name="s")
_SC_PARAMS = pltpu.CompilerParams(needs_layout_passes=False)


@functools.partial(
    pl.kernel,
    out_type=jax.ShapeDtypeStruct((N_TILES, N_NODES), jnp.float32),
    mesh=_SC_MESH,
    scratch_types=[
        pltpu.VMEM((N_NODES,), jnp.float32),
        pltpu.VMEM((EPT,), jnp.int32),
        pltpu.VMEM((EPT,), jnp.float32),
        pltpu.SemaphoreType.DMA,
        pltpu.SemaphoreType.DMA,
    ],
    compiler_params=_SC_PARAMS,
)
def _deg_pass(col_hbm, ew_hbm, out_hbm, deg_v, col_v, ew_v, sem0, sem1):
    wid = lax.axis_index("s") * 2 + lax.axis_index("c")
    base = wid * EPT
    h1 = pltpu.async_copy(col_hbm.at[pl.ds(base, EPT)], col_v, sem0)
    h2 = pltpu.async_copy(ew_hbm.at[pl.ds(base, EPT)], ew_v, sem1)

    zero16 = jnp.zeros((16,), jnp.float32)

    @plsc.parallel_loop(0, N_NODES // 16, unroll=4)
    def _(i):
        deg_v[pl.ds(i * 16, 16)] = zero16

    h1.wait()
    h2.wait()

    @plsc.parallel_loop(0, EPT // 16, unroll=4)
    def _(i):
        c16 = col_v[pl.ds(i * 16, 16)]
        w16 = ew_v[pl.ds(i * 16, 16)]
        plsc.addupdate_scatter(deg_v, [c16], w16)

    pltpu.sync_copy(deg_v, out_hbm.at[wid])


FN = F_TILE * NP


@functools.partial(
    pl.kernel,
    out_type=jax.ShapeDtypeStruct((N_TILES, FN), jnp.float32),
    mesh=_SC_MESH,
    scratch_types=[
        pltpu.VMEM((2 * NP,), jnp.int32),
        pltpu.VMEM((FN,), jnp.float32),
        pltpu.VMEM((CHUNK,), jnp.int32),
        pltpu.VMEM((CHUNK,), jnp.int32),
        pltpu.VMEM((CHUNK,), jnp.float32),
        pltpu.VMEM((CHUNK,), jnp.float32),
        pltpu.SemaphoreType.DMA,
        pltpu.SemaphoreType.DMA,
        pltpu.SemaphoreType.DMA,
    ],
    compiler_params=_SC_PARAMS,
)
def _msg_pass(rc_hbm, ew_hbm, gt_hbm, out_hbm, g_v, acc_v, rc_v0, rc_v1,
              ew_v0, ew_v1, sem0, sem1, semg):
    wid = lax.axis_index("s") * 2 + lax.axis_index("c")
    grp = lax.shift_right_logical(wid, 3)
    fb = wid & 7
    sems = (sem0, sem1)
    rc_bufs = (rc_v0, rc_v1)
    ew_bufs = (ew_v0, ew_v1)
    ebase = grp * EPG

    def start_chunk(ci, b):
        off = ebase + ci * CHUNK
        h1 = pltpu.async_copy(rc_hbm.at[pl.ds(off, CHUNK)], rc_bufs[b],
                              sems[b])
        h2 = pltpu.async_copy(ew_hbm.at[pl.ds(off, CHUNK)], ew_bufs[b],
                              sems[b])
        return h1, h2

    pending = start_chunk(0, 0)
    hg = pltpu.async_copy(gt_hbm.at[fb], g_v, semg)

    zero16 = jnp.zeros((16,), jnp.float32)

    @plsc.parallel_loop(0, FN // 16, unroll=4)
    def _(i):
        acc_v[pl.ds(i * 16, 16)] = zero16

    hg.wait()

    g_refs = [g_v.at[pl.ds(j * NP, NP)] for j in range(2)]
    acc_refs = [acc_v.at[pl.ds(f * NP, NP)] for f in range(F_TILE)]
    himask = jnp.full((16,), -65536, jnp.int32)

    for ci in range(EPG // CHUNK):
        b = ci & 1
        for h in pending:
            h.wait()
        if ci + 1 < EPG // CHUNK:
            pending = start_chunk(ci + 1, 1 - b)

        @plsc.parallel_loop(0, CHUNK // 16, unroll=4)
        def _(i):
            rc16 = rc_bufs[b][pl.ds(i * 16, 16)]
            w16 = ew_bufs[b][pl.ds(i * 16, 16)]
            row = lax.shift_right_logical(rc16, 14)
            col = rc16 & 16383
            words = [plsc.load_gather(g_refs[j], [row]) for j in range(2)]
            vals = []
            for j in range(2):
                w = words[j]
                vals.append(plsc.bitcast(lax.shift_left(w, 16), jnp.float32))
                vals.append(plsc.bitcast(w & himask, jnp.float32))
            msgs = [v * w16 for v in vals]
            for f in range(F_TILE):
                plsc.addupdate_scatter(acc_refs[f], [col], msgs[f])

    pltpu.sync_copy(acc_v, out_hbm.at[wid])


def _edge_body(ei_ref, rc_ref, col_ref):
    ec = ei_ref[1, :]
    rc_ref[...] = ei_ref[0, :] * 16384 + ec
    col_ref[...] = ec


_edge_pass = pl.pallas_call(
    _edge_body,
    out_shape=(
        jax.ShapeDtypeStruct((N_EDGES,), jnp.int32),
        jax.ShapeDtypeStruct((N_EDGES,), jnp.int32),
    ),
)


def _enc_body(x_ref, we_ref, be_ref, wg_ref, hwt_ref):
    x = x_ref[...]
    xf = jnp.where(jnp.isnan(x), jnp.float32(0.0), x)
    h = lax.dot_general(xf, we_ref[...], (((1,), (1,)), ((), ())),
                        preferred_element_type=jnp.float32)
    h = jnp.maximum(h + be_ref[...], 0.0)
    hwt_ref[...] = lax.dot_general(
        wg_ref[...], h, (((1,), (1,)), ((), ())),
        preferred_element_type=jnp.float32)


_enc_pass = pl.pallas_call(
    _enc_body,
    out_shape=jax.ShapeDtypeStruct((HIDDEN, N_NODES), jnp.float32),
)


def _dis_body(degp_ref, hwt_ref, dis_ref, gtp_ref):
    deg = 1.0 + jnp.sum(degp_ref[...], axis=0, keepdims=True)
    dis = jnp.where(deg > 0, lax.rsqrt(deg), 0.0)
    dis_ref[0, pl.ds(0, N_NODES)] = dis[0]
    disv = dis[0]
    for fb in range(HIDDEN // F_TILE):
        g_loc = []
        for f in range(F_TILE):
            g_loc.append(disv * hwt_ref[fb * F_TILE + f, :])
        for j in range(2):
            lo = lax.bitcast_convert_type(
                g_loc[2 * j].astype(jnp.bfloat16), jnp.uint16
            ).astype(jnp.int32)
            hi = lax.bitcast_convert_type(
                g_loc[2 * j + 1].astype(jnp.bfloat16), jnp.uint16
            ).astype(jnp.int32)
            gtp_ref[fb, pl.ds(j * NP, N_NODES)] = lo | lax.shift_left(hi, 16)


_dis_pass = pl.pallas_call(
    _dis_body,
    out_shape=(
        jax.ShapeDtypeStruct((1, NP), jnp.float32),
        jax.ShapeDtypeStruct((HIDDEN // F_TILE, 2 * NP), jnp.int32),
    ),
)


def _dec_body(accp_ref, gtp_ref, dis_ref, bg_ref, wd_ref, bd_ref, out_ref):
    nb = HIDDEN // F_TILE
    accsum = accp_ref[pl.ds(0, nb), :]
    for grp in range(1, N_GROUPS):
        accsum = accsum + accp_ref[pl.ds(grp * nb, nb), :]
    w0 = gtp_ref[:, pl.ds(0, NP)]
    w1 = gtp_ref[:, pl.ds(NP, NP)]
    m = jnp.int32(-65536)
    g2 = jnp.concatenate([
        lax.bitcast_convert_type(lax.shift_left(w0, 16), jnp.float32),
        lax.bitcast_convert_type(w0 & m, jnp.float32),
        lax.bitcast_convert_type(lax.shift_left(w1, 16), jnp.float32),
        lax.bitcast_convert_type(w1 & m, jnp.float32),
    ], axis=1)
    pre32 = (accsum + g2).reshape(HIDDEN, NP)
    agg = jnp.maximum(dis_ref[...] * pre32 + bg_ref[...], 0.0)
    rec = lax.dot_general(agg, wd_ref[...], (((0,), (1,)), ((), ())),
                          preferred_element_type=jnp.float32)
    out_ref[...] = rec[0:N_NODES, :] + bd_ref[...]


_dec_pass = pl.pallas_call(
    _dec_body,
    out_shape=jax.ShapeDtypeStruct((N_NODES, IN_FEATS), jnp.float32),
)


def kernel(x, edge_index, edge_weight, W_enc, b_enc, W_gcn, b_gcn, W_dec, b_dec):
    ei = edge_index.astype(jnp.int32)
    ew = edge_weight.astype(jnp.float32)

    rc, col = _edge_pass(ei)
    deg_parts = _deg_pass(col, ew)
    hwt = _enc_pass(x, W_enc, b_enc.reshape(1, HIDDEN), W_gcn)
    dis, gtp = _dis_pass(deg_parts, hwt)
    acc_parts = _msg_pass(rc, ew, gtp)
    recon = _dec_pass(acc_parts, gtp, dis, b_gcn.reshape(HIDDEN, 1),
                      W_dec, b_dec.reshape(1, IN_FEATS))
    return recon

# --- scband reference (transcript-rebuilt; emitter-appended) ---
"""Pipeline reference for scband-simple-gnnimputer-41618233098453 (READ-ONLY COPY).

The authoritative reference and input builder live on the scoring server;
editing this copy changes nothing except your own understanding.
"""

import jax, jax.numpy as jnp
import numpy as np

N_NODES = 10000
N_EDGES = 320000
IN_FEATS = 128
HIDDEN = 32


def setup_inputs(seed: int = 0) -> dict:
    key = jax.random.key(seed)
    ks = jax.random.split(key, 10)
    x = jax.random.normal(ks[0], (N_NODES, IN_FEATS), dtype=jnp.float32)
    edge_index = jax.random.randint(ks[1], (2, N_EDGES), 0, N_NODES, dtype=jnp.int64)
    edge_weight = jax.random.uniform(ks[2], (N_EDGES,), dtype=jnp.float32)
    # parameters (torch Linear convention: W [out, in], bias [out])
    W_enc = jax.random.normal(ks[3], (HIDDEN, IN_FEATS), dtype=jnp.float32) * (1.0 / np.sqrt(IN_FEATS))
    b_enc = jnp.zeros((HIDDEN,), dtype=jnp.float32)
    W_gcn = jax.random.normal(ks[4], (HIDDEN, HIDDEN), dtype=jnp.float32) * (1.0 / np.sqrt(HIDDEN))
    b_gcn = jnp.zeros((HIDDEN,), dtype=jnp.float32)
    W_dec = jax.random.normal(ks[5], (IN_FEATS, HIDDEN), dtype=jnp.float32) * (1.0 / np.sqrt(HIDDEN))
    b_dec = jnp.zeros((IN_FEATS,), dtype=jnp.float32)
    return {
        "x": x, "edge_index": edge_index, "edge_weight": edge_weight,
        "W_enc": W_enc, "b_enc": b_enc, "W_gcn": W_gcn, "b_gcn": b_gcn,
        "W_dec": W_dec, "b_dec": b_dec,
    }


def _gcn_conv(h, edge_index, edge_weight, W_gcn, b_gcn):
    # Faithful PyG GCNConv: add self-loops (weight 1.0), symmetric normalization,
    # linear transform, scatter-add aggregation over destination nodes, plus bias.
    N = h.shape[0]
    loop = jnp.arange(N, dtype=edge_index.dtype)
    row = jnp.concatenate([edge_index[0], loop])  # source
    col = jnp.concatenate([edge_index[1], loop])  # target
    ew = jnp.concatenate([edge_weight, jnp.ones((N,), dtype=edge_weight.dtype)])
    deg = jnp.zeros((N,), dtype=ew.dtype).at[col].add(ew)
    deg_inv_sqrt = jnp.where(deg > 0, 1.0 / jnp.sqrt(jnp.where(deg > 0, deg, 1.0)), 0.0)
    norm = deg_inv_sqrt[row] * ew * deg_inv_sqrt[col]
    hw = h @ W_gcn.T
    msg = hw[row] * norm[:, None]
    agg = jnp.zeros_like(hw).at[col].add(msg)
    return agg + b_gcn


def reference(x, edge_index, edge_weight, W_enc, b_enc, W_gcn, b_gcn, W_dec, b_dec):
    mask = ~jnp.isnan(x)
    x_filled = jnp.where(mask, x, jnp.zeros_like(x))
    h = jax.nn.relu(x_filled @ W_enc.T + b_enc)
    h = jax.nn.relu(_gcn_conv(h, edge_index, edge_weight, W_gcn, b_gcn))
    recon = h @ W_dec.T + b_dec
    return recon

if __name__ == "__main__":
    import jax
    _d = setup_inputs()
    print(jax.jit(kernel)(*tuple(_d.values())))

</pallas_src>

<mosaic_0001>
#map = affine_map<(d0, d1) -> (0)>
#map1 = affine_map<(d0, d1) -> (0, 0)>
module attributes {stable_mosaic.version = 14 : i64} {
  func.func @_msg_pass(%arg0: i32, %arg1: i32, %arg2: memref<320000xi32, #tpu.memory_space<hbm>>, %arg3: memref<320000xf32, #tpu.memory_space<hbm>>, %arg4: memref<8x20480xi32, #tpu.memory_space<hbm>>, %arg5: memref<32x40960xf32, #tpu.memory_space<hbm>>, %arg6: memref<20480xi32, #tpu.memory_space<vmem>>, %arg7: memref<40960xf32, #tpu.memory_space<vmem>>, %arg8: memref<10000xi32, #tpu.memory_space<vmem>>, %arg9: memref<10000xi32, #tpu.memory_space<vmem>>, %arg10: memref<10000xf32, #tpu.memory_space<vmem>>, %arg11: memref<10000xf32, #tpu.memory_space<vmem>>, %arg12: memref<!tpu.dma_semaphore, #tpu.memory_space<semaphore_mem>>, %arg13: memref<!tpu.dma_semaphore, #tpu.memory_space<semaphore_mem>>, %arg14: memref<!tpu.dma_semaphore, #tpu.memory_space<semaphore_mem>>) attributes {dimension_semantics = [#tpu.dimension_semantics<core_parallel>, #tpu.dimension_semantics<subcore_parallel>], iteration_bounds = array<i64: 2, 16>, scalar_prefetch = 0 : i64, scratch_operands = 9 : i64, tpu.core_type = #tpu.core_type<sc_vector_subcore>, window_params = [{transform_indices = #map}, {transform_indices = #map}, {transform_indices = #map1}, {transform_indices = #map1}]} {
    %mul3A = arith.constant 2 : i32
    %mul3A_0 = arith.muli %arg1, %mul3A : i32
    %add3A = arith.addi %mul3A_0, %arg0 : i32
    %shift_right_logical3A = arith.constant 3 : i32
    %shift_right_logical3A_1 = arith.shrui %add3A, %shift_right_logical3A : i32
    %and3A = arith.constant 7 : i32
    %and3A_2 = arith.andi %add3A, %and3A : i32
    %mul3A_3 = arith.constant 80000 : i32
    %mul3A_4 = arith.muli %shift_right_logical3A_1, %mul3A_3 : i32
    %add3A_5 = arith.constant 0 : i32
    %add3A_6 = arith.addi %mul3A_4, %add3A_5 : i32
    %dma_start3A = tpu.memref_slice %arg2[%add3A_6] : memref<320000xi32, #tpu.memory_space<hbm>> -> memref<10000xi32, #tpu.memory_space<hbm>>
    %dma_start3A_7 = tpu.memref_slice %arg2[%add3A_6] : memref<320000xi32, #tpu.memory_space<hbm>> -> memref<10000xi32, #tpu.memory_space<hbm>>
    tpu.enqueue_dma source(%dma_start3A_7 : memref<10000xi32, #tpu.memory_space<hbm>>) target(%arg8 : memref<10000xi32, #tpu.memory_space<vmem>>) target_semaphore(%arg12 : memref<!tpu.dma_semaphore, #tpu.memory_space<semaphore_mem>>)
    %dma_start3A_8 = tpu.memref_slice %arg3[%add3A_6] : memref<320000xf32, #tpu.memory_space<hbm>> -> memref<10000xf32, #tpu.memory_space<hbm>>
    %dma_start3A_9 = tpu.memref_slice %arg3[%add3A_6] : memref<320000xf32, #tpu.memory_space<hbm>> -> memref<10000xf32, #tpu.memory_space<hbm>>
    tpu.enqueue_dma source(%dma_start3A_9 : memref<10000xf32, #tpu.memory_space<hbm>>) target(%arg10 : memref<10000xf32, #tpu.memory_space<vmem>>) target_semaphore(%arg12 : memref<!tpu.dma_semaphore, #tpu.memory_space<semaphore_mem>>)
    %dma_start3A_10 = arith.constant 0 : i32
    %dma_start3A_11 = tpu.memref_slice %arg4[%and3A_2, %dma_start3A_10] : memref<8x20480xi32, #tpu.memory_space<hbm>> -> memref<1x20480xi32, #tpu.memory_space<hbm>>
    %dma_start3A_12 = tpu.memref_squeeze %dma_start3A_11 : memref<1x20480xi32, #tpu.memory_space<hbm>> -> memref<20480xi32, #tpu.memory_space<hbm>>
    %dma_start3A_13 = arith.constant 0 : i32
    %dma_start3A_14 = tpu.memref_slice %arg4[%and3A_2, %dma_start3A_13] : memref<8x20480xi32, #tpu.memory_space<hbm>> -> memref<1x20480xi32, #tpu.memory_space<hbm>>
    %dma_start3A_15 = tpu.memref_squeeze %dma_start3A_14 : memref<1x20480xi32, #tpu.memory_space<hbm>> -> memref<20480xi32, #tpu.memory_space<hbm>>
    tpu.enqueue_dma source(%dma_start3A_15 : memref<20480xi32, #tpu.memory_space<hbm>>) target(%arg6 : memref<20480xi32, #tpu.memory_space<vmem>>) target_semaphore(%arg14 : memref<!tpu.dma_semaphore, #tpu.memory_space<semaphore_mem>>)
    %broadcast_in_dim3A = arith.constant 0.000000e+00 : f32
    %broadcast_in_dim3A_16 = vector.broadcast %broadcast_in_dim3A : f32 to vector<16xf32>
    %parallel_loop3A = arith.constant 0 : i32
    %parallel_loop3A_17 = arith.constant 2560 : i32
    %parallel_loop3A_18 = arith.constant 1 : i32
    scf.for %parallel_loop3A_124 = %parallel_loop3A to %parallel_loop3A_17 step %parallel_loop3A_18  : i32 {
      %parallel_loop3A_125 = arith.constant 16 : i32
      %parallel_loop3A_126 = arith.muli %parallel_loop3A_124, %parallel_loop3A_125 : i32
      %parallel_loop3A_127 = arith.index_cast %parallel_loop3A_126 : i32 to index
      %parallel_loop3A_128 = tpu.vector_load %arg7[%parallel_loop3A_127] {strides = array<i32>} : memref<40960xf32, #tpu.memory_space<vmem>>, vector<16xf32>,
      tpu.vector_store %arg7[%parallel_loop3A_127], %broadcast_in_dim3A_16 {strides = array<i32>} : memref<40960xf32, #tpu.memory_space<vmem>>, vector<16xf32>,
    } {sc.loop_unroll_factor = 4 : i64, sc.parallel_access}
    %dma_wait3A = arith.constant 0 : i32
    %dma_wait3A_19 = tpu.memref_slice %arg4[%and3A_2, %dma_wait3A] : memref<8x20480xi32, #tpu.memory_space<hbm>> -> memref<1x20480xi32, #tpu.memory_space<hbm>>
    %dma_wait3A_20 = tpu.memref_squeeze %dma_wait3A_19 : memref<1x20480xi32, #tpu.memory_space<hbm>> -> memref<20480xi32, #tpu.memory_space<hbm>>
    %dma_wait3A_21 = arith.constant 0 : i32
    %dma_wait3A_22 = tpu.memref_slice %arg4[%and3A_2, %dma_wait3A_21] : memref<8x20480xi32, #tpu.memory_space<hbm>> -> memref<1x20480xi32, #tpu.memory_space<hbm>>
    %dma_wait3A_23 = tpu.memref_squeeze %dma_wait3A_22 : memref<1x20480xi32, #tpu.memory_space<hbm>> -> memref<20480xi32, #tpu.memory_space<hbm>>
    tpu.wait_dma2 semaphore(%arg14 : memref<!tpu.dma_semaphore, #tpu.memory_space<semaphore_mem>>) src(%dma_wait3A_23 : memref<20480xi32, #tpu.memory_space<hbm>>) dst(%arg6 : memref<20480xi32, #tpu.memory_space<vmem>>)
    %broadcast_in_dim3A_24 = arith.constant -65536 : i32
    %broadcast_in_dim3A_25 = vector.broadcast %broadcast_in_dim3A_24 : i32 to vector<16xi32>
    %dma_wait3A_26 = tpu.memref_slice %arg2[%add3A_6] : memref<320000xi32, #tpu.memory_space<hbm>> -> memref<10000xi32, #tpu.memory_space<hbm>>
    %dma_wait3A_27 = tpu.memref_slice %arg2[%add3A_6] : memref<320000xi32, #tpu.memory_space<hbm>> -> memref<10000xi32, #tpu.memory_space<hbm>>
    tpu.wait_dma2 semaphore(%arg12 : memref<!tpu.dma_semaphore, #tpu.memory_space<semaphore_mem>>) src(%dma_wait3A_27 : memref<10000xi32, #tpu.memory_space<hbm>>) dst(%arg8 : memref<10000xi32, #tpu.memory_space<vmem>>)
    %dma_wait3A_28 = tpu.memref_slice %arg3[%add3A_6] : memref<320000xf32, #tpu.memory_space<hbm>> -> memref<10000xf32, #tpu.memory_space<hbm>>
    %dma_wait3A_29 = tpu.memref_slice %arg3[%add3A_6] : memref<320000xf32, #tpu.memory_space<hbm>> -> memref<10000xf32, #tpu.memory_space<hbm>>
    tpu.wait_dma2 semaphore(%arg12 : memref<!tpu.dma_semaphore, #tpu.memory_space<semaphore_mem>>) src(%dma_wait3A_29 : memref<10000xf32, #tpu.memory_space<hbm>>) dst(%arg10 : memref<10000xf32, #tpu.memory_space<vmem>>)
    %add3A_30 = arith.constant 10000 : i32
    %add3A_31 = arith.addi %mul3A_4, %add3A_30 : i32
    %dma_start3A_32 = tpu.memref_slice %arg2[%add3A_31] : memref<320000xi32, #tpu.memory_space<hbm>> -> memref<10000xi32, #tpu.memory_space<hbm>>
    %dma_start3A_33 = tpu.memref_slice %arg2[%add3A_31] : memref<320000xi32, #tpu.memory_space<hbm>> -> memref<10000xi32, #tpu.memory_space<hbm>>
    tpu.enqueue_dma source(%dma_start3A_33 : memref<10000xi32, #tpu.memory_space<hbm>>) target(%arg9 : memref<10000xi32, #tpu.memory_space<vmem>>) target_semaphore(%arg13 : memref<!tpu.dma_semaphore, #tpu.memory_space<semaphore_mem>>)
    %dma_start3A_34 = tpu.memref_slice %arg3[%add3A_31] : memref<320000xf32, #tpu.memory_space<hbm>> -> memref<10000xf32, #tpu.memory_space<hbm>>
    %dma_start3A_35 = tpu.memref_slice %arg3[%add3A_31] : memref<320000xf32, #tpu.memory_space<hbm>> -> memref<10000xf32, #tpu.memory_space<hbm>>
    tpu.enqueue_dma source(%dma_start3A_35 : memref<10000xf32, #tpu.memory_space<hbm>>) target(%arg11 : memref<10000xf32, #tpu.memory_space<vmem>>) target_semaphore(%arg13 : memref<!tpu.dma_semaphore, #tpu.memory_space<semaphore_mem>>)
    %parallel_loop3A_36 = arith.constant 0 : i32
    %parallel_loop3A_37 = arith.constant 625 : i32
    %parallel_loop3A_38 = arith.constant 1 : i32
    scf.for %parallel_loop3A_124 = %parallel_loop3A_36 to %parallel_loop3A_37 step %parallel_loop3A_38  : i32 {
      %parallel_loop3A_125 = arith.constant 16 : i32
      %parallel_loop3A_126 = arith.muli %parallel_loop3A_124, %parallel_loop3A_125 : i32
      %parallel_loop3A_127 = arith.index_cast %parallel_loop3A_126 : i32 to index
      %parallel_loop3A_128 = tpu.vector_load %arg8[%parallel_loop3A_127] {strides = array<i32>} : memref<10000xi32, #tpu.memory_space<vmem>>, vector<16xi32>,
      %parallel_loop3A_129 = arith.constant 16 : i32
      %parallel_loop3A_130 = arith.muli %parallel_loop3A_124, %parallel_loop3A_129 : i32
      %parallel_loop3A_131 = arith.index_cast %parallel_loop3A_130 : i32 to index
      %parallel_loop3A_132 = tpu.vector_load %arg10[%parallel_loop3A_131] {strides = array<i32>} : memref<10000xf32, #tpu.memory_space<vmem>>, vector<16xf32>,
      %parallel_loop3A_133 = arith.constant 14 : i32
      %parallel_loop3A_134 = vector.broadcast %parallel_loop3A_133 : i32 to vector<16xi32>
      %parallel_loop3A_135 = arith.shrui %parallel_loop3A_128, %parallel_loop3A_134 : vector<16xi32>
      %parallel_loop3A_136 = arith.constant 16383 : i32
      %parallel_loop3A_137 = vector.broadcast %parallel_loop3A_136 : i32 to vector<16xi32>
      %parallel_loop3A_138 = arith.andi %parallel_loop3A_128, %parallel_loop3A_137 : vector<16xi32>
      %parallel_loop3A_139 = arith.constant 0 : i32
      %parallel_loop3A_140 = tpu.memref_slice %arg6[%parallel_loop3A_139] : memref<20480xi32, #tpu.memory_space<vmem>> -> memref<10240xi32, #tpu.memory_space<vmem>>
      %parallel_loop3A_141 = tpu.vector_load_idx %parallel_loop3A_140[%parallel_loop3A_135] : memref<10240xi32, #tpu.memory_space<vmem>>[vector<16xi32>], vector<16xi32>,
      %parallel_loop3A_142 = arith.constant 10240 : i32
      %parallel_loop3A_143 = tpu.memref_slice %arg6[%parallel_loop3A_142] : memref<20480xi32, #tpu.memory_space<vmem>> -> memref<10240xi32, #tpu.memory_space<vmem>>
      %parallel_loop3A_144 = tpu.vector_load_idx %parallel_loop3A_143[%parallel_loop3A_135] : memref<10240xi32, #tpu.memory_space<vmem>>[vector<16xi32>], vector<16xi32>,
      %parallel_loop3A_145 = arith.constant 16 : i32
      %parallel_loop3A_146 = vector.broadcast %parallel_loop3A_145 : i32 to vector<16xi32>
      %parallel_loop3A_147 = arith.shli %parallel_loop3A_141, %parallel_loop3A_146 : vector<16xi32>
      %parallel_loop3A_148 = vector.bitcast %parallel_loop3A_147 : vector<16xi32> to vector<16xf32>
      %parallel_loop3A_149 = arith.andi %parallel_loop3A_141, %broadcast_in_dim3A_25 : vector<16xi32>
      %parallel_loop3A_150 = vector.bitcast %parallel_loop3A_149 : vector<16xi32> to vector<16xf32>
      %parallel_loop3A_151 = arith.constant 16 : i32
      %parallel_loop3A_152 = vector.broadcast %parallel_loop3A_151 : i32 to vector<16xi32>
      %parallel_loop3A_153 = arith.shli %parallel_loop3A_144, %parallel_loop3A_152 : vector<16xi32>
      %parallel_loop3A_154 = vector.bitcast %parallel_loop3A_153 : vector<16xi32> to vector<16xf32>
      %parallel_loop3A_155 = arith.andi %parallel_loop3A_144, %broadcast_in_dim3A_25 : vector<16xi32>
      %parallel_loop3A_156 = vector.bitcast %parallel_loop3A_155 : vector<16xi32> to vector<16xf32>
      %parallel_loop3A_157 = arith.mulf %parallel_loop3A_148, %parallel_loop3A_132 : vector<16xf32>
      %parallel_loop3A_158 = arith.mulf %parallel_loop3A_150, %parallel_loop3A_132 : vector<16xf32>
      %parallel_loop3A_159 = arith.mulf %parallel_loop3A_154, %parallel_loop3A_132 : vector<16xf32>
      %parallel_loop3A_160 = arith.mulf %parallel_loop3A_156, %parallel_loop3A_132 : vector<16xf32>
      %parallel_loop3A_161 = arith.constant 0 : i32
      %parallel_loop3A_162 = tpu.memref_slice %arg7[%parallel_loop3A_161] : memref<40960xf32, #tpu.memory_space<vmem>> -> memref<10240xf32, #tpu.memory_space<vmem>>
      tpu.vector_store_idx %parallel_loop3A_162[%parallel_loop3A_138], %parallel_loop3A_157 {add = true} : memref<10240xf32, #tpu.memory_space<vmem>>[vector<16xi32>], vector<16xf32>,
      %parallel_loop3A_163 = arith.constant 10240 : i32
      %parallel_loop3A_164 = tpu.memref_slice %arg7[%parallel_loop3A_163] : memref<40960xf32, #tpu.memory_space<vmem>> -> memref<10240xf32, #tpu.memory_space<vmem>>
      tpu.vector_store_idx %parallel_loop3A_164[%parallel_loop3A_138], %parallel_loop3A_158 {add = true} : memref<10240xf32, #tpu.memory_space<vmem>>[vector<16xi32>], vector<16xf32>,
      %parallel_loop3A_165 = arith.constant 20480 : i32
      %parallel_loop3A_166 = tpu.memref_slice %arg7[%parallel_loop3A_165] : memref<40960xf32, #tpu.memory_space<vmem>> -> memref<10240xf32, #tpu.memory_space<vmem>>
      tpu.vector_store_idx %parallel_loop3A_166[%parallel_loop3A_138], %parallel_loop3A_159 {add = true} : memref<10240xf32, #tpu.memory_space<vmem>>[vector<16xi32>], vector<16xf32>,
      %parallel_loop3A_167 = arith.constant 30720 : i32
      %parallel_loop3A_168 = tpu.memref_slice %arg7[%parallel_loop3A_167] : memref<40960xf32, #tpu.memory_space<vmem>> -> memref<10240xf32, #tpu.memory_space<vmem>>
      tpu.vector_store_idx %parallel_loop3A_168[%parallel_loop3A_138], %parallel_loop3A_160 {add = true} : memref<10240xf32, #tpu.memory_space<vmem>>[vector<16xi32>], vector<16xf32>,
    } {sc.loop_unroll_factor = 4 : i64, sc.parallel_access}
    %dma_wait3A_39 = tpu.memref_slice %arg2[%add3A_31] : memref<320000xi32, #tpu.memory_space<hbm>> -> memref<10000xi32, #tpu.memory_space<hbm>>
    %dma_wait3A_40 = tpu.memref_slice %arg2[%add3A_31] : memref<320000xi32, #tpu.memory_space<hbm>> -> memref<10000xi32, #tpu.memory_space<hbm>>
    tpu.wait_dma2 semaphore(%arg13 : memref<!tpu.dma_semaphore, #tpu.memory_space<semaphore_mem>>) src(%dma_wait3A_40 : memref<10000xi32, #tpu.memory_space<hbm>>) dst(%arg9 : memref<10000xi32, #tpu.memory_space<vmem>>)
    %dma_wait3A_41 = tpu.memref_slice %arg3[%add3A_31] : memref<320000xf32, #tpu.memory_space<hbm>> -> memref<10000xf32, #tpu.memory_space<hbm>>
    %dma_wait3A_42 = tpu.memref_slice %arg3[%add3A_31] : memref<320000xf32, #tpu.memory_space<hbm>> -> memref<10000xf32, #tpu.memory_space<hbm>>
    tpu.wait_dma2 semaphore(%arg13 : memref<!tpu.dma_semaphore, #tpu.memory_space<semaphore_mem>>) src(%dma_wait3A_42 : memref<10000xf32, #tpu.memory_space<hbm>>) dst(%arg11 : memref<10000xf32, #tpu.memory_space<vmem>>)
    %add3A_43 = arith.constant 20000 : i32
    %add3A_44 = arith.addi %mul3A_4, %add3A_43 : i32
    %dma_start3A_45 = tpu.memref_slice %arg2[%add3A_44] : memref<320000xi32, #tpu.memory_space<hbm>> -> memref<10000xi32, #tpu.memory_space<hbm>>
    %dma_start3A_46 = tpu.memref_slice %arg2[%add3A_44] : memref<320000xi32, #tpu.memory_space<hbm>> -> memref<10000xi32, #tpu.memory_space<hbm>>
    tpu.enqueue_dma source(%dma_start3A_46 : memref<10000xi32, #tpu.memory_space<hbm>>) target(%arg8 : memref<10000xi32, #tpu.memory_space<vmem>>) target_semaphore(%arg12 : memref<!tpu.dma_semaphore, #tpu.memory_space<semaphore_mem>>)
    %dma_start3A_47 = tpu.memref_slice %arg3[%add3A_44] : memref<320000xf32, #tpu.memory_space<hbm>> -> memref<10000xf32, #tpu.memory_space<hbm>>
    %dma_start3A_48 = tpu.memref_slice %arg3[%add3A_44] : memref<320000xf32, #tpu.memory_space<hbm>> -> memref<10000xf32, #tpu.memory_space<hbm>>
    tpu.enqueue_dma source(%dma_start3A_48 : memref<10000xf32, #tpu.memory_space<hbm>>) target(%arg10 : memref<10000xf32, #tpu.memory_space<vmem>>) target_semaphore(%arg12 : memref<!tpu.dma_semaphore, #tpu.memory_space<semaphore_mem>>)
    %parallel_loop3A_49 = arith.constant 0 : i32
    %parallel_loop3A_50 = arith.constant 625 : i32
    %parallel_loop3A_51 = arith.constant 1 : i32
    scf.for %parallel_loop3A_124 = %parallel_loop3A_49 to %parallel_loop3A_50 step %parallel_loop3A_51  : i32 {
      %parallel_loop3A_125 = arith.constant 16 : i32
      %parallel_loop3A_126 = arith.muli %parallel_loop3A_124, %parallel_loop3A_125 : i32
      %parallel_loop3A_127 = arith.index_cast %parallel_loop3A_126 : i32 to index
      %parallel_loop3A_128 = tpu.vector_load %arg9[%parallel_loop3A_127] {strides = array<i32>} : memref<10000xi32, #tpu.memory_space<vmem>>, vector<16xi32>,
      %parallel_loop3A_129 = arith.constant 16 : i32
      %parallel_loop3A_130 = arith.muli %parallel_loop3A_124, %parallel_loop3A_129 : i32
      %parallel_loop3A_131 = arith.index_cast %parallel_loop3A_130 : i32 to index
      %parallel_loop3A_132 = tpu.vector_load %arg11[%parallel_loop3A_131] {strides = array<i32>} : memref<10000xf32, #tpu.memory_space<vmem>>, vector<16xf32>,
      %parallel_loop3A_133 = arith.constant 14 : i32
      %parallel_loop3A_134 = vector.broadcast %parallel_loop3A_133 : i32 to vector<16xi32>
      %parallel_loop3A_135 = arith.shrui %parallel_loop3A_128, %parallel_loop3A_134 : vector<16xi32>
      %parallel_loop3A_136 = arith.constant 16383 : i32
      %parallel_loop3A_137 = vector.broadcast %parallel_loop3A_136 : i32 to vector<16xi32>
      %parallel_loop3A_138 = arith.andi %parallel_loop3A_128, %parallel_loop3A_137 : vector<16xi32>
      %parallel_loop3A_139 = arith.constant 0 : i32
      %parallel_loop3A_140 = tpu.memref_slice %arg6[%parallel_loop3A_139] : memref<20480xi32, #tpu.memory_space<vmem>> -> memref<10240xi32, #tpu.memory_space<vmem>>
      %parallel_loop3A_141 = tpu.vector_load_idx %parallel_loop3A_140[%parallel_loop3A_135] : memref<10240xi32, #tpu.memory_space<vmem>>[vector<16xi32>], vector<16xi32>,
      %parallel_loop3A_142 = arith.constant 10240 : i32
      %parallel_loop3A_143 = tpu.memref_slice %arg6[%parallel_loop3A_142] : memref<20480xi32, #tpu.memory_space<vmem>> -> memref<10240xi32, #tpu.memory_space<vmem>>
      %parallel_loop3A_144 = tpu.vector_load_idx %parallel_loop3A_143[%parallel_loop3A_135] : memref<10240xi32, #tpu.memory_space<vmem>>[vector<16xi32>], vector<16xi32>,
      %parallel_loop3A_145 = arith.constant 16 : i32
      %parallel_loop3A_146 = vector.broadcast %parallel_loop3A_145 : i32 to vector<16xi32>
      %parallel_loop3A_147 = arith.shli %parallel_loop3A_141, %parallel_loop3A_146 : vector<16xi32>
      %parallel_loop3A_148 = vector.bitcast %parallel_loop3A_147 : vector<16xi32> to vector<16xf32>
      %parallel_loop3A_149 = arith.andi %parallel_loop3A_141, %broadcast_in_dim3A_25 : vector<16xi32>
      %parallel_loop3A_150 = vector.bitcast %parallel_loop3A_149 : vector<16xi32> to vector<16xf32>
      %parallel_loop3A_151 = arith.constant 16 : i32
      %parallel_loop3A_152 = vector.broadcast %parallel_loop3A_151 : i32 to vector<16xi32>
      %parallel_loop3A_153 = arith.shli %parallel_loop3A_144, %parallel_loop3A_152 : vector<16xi32>
      %parallel_loop3A_154 = vector.bitcast %parallel_loop3A_153 : vector<16xi32> to vector<16xf32>
      %parallel_loop3A_155 = arith.andi %parallel_loop3A_144, %broadcast_in_dim3A_25 : vector<16xi32>
      %parallel_loop3A_156 = vector.bitcast %parallel_loop3A_155 : vector<16xi32> to vector<16xf32>
      %parallel_loop3A_157 = arith.mulf %parallel_loop3A_148, %parallel_loop3A_132 : vector<16xf32>
      %parallel_loop3A_158 = arith.mulf %parallel_loop3A_150, %parallel_loop3A_132 : vector<16xf32>
      %parallel_loop3A_159 = arith.mulf %parallel_loop3A_154, %parallel_loop3A_132 : vector<16xf32>
      %parallel_loop3A_160 = arith.mulf %parallel_loop3A_156, %parallel_loop3A_132 : vector<16xf32>
      %parallel_loop3A_161 = arith.constant 0 : i32
      %parallel_loop3A_162 = tpu.memref_slice %arg7[%parallel_loop3A_161] : memref<40960xf32, #tpu.memory_space<vmem>> -> memref<10240xf32, #tpu.memory_space<vmem>>
      tpu.vector_store_idx %parallel_loop3A_162[%parallel_loop3A_138], %parallel_loop3A_157 {add = true} : memref<10240xf32, #tpu.memory_space<vmem>>[vector<16xi32>], vector<16xf32>,
      %parallel_loop3A_163 = arith.constant 10240 : i32
      %parallel_loop3A_164 = tpu.memref_slice %arg7[%parallel_loop3A_163] : memref<40960xf32, #tpu.memory_space<vmem>> -> memref<10240xf32, #tpu.memory_space<vmem>>
      tpu.vector_store_idx %parallel_loop3A_164[%parallel_loop3A_138], %parallel_loop3A_158 {add = true} : memref<10240xf32, #tpu.memory_space<vmem>>[vector<16xi32>], vector<16xf32>,
      %parallel_loop3A_165 = arith.constant 20480 : i32
      %parallel_loop3A_166 = tpu.memref_slice %arg7[%parallel_loop3A_165] : memref<40960xf32, #tpu.memory_space<vmem>> -> memref<10240xf32, #tpu.memory_space<vmem>>
      tpu.vector_store_idx %parallel_loop3A_166[%parallel_loop3A_138], %parallel_loop3A_159 {add = true} : memref<10240xf32, #tpu.memory_space<vmem>>[vector<16xi32>], vector<16xf32>,
      %parallel_loop3A_167 = arith.constant 30720 : i32
      %parallel_loop3A_168 = tpu.memref_slice %arg7[%parallel_loop3A_167] : memref<40960xf32, #tpu.memory_space<vmem>> -> memref<10240xf32, #tpu.memory_space<vmem>>
      tpu.vector_store_idx %parallel_loop3A_168[%parallel_loop3A_138], %parallel_loop3A_160 {add = true} : memref<10240xf32, #tpu.memory_space<vmem>>[vector<16xi32>], vector<16xf32>,
    } {sc.loop_unroll_factor = 4 : i64, sc.parallel_access}
    %dma_wait3A_52 = tpu.memref_slice %arg2[%add3A_44] : memref<320000xi32, #tpu.memory_space<hbm>> -> memref<10000xi32, #tpu.memory_space<hbm>>
    %dma_wait3A_53 = tpu.memref_slice %arg2[%add3A_44] : memref<320000xi32, #tpu.memory_space<hbm>> -> memref<10000xi32, #tpu.memory_space<hbm>>
    tpu.wait_dma2 semaphore(%arg12 : memref<!tpu.dma_semaphore, #tpu.memory_space<semaphore_mem>>) src(%dma_wait3A_53 : memref<10000xi32, #tpu.memory_space<hbm>>) dst(%arg8 : memref<10000xi32, #tpu.memory_space<vmem>>)
    %dma_wait3A_54 = tpu.memref_slice %arg3[%add3A_44] : memref<320000xf32, #tpu.memory_space<hbm>> -> memref<10000xf32, #tpu.memory_space<hbm>>
    %dma_wait3A_55 = tpu.memref_slice %arg3[%add3A_44] : memref<320000xf32, #tpu.memory_space<hbm>> -> memref<10000xf32, #tpu.memory_space<hbm>>
    tpu.wait_dma2 semaphore(%arg12 : memref<!tpu.dma_semaphore, #tpu.memory_space<semaphore_mem>>) src(%dma_wait3A_55 : memref<10000xf32, #tpu.memory_space<hbm>>) dst(%arg10 : memref<10000xf32, #tpu.memory_space<vmem>>)
    %add3A_56 = arith.constant 30000 : i32
    %add3A_57 = arith.addi %mul3A_4, %add3A_56 : i32
    %dma_start3A_58 = tpu.memref_slice %arg2[%add3A_57] : memref<320000xi32, #tpu.memory_space<hbm>> -> memref<10000xi32, #tpu.memory_space<hbm>>
    %dma_start3A_59 = tpu.memref_slice %arg2[%add3A_57] : memref<320000xi32, #tpu.memory_space<hbm>> -> memref<10000xi32, #tpu.memory_space<hbm>>
    tpu.enqueue_dma source(%dma_start3A_59 : memref<10000xi32, #tpu.memory_space<hbm>>) target(%arg9 : memref<10000xi32, #tpu.memory_space<vmem>>) target_semaphore(%arg13 : memref<!tpu.dma_semaphore, #tpu.memory_space<semaphore_mem>>)
    %dma_start3A_60 = tpu.memref_slice %arg3[%add3A_57] : memref<320000xf32, #tpu.memory_space<hbm>> -> memref<10000xf32, #tpu.memory_space<hbm>>
    %dma_start3A_61 = tpu.memref_slice %arg3[%add3A_57] : memref<320000xf32, #tpu.memory_space<hbm>> -> memref<10000xf32, #tpu.memory_space<hbm>>
    tpu.enqueue_dma source(%dma_start3A_61 : memref<10000xf32, #tpu.memory_space<hbm>>) target(%arg11 : memref<10000xf32, #tpu.memory_space<vmem>>) target_semaphore(%arg13 : memref<!tpu.dma_semaphore, #tpu.memory_space<semaphore_mem>>)
    %parallel_loop3A_62 = arith.constant 0 : i32
    %parallel_loop3A_63 = arith.constant 625 : i32
    %parallel_loop3A_64 = arith.constant 1 : i32
    scf.for %parallel_loop3A_124 = %parallel_loop3A_62 to %parallel_loop3A_63 step %parallel_loop3A_64  : i32 {
      %parallel_loop3A_125 = arith.constant 16 : i32
      %parallel_loop3A_126 = arith.muli %parallel_loop3A_124, %parallel_loop3A_125 : i32
      %parallel_loop3A_127 = arith.index_cast %parallel_loop3A_126 : i32 to index
      %parallel_loop3A_128 = tpu.vector_load %arg8[%parallel_loop3A_127] {strides = array<i32>} : memref<10000xi32, #tpu.memory_space<vmem>>, vector<16xi32>,
      %parallel_loop3A_129 = arith.constant 16 : i32
      %parallel_loop3A_130 = arith.muli %parallel_loop3A_124, %parallel_loop3A_129 : i32
      %parallel_loop3A_131 = arith.index_cast %parallel_loop3A_130 : i32 to index
      %parallel_loop3A_132 = tpu.vector_load %arg10[%parallel_loop3A_131] {strides = array<i32>} : memref<10000xf32, #tpu.memory_space<vmem>>, vector<16xf32>,
      %parallel_loop3A_133 = arith.constant 14 : i32
      %parallel_loop3A_134 = vector.broadcast %parallel_loop3A_133 : i32 to vector<16xi32>
      %parallel_loop3A_135 = arith.shrui %parallel_loop3A_128, %parallel_loop3A_134 : vector<16xi32>
      %parallel_loop3A_136 = arith.constant 16383 : i32
      %parallel_loop3A_137 = vector.broadcast %parallel_loop3A_136 : i32 to vector<16xi32>
      %parallel_loop3A_138 = arith.andi %parallel_loop3A_128, %parallel_loop3A_137 : vector<16xi32>
      %parallel_loop3A_139 = arith.constant 0 : i32
      %parallel_loop3A_140 = tpu.memref_slice %arg6[%parallel_loop3A_139] : memref<20480xi32, #tpu.memory_space<vmem>> -> memref<10240xi32, #tpu.memory_space<vmem>>
      %parallel_loop3A_141 = tpu.vector_load_idx %parallel_loop3A_140[%parallel_loop3A_135] : memref<10240xi32, #tpu.memory_space<vmem>>[vector<16xi32>], vector<16xi32>,
      %parallel_loop3A_142 = arith.constant 10240 : i32
      %parallel_loop3A_143 = tpu.memref_slice %arg6[%parallel_loop3A_142] : memref<20480xi32, #tpu.memory_space<vmem>> -> memref<10240xi32, #tpu.memory_space<vmem>>
      %parallel_loop3A_144 = tpu.vector_load_idx %parallel_loop3A_143[%parallel_loop3A_135] : memref<10240xi32, #tpu.memory_space<vmem>>[vector<16xi32>], vector<16xi32>,
      %parallel_loop3A_145 = arith.constant 16 : i32
      %parallel_loop3A_146 = vector.broadcast %parallel_loop3A_145 : i32 to vector<16xi32>
      %parallel_loop3A_147 = arith.shli %parallel_loop3A_141, %parallel_loop3A_146 : vector<16xi32>
      %parallel_loop3A_148 = vector.bitcast %parallel_loop3A_147 : vector<16xi32> to vector<16xf32>
      %parallel_loop3A_149 = arith.andi %parallel_loop3A_141, %broadcast_in_dim3A_25 : vector<16xi32>
      %parallel_loop3A_150 = vector.bitcast %parallel_loop3A_149 : vector<16xi32> to vector<16xf32>
      %parallel_loop3A_151 = arith.constant 16 : i32
      %parallel_loop3A_152 = vector.broadcast %parallel_loop3A_151 : i32 to vector<16xi32>
      %parallel_loop3A_153 = arith.shli %parallel_loop3A_144, %parallel_loop3A_152 : vector<16xi32>
      %parallel_loop3A_154 = vector.bitcast %parallel_loop3A_153 : vector<16xi32> to vector<16xf32>
      %parallel_loop3A_155 = arith.andi %parallel_loop3A_144, %broadcast_in_dim3A_25 : vector<16xi32>
      %parallel_loop3A_156 = vector.bitcast %parallel_loop3A_155 : vector<16xi32> to vector<16xf32>
      %parallel_loop3A_157 = arith.mulf %parallel_loop3A_148, %parallel_loop3A_132 : vector<16xf32>
      %parallel_loop3A_158 = arith.mulf %parallel_loop3A_150, %parallel_loop3A_132 : vector<16xf32>
      %parallel_loop3A_159 = arith.mulf %parallel_loop3A_154, %parallel_loop3A_132 : vector<16xf32>
      %parallel_loop3A_160 = arith.mulf %parallel_loop3A_156, %parallel_loop3A_132 : vector<16xf32>
      %parallel_loop3A_161 = arith.constant 0 : i32
      %parallel_loop3A_162 = tpu.memref_slice %arg7[%parallel_loop3A_161] : memref<40960xf32, #tpu.memory_space<vmem>> -> memref<10240xf32, #tpu.memory_space<vmem>>
      tpu.vector_store_idx %parallel_loop3A_162[%parallel_loop3A_138], %parallel_loop3A_157 {add = true} : memref<10240xf32, #tpu.memory_space<vmem>>[vector<16xi32>], vector<16xf32>,
      %parallel_loop3A_163 = arith.constant 10240 : i32
      %parallel_loop3A_164 = tpu.memref_slice %arg7[%parallel_loop3A_163] : memref<40960xf32, #tpu.memory_space<vmem>> -> memref<10240xf32, #tpu.memory_space<vmem>>
      tpu.vector_store_idx %parallel_loop3A_164[%parallel_loop3A_138], %parallel_loop3A_158 {add = true} : memref<10240xf32, #tpu.memory_space<vmem>>[vector<16xi32>], vector<16xf32>,
      %parallel_loop3A_165 = arith.constant 20480 : i32
      %parallel_loop3A_166 = tpu.memref_slice %arg7[%parallel_loop3A_165] : memref<40960xf32, #tpu.memory_space<vmem>> -> memref<10240xf32, #tpu.memory_space<vmem>>
      tpu.vector_store_idx %parallel_loop3A_166[%parallel_loop3A_138], %parallel_loop3A_159 {add = true} : memref<10240xf32, #tpu.memory_space<vmem>>[vector<16xi32>], vector<16xf32>,
      %parallel_loop3A_167 = arith.constant 30720 : i32
      %parallel_loop3A_168 = tpu.memref_slice %arg7[%parallel_loop3A_167] : memref<40960xf32, #tpu.memory_space<vmem>> -> memref<10240xf32, #tpu.memory_space<vmem>>
      tpu.vector_store_idx %parallel_loop3A_168[%parallel_loop3A_138], %parallel_loop3A_160 {add = true} : memref<10240xf32, #tpu.memory_space<vmem>>[vector<16xi32>], vector<16xf32>,
    } {sc.loop_unroll_factor = 4 : i64, sc.parallel_access}
    %dma_wait3A_65 = tpu.memref_slice %arg2[%add3A_57] : memref<320000xi32, #tpu.memory_space<hbm>> -> memref<10000xi32, #tpu.memory_space<hbm>>
    %dma_wait3A_66 = tpu.memref_slice %arg2[%add3A_57] : memref<320000xi32, #tpu.memory_space<hbm>> -> memref<10000xi32, #tpu.memory_space<hbm>>
    tpu.wait_dma2 semaphore(%arg13 : memref<!tpu.dma_semaphore, #tpu.memory_space<semaphore_mem>>) src(%dma_wait3A_66 : memref<10000xi32, #tpu.memory_space<hbm>>) dst(%arg9 : memref<10000xi32, #tpu.memory_space<vmem>>)
    %dma_wait3A_67 = tpu.memref_slice %arg3[%add3A_57] : memref<320000xf32, #tpu.memory_space<hbm>> -> memref<10000xf32, #tpu.memory_space<hbm>>
    %dma_wait3A_68 = tpu.memref_slice %arg3[%add3A_57] : memref<320000xf32, #tpu.memory_space<hbm>> -> memref<10000xf32, #tpu.memory_space<hbm>>
    tpu.wait_dma2 semaphore(%arg13 : memref<!tpu.dma_semaphore, #tpu.memory_space<semaphore_mem>>) src(%dma_wait3A_68 : memref<10000xf32, #tpu.memory_space<hbm>>) dst(%arg11 : memref<10000xf32, #tpu.memory_space<vmem>>)
    %add3A_69 = arith.constant 40000 : i32
    %add3A_70 = arith.addi %mul3A_4, %add3A_69 : i32
    %dma_start3A_71 = tpu.memref_slice %arg2[%add3A_70] : memref<320000xi32, #tpu.memory_space<hbm>> -> memref<10000xi32, #tpu.memory_space<hbm>>
    %dma_start3A_72 = tpu.memref_slice %arg2[%add3A_70] : memref<320000xi32, #tpu.memory_space<hbm>> -> memref<10000xi32, #tpu.memory_space<hbm>>
    tpu.enqueue_dma source(%dma_start3A_72 : memref<10000xi32, #tpu.memory_space<hbm>>) target(%arg8 : memref<10000xi32, #tpu.memory_space<vmem>>) target_semaphore(%arg12 : memref<!tpu.dma_semaphore, #tpu.memory_space<semaphore_mem>>)
    %dma_start3A_73 = tpu.memref_slice %arg3[%add3A_70] : memref<320000xf32, #tpu.memory_space<hbm>> -> memref<10000xf32, #tpu.memory_space<hbm>>
    %dma_start3A_74 = tpu.memref_slice %arg3[%add3A_70] : memref<320000xf32, #tpu.memory_space<hbm>> -> memref<10000xf32, #tpu.memory_space<hbm>>
    tpu.enqueue_dma source(%dma_start3A_74 : memref<10000xf32, #tpu.memory_space<hbm>>) target(%arg10 : memref<10000xf32, #tpu.memory_space<vmem>>) target_semaphore(%arg12 : memref<!tpu.dma_semaphore, #tpu.memory_space<semaphore_mem>>)
    %parallel_loop3A_75 = arith.constant 0 : i32
    %parallel_loop3A_76 = arith.constant 625 : i32
    %parallel_loop3A_77 = arith.constant 1 : i32
    scf.for %parallel_loop3A_124 = %parallel_loop3A_75 to %parallel_loop3A_76 step %parallel_loop3A_77  : i32 {
      %parallel_loop3A_125 = arith.constant 16 : i32
      %parallel_loop3A_126 = arith.muli %parallel_loop3A_124, %parallel_loop3A_125 : i32
      %parallel_loop3A_127 = arith.index_cast %parallel_loop3A_126 : i32 to index
      %parallel_loop3A_128 = tpu.vector_load %arg9[%parallel_loop3A_127] {strides = array<i32>} : memref<10000xi32, #tpu.memory_space<vmem>>, vector<16xi32>,
      %parallel_loop3A_129 = arith.constant 16 : i32
      %parallel_loop3A_130 = arith.muli %parallel_loop3A_124, %parallel_loop3A_129 : i32
      %parallel_loop3A_131 = arith.index_cast %parallel_loop3A_130 : i32 to index
      %parallel_loop3A_132 = tpu.vector_load %arg11[%parallel_loop3A_131] {strides = array<i32>} : memref<10000xf32, #tpu.memory_space<vmem>>, vector<16xf32>,
      %parallel_loop3A_133 = arith.constant 14 : i32
      %parallel_loop3A_134 = vector.broadcast %parallel_loop3A_133 : i32 to vector<16xi32>
      %parallel_loop3A_135 = arith.shrui %parallel_loop3A_128, %parallel_loop3A_134 : vector<16xi32>
      %parallel_loop3A_136 = arith.constant 16383 : i32
      %parallel_loop3A_137 = vector.broadcast %parallel_loop3A_136 : i32 to vector<16xi32>
      %parallel_loop3A_138 = arith.andi %parallel_loop3A_128, %parallel_loop3A_137 : vector<16xi32>
      %parallel_loop3A_139 = arith.constant 0 : i32
      %parallel_loop3A_140 = tpu.memref_slice %arg6[%parallel_loop3A_139] : memref<20480xi32, #tpu.memory_space<vmem>> -> memref<10240xi32, #tpu.memory_space<vmem>>
      %parallel_loop3A_141 = tpu.vector_load_idx %parallel_loop3A_140[%parallel_loop3A_135] : memref<10240xi32, #tpu.memory_space<vmem>>[vector<16xi32>], vector<16xi32>,
      %parallel_loop3A_142 = arith.constant 10240 : i32
      %parallel_loop3A_143 = tpu.memref_slice %arg6[%parallel_loop3A_142] : memref<20480xi32, #tpu.memory_space<vmem>> -> memref<10240xi32, #tpu.memory_space<vmem>>
      %parallel_loop3A_144 = tpu.vector_load_idx %parallel_loop3A_143[%parallel_loop3A_135] : memref<10240xi32, #tpu.memory_space<vmem>>[vector<16xi32>], vector<16xi32>,
      %parallel_loop3A_145 = arith.constant 16 : i32
      %parallel_loop3A_146 = vector.broadcast %parallel_loop3A_145 : i32 to vector<16xi32>
      %parallel_loop3A_147 = arith.shli %parallel_loop3A_141, %parallel_loop3A_146 : vector<16xi32>
      %parallel_loop3A_148 = vector.bitcast %parallel_loop3A_147 : vector<16xi32> to vector<16xf32>
      %parallel_loop3A_149 = arith.andi %parallel_loop3A_141, %broadcast_in_dim3A_25 : vector<16xi32>
      %parallel_loop3A_150 = vector.bitcast %parallel_loop3A_149 : vector<16xi32> to vector<16xf32>
      %parallel_loop3A_151 = arith.constant 16 : i32
      %parallel_loop3A_152 = vector.broadcast %parallel_loop3A_151 : i32 to vector<16xi32>
      %parallel_loop3A_153 = arith.shli %parallel_loop3A_144, %parallel_loop3A_152 : vector<16xi32>
      %parallel_loop3A_154 = vector.bitcast %parallel_loop3A_153 : vector<16xi32> to vector<16xf32>
      %parallel_loop3A_155 = arith.andi %parallel_loop3A_144, %broadcast_in_dim3A_25 : vector<16xi32>
      %parallel_loop3A_156 = vector.bitcast %parallel_loop3A_155 : vector<16xi32> to vector<16xf32>
      %parallel_loop3A_157 = arith.mulf %parallel_loop3A_148, %parallel_loop3A_132 : vector<16xf32>
      %parallel_loop3A_158 = arith.mulf %parallel_loop3A_150, %parallel_loop3A_132 : vector<16xf32>
      %parallel_loop3A_159 = arith.mulf %parallel_loop3A_154, %parallel_loop3A_132 : vector<16xf32>
      %parallel_loop3A_160 = arith.mulf %parallel_loop3A_156, %parallel_loop3A_132 : vector<16xf32>
      %parallel_loop3A_161 = arith.constant 0 : i32
      %parallel_loop3A_162 = tpu.memref_slice %arg7[%parallel_loop3A_161] : memref<40960xf32, #tpu.memory_space<vmem>> -> memref<10240xf32, #tpu.memory_space<vmem>>
      tpu.vector_store_idx %parallel_loop3A_162[%parallel_loop3A_138], %parallel_loop3A_157 {add = true} : memref<10240xf32, #tpu.memory_space<vmem>>[vector<16xi32>], vector<16xf32>,
      %parallel_loop3A_163 = arith.constant 10240 : i32
      %parallel_loop3A_164 = tpu.memref_slice %arg7[%parallel_loop3A_163] : memref<40960xf32, #tpu.memory_space<vmem>> -> memref<10240xf32, #tpu.memory_space<vmem>>
      tpu.vector_store_idx %parallel_loop3A_164[%parallel_loop3A_138], %parallel_loop3A_158 {add = true} : memref<10240xf32, #tpu.memory_space<vmem>>[vector<16xi32>], vector<16xf32>,
      %parallel_loop3A_165 = arith.constant 20480 : i32
      %parallel_loop3A_166 = tpu.memref_slice %arg7[%parallel_loop3A_165] : memref<40960xf32, #tpu.memory_space<vmem>> -> memref<10240xf32, #tpu.memory_space<vmem>>
      tpu.vector_store_idx %parallel_loop3A_166[%parallel_loop3A_138], %parallel_loop3A_159 {add = true} : memref<10240xf32, #tpu.memory_space<vmem>>[vector<16xi32>], vector<16xf32>,
      %parallel_loop3A_167 = arith.constant 30720 : i32
      %parallel_loop3A_168 = tpu.memref_slice %arg7[%parallel_loop3A_167] : memref<40960xf32, #tpu.memory_space<vmem>> -> memref<10240xf32, #tpu.memory_space<vmem>>
      tpu.vector_store_idx %parallel_loop3A_168[%parallel_loop3A_138], %parallel_loop3A_160 {add = true} : memref<10240xf32, #tpu.memory_space<vmem>>[vector<16xi32>], vector<16xf32>,
    } {sc.loop_unroll_factor = 4 : i64, sc.parallel_access}
    %dma_wait3A_78 = tpu.memref_slice %arg2[%add3A_70] : memref<320000xi32, #tpu.memory_space<hbm>> -> memref<10000xi32, #tpu.memory_space<hbm>>
    %dma_wait3A_79 = tpu.memref_slice %arg2[%add3A_70] : memref<320000xi32, #tpu.memory_space<hbm>> -> memref<10000xi32, #tpu.memory_space<hbm>>
    tpu.wait_dma2 semaphore(%arg12 : memref<!tpu.dma_semaphore, #tpu.memory_space<semaphore_mem>>) src(%dma_wait3A_79 : memref<10000xi32, #tpu.memory_space<hbm>>) dst(%arg8 : memref<10000xi32, #tpu.memory_space<vmem>>)
    %dma_wait3A_80 = tpu.memref_slice %arg3[%add3A_70] : memref<320000xf32, #tpu.memory_space<hbm>> -> memref<10000xf32, #tpu.memory_space<hbm>>
    %dma_wait3A_81 = tpu.memref_slice %arg3[%add3A_70] : memref<320000xf32, #tpu.memory_space<hbm>> -> memref<10000xf32, #tpu.memory_space<hbm>>
    tpu.wait_dma2 semaphore(%arg12 : memref<!tpu.dma_semaphore, #tpu.memory_space<semaphore_mem>>) src(%dma_wait3A_81 : memref<10000xf32, #tpu.memory_space<hbm>>) dst(%arg10 : memref<10000xf32, #tpu.memory_space<vmem>>)
    %add3A_82 = arith.constant 50000 : i32
    %add3A_83 = arith.addi %mul3A_4, %add3A_82 : i32
    %dma_start3A_84 = tpu.memref_slice %arg2[%add3A_83] : memref<320000xi32, #tpu.memory_space<hbm>> -> memref<10000xi32, #tpu.memory_space<hbm>>
    %dma_start3A_85 = tpu.memref_slice %arg2[%add3A_83] : memref<320000xi32, #tpu.memory_space<hbm>> -> memref<10000xi32, #tpu.memory_space<hbm>>
    tpu.enqueue_dma source(%dma_start3A_85 : memref<10000xi32, #tpu.memory_space<hbm>>) target(%arg9 : memref<10000xi32, #tpu.memory_space<vmem>>) target_semaphore(%arg13 : memref<!tpu.dma_semaphore, #tpu.memory_space<semaphore_mem>>)
    %dma_start3A_86 = tpu.memref_slice %arg3[%add3A_83] : memref<320000xf32, #tpu.memory_space<hbm>> -> memref<10000xf32, #tpu.memory_space<hbm>>
    %dma_start3A_87 = tpu.memref_slice %arg3[%add3A_83] : memref<320000xf32, #tpu.memory_space<hbm>> -> memref<10000xf32, #tpu.memory_space<hbm>>
    tpu.enqueue_dma source(%dma_start3A_87 : memref<10000xf32, #tpu.memory_space<hbm>>) target(%arg11 : memref<10000xf32, #tpu.memory_space<vmem>>) target_semaphore(%arg13 : memref<!tpu.dma_semaphore, #tpu.memory_space<semaphore_mem>>)
    %parallel_loop3A_88 = arith.constant 0 : i32
    %parallel_loop3A_89 = arith.constant 625 : i32
    %parallel_loop3A_90 = arith.constant 1 : i32
    scf.for %parallel_loop3A_124 = %parallel_loop3A_88 to %parallel_loop3A_89 step %parallel_loop3A_90  : i32 {
      %parallel_loop3A_125 = arith.constant 16 : i32
      %parallel_loop3A_126 = arith.muli %parallel_loop3A_124, %parallel_loop3A_125 : i32
      %parallel_loop3A_127 = arith.index_cast %parallel_loop3A_126 : i32 to index
      %parallel_loop3A_128 = tpu.vector_load %arg8[%parallel_loop3A_127] {strides = array<i32>} : memref<10000xi32, #tpu.memory_space<vmem>>, vector<16xi32>,
      %parallel_loop3A_129 = arith.constant 16 : i32
      %parallel_loop3A_130 = arith.muli %parallel_loop3A_124, %parallel_loop3A_129 : i32
      %parallel_loop3A_131 = arith.index_cast %parallel_loop3A_130 : i32 to index
      %parallel_loop3A_132 = tpu.vector_load %arg10[%parallel_loop3A_131] {strides = array<i32>} : memref<10000xf32, #tpu.memory_space<vmem>>, vector<16xf32>,
      %parallel_loop3A_133 = arith.constant 14 : i32
      %parallel_loop3A_134 = vector.broadcast %parallel_loop3A_133 : i32 to vector<16xi32>
      %parallel_loop3A_135 = arith.shrui %parallel_loop3A_128, %parallel_loop3A_134 : vector<16xi32>
      %parallel_loop3A_136 = arith.constant 16383 : i32
      %parallel_loop3A_137 = vector.broadcast %parallel_loop3A_136 : i32 to vector<16xi32>
      %parallel_loop3A_138 = arith.andi %parallel_loop3A_128, %parallel_loop3A_137 : vector<16xi32>
      %parallel_loop3A_139 = arith.constant 0 : i32
      %parallel_loop3A_140 = tpu.memref_slice %arg6[%parallel_loop3A_139] : memref<20480xi32, #tpu.memory_space<vmem>> -> memref<10240xi32, #tpu.memory_space<vmem>>
      %parallel_loop3A_141 = tpu.vector_load_idx %parallel_loop3A_140[%parallel_loop3A_135] : memref<10240xi32, #tpu.memory_space<vmem>>[vector<16xi32>], vector<16xi32>,
      %parallel_loop3A_142 = arith.constant 10240 : i32
      %parallel_loop3A_143 = tpu.memref_slice %arg6[%parallel_loop3A_142] : memref<20480xi32, #tpu.memory_space<vmem>> -> memref<10240xi32, #tpu.memory_space<vmem>>
      %parallel_loop3A_144 = tpu.vector_load_idx %parallel_loop3A_143[%parallel_loop3A_135] : memref<10240xi32, #tpu.memory_space<vmem>>[vector<16xi32>], vector<16xi32>,
      %parallel_loop3A_145 = arith.constant 16 : i32
      %parallel_loop3A_146 = vector.broadcast %parallel_loop3A_145 : i32 to vector<16xi32>
      %parallel_loop3A_147 = arith.shli %parallel_loop3A_141, %parallel_loop3A_146 : vector<16xi32>
      %parallel_loop3A_148 = vector.bitcast %parallel_loop3A_147 : vector<16xi32> to vector<16xf32>
      %parallel_loop3A_149 = arith.andi %parallel_loop3A_141, %broadcast_in_dim3A_25 : vector<16xi32>
      %parallel_loop3A_150 = vector.bitcast %parallel_loop3A_149 : vector<16xi32> to vector<16xf32>
      %parallel_loop3A_151 = arith.constant 16 : i32
      %parallel_loop3A_152 = vector.broadcast %parallel_loop3A_151 : i32 to vector<16xi32>
      %parallel_loop3A_153 = arith.shli %parallel_loop3A_144, %parallel_loop3A_152 : vector<16xi32>
      %parallel_loop3A_154 = vector.bitcast %parallel_loop3A_153 : vector<16xi32> to vector<16xf32>
      %parallel_loop3A_155 = arith.andi %parallel_loop3A_144, %broadcast_in_dim3A_25 : vector<16xi32>
      %parallel_loop3A_156 = vector.bitcast %parallel_loop3A_155 : vector<16xi32> to vector<16xf32>
      %parallel_loop3A_157 = arith.mulf %parallel_loop3A_148, %parallel_loop3A_132 : vector<16xf32>
      %parallel_loop3A_158 = arith.mulf %parallel_loop3A_150, %parallel_loop3A_132 : vector<16xf32>
      %parallel_loop3A_159 = arith.mulf %parallel_loop3A_154, %parallel_loop3A_132 : vector<16xf32>
      %parallel_loop3A_160 = arith.mulf %parallel_loop3A_156, %parallel_loop3A_132 : vector<16xf32>
      %parallel_loop3A_161 = arith.constant 0 : i32
      %parallel_loop3A_162 = tpu.memref_slice %arg7[%parallel_loop3A_161] : memref<40960xf32, #tpu.memory_space<vmem>> -> memref<10240xf32, #tpu.memory_space<vmem>>
      tpu.vector_store_idx %parallel_loop3A_162[%parallel_loop3A_138], %parallel_loop3A_157 {add = true} : memref<10240xf32, #tpu.memory_space<vmem>>[vector<16xi32>], vector<16xf32>,
      %parallel_loop3A_163 = arith.constant 10240 : i32
      %parallel_loop3A_164 = tpu.memref_slice %arg7[%parallel_loop3A_163] : memref<40960xf32, #tpu.memory_space<vmem>> -> memref<10240xf32, #tpu.memory_space<vmem>>
      tpu.vector_store_idx %parallel_loop3A_164[%parallel_loop3A_138], %parallel_loop3A_158 {add = true} : memref<10240xf32, #tpu.memory_space<vmem>>[vector<16xi32>], vector<16xf32>,
      %parallel_loop3A_165 = arith.constant 20480 : i32
      %parallel_loop3A_166 = tpu.memref_slice %arg7[%parallel_loop3A_165] : memref<40960xf32, #tpu.memory_space<vmem>> -> memref<10240xf32, #tpu.memory_space<vmem>>
      tpu.vector_store_idx %parallel_loop3A_166[%parallel_loop3A_138], %parallel_loop3A_159 {add = true} : memref<10240xf32, #tpu.memory_space<vmem>>[vector<16xi32>], vector<16xf32>,
      %parallel_loop3A_167 = arith.constant 30720 : i32
      %parallel_loop3A_168 = tpu.memref_slice %arg7[%parallel_loop3A_167] : memref<40960xf32, #tpu.memory_space<vmem>> -> memref<10240xf32, #tpu.memory_space<vmem>>
      tpu.vector_store_idx %parallel_loop3A_168[%parallel_loop3A_138], %parallel_loop3A_160 {add = true} : memref<10240xf32, #tpu.memory_space<vmem>>[vector<16xi32>], vector<16xf32>,
    } {sc.loop_unroll_factor = 4 : i64, sc.parallel_access}
    %dma_wait3A_91 = tpu.memref_slice %arg2[%add3A_83] : memref<320000xi32, #tpu.memory_space<hbm>> -> memref<10000xi32, #tpu.memory_space<hbm>>
    %dma_wait3A_92 = tpu.memref_slice %arg2[%add3A_83] : memref<320000xi32, #tpu.memory_space<hbm>> -> memref<10000xi32, #tpu.memory_space<hbm>>
    tpu.wait_dma2 semaphore(%arg13 : memref<!tpu.dma_semaphore, #tpu.memory_space<semaphore_mem>>) src(%dma_wait3A_92 : memref<10000xi32, #tpu.memory_space<hbm>>) dst(%arg9 : memref<10000xi32, #tpu.memory_space<vmem>>)
    %dma_wait3A_93 = tpu.memref_slice %arg3[%add3A_83] : memref<320000xf32, #tpu.memory_space<hbm>> -> memref<10000xf32, #tpu.memory_space<hbm>>
    %dma_wait3A_94 = tpu.memref_slice %arg3[%add3A_83] : memref<320000xf32, #tpu.memory_space<hbm>> -> memref<10000xf32, #tpu.memory_space<hbm>>
    tpu.wait_dma2 semaphore(%arg13 : memref<!tpu.dma_semaphore, #tpu.memory_space<semaphore_mem>>) src(%dma_wait3A_94 : memref<10000xf32, #tpu.memory_space<hbm>>) dst(%arg11 : memref<10000xf32, #tpu.memory_space<vmem>>)
    %add3A_95 = arith.constant 60000 : i32
    %add3A_96 = arith.addi %mul3A_4, %add3A_95 : i32
    %dma_start3A_97 = tpu.memref_slice %arg2[%add3A_96] : memref<320000xi32, #tpu.memory_space<hbm>> -> memref<10000xi32, #tpu.memory_space<hbm>>
    %dma_start3A_98 = tpu.memref_slice %arg2[%add3A_96] : memref<320000xi32, #tpu.memory_space<hbm>> -> memref<10000xi32, #tpu.memory_space<hbm>>
    tpu.enqueue_dma source(%dma_start3A_98 : memref<10000xi32, #tpu.memory_space<hbm>>) target(%arg8 : memref<10000xi32, #tpu.memory_space<vmem>>) target_semaphore(%arg12 : memref<!tpu.dma_semaphore, #tpu.memory_space<semaphore_mem>>)
    %dma_start3A_99 = tpu.memref_slice %arg3[%add3A_96] : memref<320000xf32, #tpu.memory_space<hbm>> -> memref<10000xf32, #tpu.memory_space<hbm>>
    %dma_start3A_100 = tpu.memref_slice %arg3[%add3A_96] : memref<320000xf32, #tpu.memory_space<hbm>> -> memref<10000xf32, #tpu.memory_space<hbm>>
    tpu.enqueue_dma source(%dma_start3A_100 : memref<10000xf32, #tpu.memory_space<hbm>>) target(%arg10 : memref<10000xf32, #tpu.memory_space<vmem>>) target_semaphore(%arg12 : memref<!tpu.dma_semaphore, #tpu.memory_space<semaphore_mem>>)
    %parallel_loop3A_101 = arith.constant 0 : i32
    %parallel_loop3A_102 = arith.constant 625 : i32
    %parallel_loop3A_103 = arith.constant 1 : i32
    scf.for %parallel_loop3A_124 = %parallel_loop3A_101 to %parallel_loop3A_102 step %parallel_loop3A_103  : i32 {
      %parallel_loop3A_125 = arith.constant 16 : i32
      %parallel_loop3A_126 = arith.muli %parallel_loop3A_124, %parallel_loop3A_125 : i32
      %parallel_loop3A_127 = arith.index_cast %parallel_loop3A_126 : i32 to index
      %parallel_loop3A_128 = tpu.vector_load %arg9[%parallel_loop3A_127] {strides = array<i32>} : memref<10000xi32, #tpu.memory_space<vmem>>, vector<16xi32>,
      %parallel_loop3A_129 = arith.constant 16 : i32
      %parallel_loop3A_130 = arith.muli %parallel_loop3A_124, %parallel_loop3A_129 : i32
      %parallel_loop3A_131 = arith.index_cast %parallel_loop3A_130 : i32 to index
      %parallel_loop3A_132 = tpu.vector_load %arg11[%parallel_loop3A_131] {strides = array<i32>} : memref<10000xf32, #tpu.memory_space<vmem>>, vector<16xf32>,
      %parallel_loop3A_133 = arith.constant 14 : i32
      %parallel_loop3A_134 = vector.broadcast %parallel_loop3A_133 : i32 to vector<16xi32>
      %parallel_loop3A_135 = arith.shrui %parallel_loop3A_128, %parallel_loop3A_134 : vector<16xi32>
      %parallel_loop3A_136 = arith.constant 16383 : i32
      %parallel_loop3A_137 = vector.broadcast %parallel_loop3A_136 : i32 to vector<16xi32>
      %parallel_loop3A_138 = arith.andi %parallel_loop3A_128, %parallel_loop3A_137 : vector<16xi32>
      %parallel_loop3A_139 = arith.constant 0 : i32
      %parallel_loop3A_140 = tpu.memref_slice %arg6[%parallel_loop3A_139] : memref<20480xi32, #tpu.memory_space<vmem>> -> memref<10240xi32, #tpu.memory_space<vmem>>
      %parallel_loop3A_141 = tpu.vector_load_idx %parallel_loop3A_140[%parallel_loop3A_135] : memref<10240xi32, #tpu.memory_space<vmem>>[vector<16xi32>], vector<16xi32>,
      %parallel_loop3A_142 = arith.constant 10240 : i32
      %parallel_loop3A_143 = tpu.memref_slice %arg6[%parallel_loop3A_142] : memref<20480xi32, #tpu.memory_space<vmem>> -> memref<10240xi32, #tpu.memory_space<vmem>>
      %parallel_loop3A_144 = tpu.vector_load_idx %parallel_loop3A_143[%parallel_loop3A_135] : memref<10240xi32, #tpu.memory_space<vmem>>[vector<16xi32>], vector<16xi32>,
      %parallel_loop3A_145 = arith.constant 16 : i32
      %parallel_loop3A_146 = vector.broadcast %parallel_loop3A_145 : i32 to vector<16xi32>
      %parallel_loop3A_147 = arith.shli %parallel_loop3A_141, %parallel_loop3A_146 : vector<16xi32>
      %parallel_loop3A_148 = vector.bitcast %parallel_loop3A_147 : vector<16xi32> to vector<16xf32>
      %parallel_loop3A_149 = arith.andi %parallel_loop3A_141, %broadcast_in_dim3A_25 : vector<16xi32>
      %parallel_loop3A_150 = vector.bitcast %parallel_loop3A_149 : vector<16xi32> to vector<16xf32>
      %parallel_loop3A_151 = arith.constant 16 : i32
      %parallel_loop3A_152 = vector.broadcast %parallel_loop3A_151 : i32 to vector<16xi32>
      %parallel_loop3A_153 = arith.shli %parallel_loop3A_144, %parallel_loop3A_152 : vector<16xi32>
      %parallel_loop3A_154 = vector.bitcast %parallel_loop3A_153 : vector<16xi32> to vector<16xf32>
      %parallel_loop3A_155 = arith.andi %parallel_loop3A_144, %broadcast_in_dim3A_25 : vector<16xi32>
      %parallel_loop3A_156 = vector.bitcast %parallel_loop3A_155 : vector<16xi32> to vector<16xf32>
      %parallel_loop3A_157 = arith.mulf %parallel_loop3A_148, %parallel_loop3A_132 : vector<16xf32>
      %parallel_loop3A_158 = arith.mulf %parallel_loop3A_150, %parallel_loop3A_132 : vector<16xf32>
      %parallel_loop3A_159 = arith.mulf %parallel_loop3A_154, %parallel_loop3A_132 : vector<16xf32>
      %parallel_loop3A_160 = arith.mulf %parallel_loop3A_156, %parallel_loop3A_132 : vector<16xf32>
      %parallel_loop3A_161 = arith.constant 0 : i32
      %parallel_loop3A_162 = tpu.memref_slice %arg7[%parallel_loop3A_161] : memref<40960xf32, #tpu.memory_space<vmem>> -> memref<10240xf32, #tpu.memory_space<vmem>>
      tpu.vector_store_idx %parallel_loop3A_162[%parallel_loop3A_138], %parallel_loop3A_157 {add = true} : memref<10240xf32, #tpu.memory_space<vmem>>[vector<16xi32>], vector<16xf32>,
      %parallel_loop3A_163 = arith.constant 10240 : i32
      %parallel_loop3A_164 = tpu.memref_slice %arg7[%parallel_loop3A_163] : memref<40960xf32, #tpu.memory_space<vmem>> -> memref<10240xf32, #tpu.memory_space<vmem>>
      tpu.vector_store_idx %parallel_loop3A_164[%parallel_loop3A_138], %parallel_loop3A_158 {add = true} : memref<10240xf32, #tpu.memory_space<vmem>>[vector<16xi32>], vector<16xf32>,
      %parallel_loop3A_165 = arith.constant 20480 : i32
      %parallel_loop3A_166 = tpu.memref_slice %arg7[%parallel_loop3A_165] : memref<40960xf32, #tpu.memory_space<vmem>> -> memref<10240xf32, #tpu.memory_space<vmem>>
      tpu.vector_store_idx %parallel_loop3A_166[%parallel_loop3A_138], %parallel_loop3A_159 {add = true} : memref<10240xf32, #tpu.memory_space<vmem>>[vector<16xi32>], vector<16xf32>,
      %parallel_loop3A_167 = arith.constant 30720 : i32
      %parallel_loop3A_168 = tpu.memref_slice %arg7[%parallel_loop3A_167] : memref<40960xf32, #tpu.memory_space<vmem>> -> memref<10240xf32, #tpu.memory_space<vmem>>
      tpu.vector_store_idx %parallel_loop3A_168[%parallel_loop3A_138], %parallel_loop3A_160 {add = true} : memref<10240xf32, #tpu.memory_space<vmem>>[vector<16xi32>], vector<16xf32>,
    } {sc.loop_unroll_factor = 4 : i64, sc.parallel_access}
    %dma_wait3A_104 = tpu.memref_slice %arg2[%add3A_96] : memref<320000xi32, #tpu.memory_space<hbm>> -> memref<10000xi32, #tpu.memory_space<hbm>>
    %dma_wait3A_105 = tpu.memref_slice %arg2[%add3A_96] : memref<320000xi32, #tpu.memory_space<hbm>> -> memref<10000xi32, #tpu.memory_space<hbm>>
    tpu.wait_dma2 semaphore(%arg12 : memref<!tpu.dma_semaphore, #tpu.memory_space<semaphore_mem>>) src(%dma_wait3A_105 : memref<10000xi32, #tpu.memory_space<hbm>>) dst(%arg8 : memref<10000xi32, #tpu.memory_space<vmem>>)
    %dma_wait3A_106 = tpu.memref_slice %arg3[%add3A_96] : memref<320000xf32, #tpu.memory_space<hbm>> -> memref<10000xf32, #tpu.memory_space<hbm>>
    %dma_wait3A_107 = tpu.memref_slice %arg3[%add3A_96] : memref<320000xf32, #tpu.memory_space<hbm>> -> memref<10000xf32, #tpu.memory_space<hbm>>
    tpu.wait_dma2 semaphore(%arg12 : memref<!tpu.dma_semaphore, #tpu.memory_space<semaphore_mem>>) src(%dma_wait3A_107 : memref<10000xf32, #tpu.memory_space<hbm>>) dst(%arg10 : memref<10000xf32, #tpu.memory_space<vmem>>)
    %add3A_108 = arith.constant 70000 : i32
    %add3A_109 = arith.addi %mul3A_4, %add3A_108 : i32
    %dma_start3A_110 = tpu.memref_slice %arg2[%add3A_109] : memref<320000xi32, #tpu.memory_space<hbm>> -> memref<10000xi32, #tpu.memory_space<hbm>>
    %dma_start3A_111 = tpu.memref_slice %arg2[%add3A_109] : memref<320000xi32, #tpu.memory_space<hbm>> -> memref<10000xi32, #tpu.memory_space<hbm>>
    tpu.enqueue_dma source(%dma_start3A_111 : memref<10000xi32, #tpu.memory_space<hbm>>) target(%arg9 : memref<10000xi32, #tpu.memory_space<vmem>>) target_semaphore(%arg13 : memref<!tpu.dma_semaphore, #tpu.memory_space<semaphore_mem>>)
    %dma_start3A_112 = tpu.memref_slice %arg3[%add3A_109] : memref<320000xf32, #tpu.memory_space<hbm>> -> memref<10000xf32, #tpu.memory_space<hbm>>
    %dma_start3A_113 = tpu.memref_slice %arg3[%add3A_109] : memref<320000xf32, #tpu.memory_space<hbm>> -> memref<10000xf32, #tpu.memory_space<hbm>>
    tpu.enqueue_dma source(%dma_start3A_113 : memref<10000xf32, #tpu.memory_space<hbm>>) target(%arg11 : memref<10000xf32, #tpu.memory_space<vmem>>) target_semaphore(%arg13 : memref<!tpu.dma_semaphore, #tpu.memory_space<semaphore_mem>>)
    %parallel_loop3A_114 = arith.constant 0 : i32
    %parallel_loop3A_115 = arith.constant 625 : i32
    %parallel_loop3A_116 = arith.constant 1 : i32
    scf.for %parallel_loop3A_124 = %parallel_loop3A_114 to %parallel_loop3A_115 step %parallel_loop3A_116  : i32 {
      %parallel_loop3A_125 = arith.constant 16 : i32
      %parallel_loop3A_126 = arith.muli %parallel_loop3A_124, %parallel_loop3A_125 : i32
      %parallel_loop3A_127 = arith.index_cast %parallel_loop3A_126 : i32 to index
      %parallel_loop3A_128 = tpu.vector_load %arg8[%parallel_loop3A_127] {strides = array<i32>} : memref<10000xi32, #tpu.memory_space<vmem>>, vector<16xi32>,
      %parallel_loop3A_129 = arith.constant 16 : i32
      %parallel_loop3A_130 = arith.muli %parallel_loop3A_124, %parallel_loop3A_129 : i32
      %parallel_loop3A_131 = arith.index_cast %parallel_loop3A_130 : i32 to index
      %parallel_loop3A_132 = tpu.vector_load %arg10[%parallel_loop3A_131] {strides = array<i32>} : memref<10000xf32, #tpu.memory_space<vmem>>, vector<16xf32>,
      %parallel_loop3A_133 = arith.constant 14 : i32
      %parallel_loop3A_134 = vector.broadcast %parallel_loop3A_133 : i32 to vector<16xi32>
      %parallel_loop3A_135 = arith.shrui %parallel_loop3A_128, %parallel_loop3A_134 : vector<16xi32>
      %parallel_loop3A_136 = arith.constant 16383 : i32
      %parallel_loop3A_137 = vector.broadcast %parallel_loop3A_136 : i32 to vector<16xi32>
      %parallel_loop3A_138 = arith.andi %parallel_loop3A_128, %parallel_loop3A_137 : vector<16xi32>
      %parallel_loop3A_139 = arith.constant 0 : i32
      %parallel_loop3A_140 = tpu.memref_slice %arg6[%parallel_loop3A_139] : memref<20480xi32, #tpu.memory_space<vmem>> -> memref<10240xi32, #tpu.memory_space<vmem>>
      %parallel_loop3A_141 = tpu.vector_load_idx %parallel_loop3A_140[%parallel_loop3A_135] : memref<10240xi32, #tpu.memory_space<vmem>>[vector<16xi32>], vector<16xi32>,
      %parallel_loop3A_142 = arith.constant 10240 : i32
      %parallel_loop3A_143 = tpu.memref_slice %arg6[%parallel_loop3A_142] : memref<20480xi32, #tpu.memory_space<vmem>> -> memref<10240xi32, #tpu.memory_space<vmem>>
      %parallel_loop3A_144 = tpu.vector_load_idx %parallel_loop3A_143[%parallel_loop3A_135] : memref<10240xi32, #tpu.memory_space<vmem>>[vector<16xi32>], vector<16xi32>,
      %parallel_loop3A_145 = arith.constant 16 : i32
      %parallel_loop3A_146 = vector.broadcast %parallel_loop3A_145 : i32 to vector<16xi32>
      %parallel_loop3A_147 = arith.shli %parallel_loop3A_141, %parallel_loop3A_146 : vector<16xi32>
      %parallel_loop3A_148 = vector.bitcast %parallel_loop3A_147 : vector<16xi32> to vector<16xf32>
      %parallel_loop3A_149 = arith.andi %parallel_loop3A_141, %broadcast_in_dim3A_25 : vector<16xi32>
      %parallel_loop3A_150 = vector.bitcast %parallel_loop3A_149 : vector<16xi32> to vector<16xf32>
      %parallel_loop3A_151 = arith.constant 16 : i32
      %parallel_loop3A_152 = vector.broadcast %parallel_loop3A_151 : i32 to vector<16xi32>
      %parallel_loop3A_153 = arith.shli %parallel_loop3A_144, %parallel_loop3A_152 : vector<16xi32>
      %parallel_loop3A_154 = vector.bitcast %parallel_loop3A_153 : vector<16xi32> to vector<16xf32>
      %parallel_loop3A_155 = arith.andi %parallel_loop3A_144, %broadcast_in_dim3A_25 : vector<16xi32>
      %parallel_loop3A_156 = vector.bitcast %parallel_loop3A_155 : vector<16xi32> to vector<16xf32>
      %parallel_loop3A_157 = arith.mulf %parallel_loop3A_148, %parallel_loop3A_132 : vector<16xf32>
      %parallel_loop3A_158 = arith.mulf %parallel_loop3A_150, %parallel_loop3A_132 : vector<16xf32>
      %parallel_loop3A_159 = arith.mulf %parallel_loop3A_154, %parallel_loop3A_132 : vector<16xf32>
      %parallel_loop3A_160 = arith.mulf %parallel_loop3A_156, %parallel_loop3A_132 : vector<16xf32>
      %parallel_loop3A_161 = arith.constant 0 : i32
      %parallel_loop3A_162 = tpu.memref_slice %arg7[%parallel_loop3A_161] : memref<40960xf32, #tpu.memory_space<vmem>> -> memref<10240xf32, #tpu.memory_space<vmem>>
      tpu.vector_store_idx %parallel_loop3A_162[%parallel_loop3A_138], %parallel_loop3A_157 {add = true} : memref<10240xf32, #tpu.memory_space<vmem>>[vector<16xi32>], vector<16xf32>,
      %parallel_loop3A_163 = arith.constant 10240 : i32
      %parallel_loop3A_164 = tpu.memref_slice %arg7[%parallel_loop3A_163] : memref<40960xf32, #tpu.memory_space<vmem>> -> memref<10240xf32, #tpu.memory_space<vmem>>
      tpu.vector_store_idx %parallel_loop3A_164[%parallel_loop3A_138], %parallel_loop3A_158 {add = true} : memref<10240xf32, #tpu.memory_space<vmem>>[vector<16xi32>], vector<16xf32>,
      %parallel_loop3A_165 = arith.constant 20480 : i32
      %parallel_loop3A_166 = tpu.memref_slice %arg7[%parallel_loop3A_165] : memref<40960xf32, #tpu.memory_space<vmem>> -> memref<10240xf32, #tpu.memory_space<vmem>>
      tpu.vector_store_idx %parallel_loop3A_166[%parallel_loop3A_138], %parallel_loop3A_159 {add = true} : memref<10240xf32, #tpu.memory_space<vmem>>[vector<16xi32>], vector<16xf32>,
      %parallel_loop3A_167 = arith.constant 30720 : i32
      %parallel_loop3A_168 = tpu.memref_slice %arg7[%parallel_loop3A_167] : memref<40960xf32, #tpu.memory_space<vmem>> -> memref<10240xf32, #tpu.memory_space<vmem>>
      tpu.vector_store_idx %parallel_loop3A_168[%parallel_loop3A_138], %parallel_loop3A_160 {add = true} : memref<10240xf32, #tpu.memory_space<vmem>>[vector<16xi32>], vector<16xf32>,
    } {sc.loop_unroll_factor = 4 : i64, sc.parallel_access}
    %dma_wait3A_117 = tpu.memref_slice %arg2[%add3A_109] : memref<320000xi32, #tpu.memory_space<hbm>> -> memref<10000xi32, #tpu.memory_space<hbm>>
    %dma_wait3A_118 = tpu.memref_slice %arg2[%add3A_109] : memref<320000xi32, #tpu.memory_space<hbm>> -> memref<10000xi32, #tpu.memory_space<hbm>>
    tpu.wait_dma2 semaphore(%arg13 : memref<!tpu.dma_semaphore, #tpu.memory_space<semaphore_mem>>) src(%dma_wait3A_118 : memref<10000xi32, #tpu.memory_space<hbm>>) dst(%arg9 : memref<10000xi32, #tpu.memory_space<vmem>>)
    %dma_wait3A_119 = tpu.memref_slice %arg3[%add3A_109] : memref<320000xf32, #tpu.memory_space<hbm>> -> memref<10000xf32, #tpu.memory_space<hbm>>
    %dma_wait3A_120 = tpu.memref_slice %arg3[%add3A_109] : memref<320000xf32, #tpu.memory_space<hbm>> -> memref<10000xf32, #tpu.memory_space<hbm>>
    tpu.wait_dma2 semaphore(%arg13 : memref<!tpu.dma_semaphore, #tpu.memory_space<semaphore_mem>>) src(%dma_wait3A_120 : memref<10000xf32, #tpu.memory_space<hbm>>) dst(%arg11 : memref<10000xf32, #tpu.memory_space<vmem>>)
    %parallel_loop3A_121 = arith.constant 0 : i32
    %parallel_loop3A_122 = arith.constant 625 : i32
    %parallel_loop3A_123 = arith.constant 1 : i32
    scf.for %parallel_loop3A_124 = %parallel_loop3A_121 to %parallel_loop3A_122 step %parallel_loop3A_123  : i32 {
      %parallel_loop3A_125 = arith.constant 16 : i32
      %parallel_loop3A_126 = arith.muli %parallel_loop3A_124, %parallel_loop3A_125 : i32
      %parallel_loop3A_127 = arith.index_cast %parallel_loop3A_126 : i32 to index
      %parallel_loop3A_128 = tpu.vector_load %arg9[%parallel_loop3A_127] {strides = array<i32>} : memref<10000xi32, #tpu.memory_space<vmem>>, vector<16xi32>,
      %parallel_loop3A_129 = arith.constant 16 : i32
      %parallel_loop3A_130 = arith.muli %parallel_loop3A_124, %parallel_loop3A_129 : i32
      %parallel_loop3A_131 = arith.index_cast %parallel_loop3A_130 : i32 to index
      %parallel_loop3A_132 = tpu.vector_load %arg11[%parallel_loop3A_131] {strides = array<i32>} : memref<10000xf32, #tpu.memory_space<vmem>>, vector<16xf32>,
      %parallel_loop3A_133 = arith.constant 14 : i32
      %parallel_loop3A_134 = vector.broadcast %parallel_loop3A_133 : i32 to vector<16xi32>
      %parallel_loop3A_135 = arith.shrui %parallel_loop3A_128, %parallel_loop3A_134 : vector<16xi32>
      %parallel_loop3A_136 = arith.constant 16383 : i32
      %parallel_loop3A_137 = vector.broadcast %parallel_loop3A_136 : i32 to vector<16xi32>
      %parallel_loop3A_138 = arith.andi %parallel_loop3A_128, %parallel_loop3A_137 : vector<16xi32>
      %parallel_loop3A_139 = arith.constant 0 : i32
      %parallel_loop3A_140 = tpu.memref_slice %arg6[%parallel_loop3A_139] : memref<20480xi32, #tpu.memory_space<vmem>> -> memref<10240xi32, #tpu.memory_space<vmem>>
      %parallel_loop3A_141 = tpu.vector_load_idx %parallel_loop3A_140[%parallel_loop3A_135] : memref<10240xi32, #tpu.memory_space<vmem>>[vector<16xi32>], vector<16xi32>,
      %parallel_loop3A_142 = arith.constant 10240 : i32
      %parallel_loop3A_143 = tpu.memref_slice %arg6[%parallel_loop3A_142] : memref<20480xi32, #tpu.memory_space<vmem>> -> memref<10240xi32, #tpu.memory_space<vmem>>
      %parallel_loop3A_144 = tpu.vector_load_idx %parallel_loop3A_143[%parallel_loop3A_135] : memref<10240xi32, #tpu.memory_space<vmem>>[vector<16xi32>], vector<16xi32>,
      %parallel_loop3A_145 = arith.constant 16 : i32
      %parallel_loop3A_146 = vector.broadcast %parallel_loop3A_145 : i32 to vector<16xi32>
      %parallel_loop3A_147 = arith.shli %parallel_loop3A_141, %parallel_loop3A_146 : vector<16xi32>
      %parallel_loop3A_148 = vector.bitcast %parallel_loop3A_147 : vector<16xi32> to vector<16xf32>
      %parallel_loop3A_149 = arith.andi %parallel_loop3A_141, %broadcast_in_dim3A_25 : vector<16xi32>
      %parallel_loop3A_150 = vector.bitcast %parallel_loop3A_149 : vector<16xi32> to vector<16xf32>
      %parallel_loop3A_151 = arith.constant 16 : i32
      %parallel_loop3A_152 = vector.broadcast %parallel_loop3A_151 : i32 to vector<16xi32>
      %parallel_loop3A_153 = arith.shli %parallel_loop3A_144, %parallel_loop3A_152 : vector<16xi32>
      %parallel_loop3A_154 = vector.bitcast %parallel_loop3A_153 : vector<16xi32> to vector<16xf32>
      %parallel_loop3A_155 = arith.andi %parallel_loop3A_144, %broadcast_in_dim3A_25 : vector<16xi32>
      %parallel_loop3A_156 = vector.bitcast %parallel_loop3A_155 : vector<16xi32> to vector<16xf32>
      %parallel_loop3A_157 = arith.mulf %parallel_loop3A_148, %parallel_loop3A_132 : vector<16xf32>
      %parallel_loop3A_158 = arith.mulf %parallel_loop3A_150, %parallel_loop3A_132 : vector<16xf32>
      %parallel_loop3A_159 = arith.mulf %parallel_loop3A_154, %parallel_loop3A_132 : vector<16xf32>
      %parallel_loop3A_160 = arith.mulf %parallel_loop3A_156, %parallel_loop3A_132 : vector<16xf32>
      %parallel_loop3A_161 = arith.constant 0 : i32
      %parallel_loop3A_162 = tpu.memref_slice %arg7[%parallel_loop3A_161] : memref<40960xf32, #tpu.memory_space<vmem>> -> memref<10240xf32, #tpu.memory_space<vmem>>
      tpu.vector_store_idx %parallel_loop3A_162[%parallel_loop3A_138], %parallel_loop3A_157 {add = true} : memref<10240xf32, #tpu.memory_space<vmem>>[vector<16xi32>], vector<16xf32>,
      %parallel_loop3A_163 = arith.constant 10240 : i32
      %parallel_loop3A_164 = tpu.memref_slice %arg7[%parallel_loop3A_163] : memref<40960xf32, #tpu.memory_space<vmem>> -> memref<10240xf32, #tpu.memory_space<vmem>>
      tpu.vector_store_idx %parallel_loop3A_164[%parallel_loop3A_138], %parallel_loop3A_158 {add = true} : memref<10240xf32, #tpu.memory_space<vmem>>[vector<16xi32>], vector<16xf32>,
      %parallel_loop3A_165 = arith.constant 20480 : i32
      %parallel_loop3A_166 = tpu.memref_slice %arg7[%parallel_loop3A_165] : memref<40960xf32, #tpu.memory_space<vmem>> -> memref<10240xf32, #tpu.memory_space<vmem>>
      tpu.vector_store_idx %parallel_loop3A_166[%parallel_loop3A_138], %parallel_loop3A_159 {add = true} : memref<10240xf32, #tpu.memory_space<vmem>>[vector<16xi32>], vector<16xf32>,
      %parallel_loop3A_167 = arith.constant 30720 : i32
      %parallel_loop3A_168 = tpu.memref_slice %arg7[%parallel_loop3A_167] : memref<40960xf32, #tpu.memory_space<vmem>> -> memref<10240xf32, #tpu.memory_space<vmem>>
      tpu.vector_store_idx %parallel_loop3A_168[%parallel_loop3A_138], %parallel_loop3A_160 {add = true} : memref<10240xf32, #tpu.memory_space<vmem>>[vector<16xi32>], vector<16xf32>,
    } {sc.loop_unroll_factor = 4 : i64, sc.parallel_access}
    "tpu.region"() ({
      %run_scoped3A = tpu.sem_alloc : memref<!tpu.dma_semaphore, #tpu.memory_space<semaphore_mem>>
      %dma_start3A_124 = arith.constant 0 : i32
      %dma_start3A_125 = tpu.memref_slice %arg5[%add3A, %dma_start3A_124] : memref<32x40960xf32, #tpu.memory_space<hbm>> -> memref<1x40960xf32, #tpu.memory_space<hbm>>
      %dma_start3A_126 = tpu.memref_squeeze %dma_start3A_125 : memref<1x40960xf32, #tpu.memory_space<hbm>> -> memref<40960xf32, #tpu.memory_space<hbm>>
      %dma_start3A_127 = arith.constant 0 : i32
      %dma_start3A_128 = tpu.memref_slice %arg5[%add3A, %dma_start3A_127] : memref<32x40960xf32, #tpu.memory_space<hbm>> -> memref<1x40960xf32, #tpu.memory_space<hbm>>
      %dma_start3A_129 = tpu.memref_squeeze %dma_start3A_128 : memref<1x40960xf32, #tpu.memory_space<hbm>> -> memref<40960xf32, #tpu.memory_space<hbm>>
      tpu.enqueue_dma source(%arg7 : memref<40960xf32, #tpu.memory_space<vmem>>) target(%dma_start3A_129 : memref<40960xf32, #tpu.memory_space<hbm>>) target_semaphore(%run_scoped3A : memref<!tpu.dma_semaphore, #tpu.memory_space<semaphore_mem>>)
      %dma_wait3A_130 = arith.constant 0 : i32
      %dma_wait3A_131 = tpu.memref_slice %arg5[%add3A, %dma_wait3A_130] : memref<32x40960xf32, #tpu.memory_space<hbm>> -> memref<1x40960xf32, #tpu.memory_space<hbm>>
      %dma_wait3A_132 = tpu.memref_squeeze %dma_wait3A_131 : memref<1x40960xf32, #tpu.memory_space<hbm>> -> memref<40960xf32, #tpu.memory_space<hbm>>
      %dma_wait3A_133 = arith.constant 0 : i32
      %dma_wait3A_134 = tpu.memref_slice %arg5[%add3A, %dma_wait3A_133] : memref<32x40960xf32, #tpu.memory_space<hbm>> -> memref<1x40960xf32, #tpu.memory_space<hbm>>
      %dma_wait3A_135 = tpu.memref_squeeze %dma_wait3A_134 : memref<1x40960xf32, #tpu.memory_space<hbm>> -> memref<40960xf32, #tpu.memory_space<hbm>>
      tpu.wait_dma2 semaphore(%run_scoped3A : memref<!tpu.dma_semaphore, #tpu.memory_space<semaphore_mem>>) src(%arg7 : memref<40960xf32, #tpu.memory_space<vmem>>) dst(%dma_wait3A_135 : memref<40960xf32, #tpu.memory_space<hbm>>)
      tpu.yield
    }) : () -> ()
    return
  }
}

#map = affine_map<(d0, d1) -> (0)>
#map1 = affine_map<(d0, d1) -> (0, 0)>
module attributes {stable_mosaic.version = 14 : i64} {
  func.func @_deg_pass(%arg0: i32, %arg1: i32, %arg2: memref<320000xi32, #tpu.memory_space<hbm>>, %arg3: memref<320000xf32, #tpu.memory_space<hbm>>, %arg4: memref<32x10000xf32, #tpu.memory_space<hbm>>, %arg5: memref<10000xf32, #tpu.memory_space<vmem>>, %arg6: memref<10000xi32, #tpu.memory_space<vmem>>, %arg7: memref<10000xf32, #tpu.memory_space<vmem>>, %arg8: memref<!tpu.dma_semaphore, #tpu.memory_space<semaphore_mem>>, %arg9: memref<!tpu.dma_semaphore, #tpu.memory_space<semaphore_mem>>) attributes {dimension_semantics = [#tpu.dimension_semantics<core_parallel>, #tpu.dimension_semantics<subcore_parallel>], iteration_bounds = array<i64: 2, 16>, scalar_prefetch = 0 : i64, scratch_operands = 5 : i64, tpu.core_type = #tpu.core_type<sc_vector_subcore>, window_params = [{transform_indices = #map}, {transform_indices = #map}, {transform_indices = #map1}]} {
    %mul3A = arith.constant 2 : i32
    %mul3A_0 = arith.muli %arg1, %mul3A : i32
    %add3A = arith.addi %mul3A_0, %arg0 : i32
    %mul3A_1 = arith.constant 10000 : i32
    %mul3A_2 = arith.muli %add3A, %mul3A_1 : i32
    %dma_start3A = tpu.memref_slice %arg2[%mul3A_2] : memref<320000xi32, #tpu.memory_space<hbm>> -> memref<10000xi32, #tpu.memory_space<hbm>>
    %dma_start3A_3 = tpu.memref_slice %arg2[%mul3A_2] : memref<320000xi32, #tpu.memory_space<hbm>> -> memref<10000xi32, #tpu.memory_space<hbm>>
    tpu.enqueue_dma source(%dma_start3A_3 : memref<10000xi32, #tpu.memory_space<hbm>>) target(%arg6 : memref<10000xi32, #tpu.memory_space<vmem>>) target_semaphore(%arg8 : memref<!tpu.dma_semaphore, #tpu.memory_space<semaphore_mem>>)
    %dma_start3A_4 = tpu.memref_slice %arg3[%mul3A_2] : memref<320000xf32, #tpu.memory_space<hbm>> -> memref<10000xf32, #tpu.memory_space<hbm>>
    %dma_start3A_5 = tpu.memref_slice %arg3[%mul3A_2] : memref<320000xf32, #tpu.memory_space<hbm>> -> memref<10000xf32, #tpu.memory_space<hbm>>
    tpu.enqueue_dma source(%dma_start3A_5 : memref<10000xf32, #tpu.memory_space<hbm>>) target(%arg7 : memref<10000xf32, #tpu.memory_space<vmem>>) target_semaphore(%arg9 : memref<!tpu.dma_semaphore, #tpu.memory_space<semaphore_mem>>)
    %broadcast_in_dim3A = arith.constant 0.000000e+00 : f32
    %broadcast_in_dim3A_6 = vector.broadcast %broadcast_in_dim3A : f32 to vector<16xf32>
    %parallel_loop3A = arith.constant 0 : i32
    %parallel_loop3A_7 = arith.constant 625 : i32
    %parallel_loop3A_8 = arith.constant 1 : i32
    scf.for %parallel_loop3A_15 = %parallel_loop3A to %parallel_loop3A_7 step %parallel_loop3A_8  : i32 {
      %parallel_loop3A_16 = arith.constant 16 : i32
      %parallel_loop3A_17 = arith.muli %parallel_loop3A_15, %parallel_loop3A_16 : i32
      %parallel_loop3A_18 = arith.index_cast %parallel_loop3A_17 : i32 to index
      %parallel_loop3A_19 = tpu.vector_load %arg5[%parallel_loop3A_18] {strides = array<i32>} : memref<10000xf32, #tpu.memory_space<vmem>>, vector<16xf32>,
      tpu.vector_store %arg5[%parallel_loop3A_18], %broadcast_in_dim3A_6 {strides = array<i32>} : memref<10000xf32, #tpu.memory_space<vmem>>, vector<16xf32>,
    } {sc.loop_unroll_factor = 4 : i64, sc.parallel_access}
    %dma_wait3A = tpu.memref_slice %arg2[%mul3A_2] : memref<320000xi32, #tpu.memory_space<hbm>> -> memref<10000xi32, #tpu.memory_space<hbm>>
    %dma_wait3A_9 = tpu.memref_slice %arg2[%mul3A_2] : memref<320000xi32, #tpu.memory_space<hbm>> -> memref<10000xi32, #tpu.memory_space<hbm>>
    tpu.wait_dma2 semaphore(%arg8 : memref<!tpu.dma_semaphore, #tpu.memory_space<semaphore_mem>>) src(%dma_wait3A_9 : memref<10000xi32, #tpu.memory_space<hbm>>) dst(%arg6 : memref<10000xi32, #tpu.memory_space<vmem>>)
    %dma_wait3A_10 = tpu.memref_slice %arg3[%mul3A_2] : memref<320000xf32, #tpu.memory_space<hbm>> -> memref<10000xf32, #tpu.memory_space<hbm>>
    %dma_wait3A_11 = tpu.memref_slice %arg3[%mul3A_2] : memref<320000xf32, #tpu.memory_space<hbm>> -> memref<10000xf32, #tpu.memory_space<hbm>>
    tpu.wait_dma2 semaphore(%arg9 : memref<!tpu.dma_semaphore, #tpu.memory_space<semaphore_mem>>) src(%dma_wait3A_11 : memref<10000xf32, #tpu.memory_space<hbm>>) dst(%arg7 : memref<10000xf32, #tpu.memory_space<vmem>>)
    %parallel_loop3A_12 = arith.constant 0 : i32
    %parallel_loop3A_13 = arith.constant 625 : i32
    %parallel_loop3A_14 = arith.constant 1 : i32
    scf.for %parallel_loop3A_15 = %parallel_loop3A_12 to %parallel_loop3A_13 step %parallel_loop3A_14  : i32 {
      %parallel_loop3A_16 = arith.constant 16 : i32
      %parallel_loop3A_17 = arith.muli %parallel_loop3A_15, %parallel_loop3A_16 : i32
      %parallel_loop3A_18 = arith.index_cast %parallel_loop3A_17 : i32 to index
      %parallel_loop3A_19 = tpu.vector_load %arg6[%parallel_loop3A_18] {strides = array<i32>} : memref<10000xi32, #tpu.memory_space<vmem>>, vector<16xi32>,
      %parallel_loop3A_20 = arith.constant 16 : i32
      %parallel_loop3A_21 = arith.muli %parallel_loop3A_15, %parallel_loop3A_20 : i32
      %parallel_loop3A_22 = arith.index_cast %parallel_loop3A_21 : i32 to index
      %parallel_loop3A_23 = tpu.vector_load %arg7[%parallel_loop3A_22] {strides = array<i32>} : memref<10000xf32, #tpu.memory_space<vmem>>, vector<16xf32>,
      tpu.vector_store_idx %arg5[%parallel_loop3A_19], %parallel_loop3A_23 {add = true} : memref<10000xf32, #tpu.memory_space<vmem>>[vector<16xi32>], vector<16xf32>,
    } {sc.loop_unroll_factor = 4 : i64, sc.parallel_access}
    "tpu.region"() ({
      %run_scoped3A = tpu.sem_alloc : memref<!tpu.dma_semaphore, #tpu.memory_space<semaphore_mem>>
      %dma_start3A_15 = arith.constant 0 : i32
      %dma_start3A_16 = tpu.memref_slice %arg4[%add3A, %dma_start3A_15] : memref<32x10000xf32, #tpu.memory_space<hbm>> -> memref<1x10000xf32, #tpu.memory_space<hbm>>
      %dma_start3A_17 = tpu.memref_squeeze %dma_start3A_16 : memref<1x10000xf32, #tpu.memory_space<hbm>> -> memref<10000xf32, #tpu.memory_space<hbm>>
      %dma_start3A_18 = arith.constant 0 : i32
      %dma_start3A_19 = tpu.memref_slice %arg4[%add3A, %dma_start3A_18] : memref<32x10000xf32, #tpu.memory_space<hbm>> -> memref<1x10000xf32, #tpu.memory_space<hbm>>
      %dma_start3A_20 = tpu.memref_squeeze %dma_start3A_19 : memref<1x10000xf32, #tpu.memory_space<hbm>> -> memref<10000xf32, #tpu.memory_space<hbm>>
      tpu.enqueue_dma source(%arg5 : memref<10000xf32, #tpu.memory_space<vmem>>) target(%dma_start3A_20 : memref<10000xf32, #tpu.memory_space<hbm>>) target_semaphore(%run_scoped3A : memref<!tpu.dma_semaphore, #tpu.memory_space<semaphore_mem>>)
      %dma_wait3A_21 = arith.constant 0 : i32
      %dma_wait3A_22 = tpu.memref_slice %arg4[%add3A, %dma_wait3A_21] : memref<32x10000xf32, #tpu.memory_space<hbm>> -> memref<1x10000xf32, #tpu.memory_space<hbm>>
      %dma_wait3A_23 = tpu.memref_squeeze %dma_wait3A_22 : memref<1x10000xf32, #tpu.memory_space<hbm>> -> memref<10000xf32, #tpu.memory_space<hbm>>
      %dma_wait3A_24 = arith.constant 0 : i32
      %dma_wait3A_25 = tpu.memref_slice %arg4[%add3A, %dma_wait3A_24] : memref<32x10000xf32, #tpu.memory_space<hbm>> -> memref<1x10000xf32, #tpu.memory_space<hbm>>
      %dma_wait3A_26 = tpu.memref_squeeze %dma_wait3A_25 : memref<1x10000xf32, #tpu.memory_space<hbm>> -> memref<10000xf32, #tpu.memory_space<hbm>>
      tpu.wait_dma2 semaphore(%run_scoped3A : memref<!tpu.dma_semaphore, #tpu.memory_space<semaphore_mem>>) src(%arg5 : memref<10000xf32, #tpu.memory_space<vmem>>) dst(%dma_wait3A_26 : memref<10000xf32, #tpu.memory_space<hbm>>)
      tpu.yield
    }) : () -> ()
    return
  }
}

module attributes {stable_mosaic.version = 14 : i64} {
  func.func @_edge_body(%arg0: memref<2x320000xi32, #tpu.memory_space<vmem>>, %arg1: memref<320000xi32, #tpu.memory_space<vmem>>, %arg2: memref<320000xi32, #tpu.memory_space<vmem>>) attributes {dimension_semantics = [], scalar_prefetch = 0 : i64, scratch_operands = 0 : i64, tpu.core_type = #tpu.core_type<tc>} {
    %get3A = arith.constant 1 : index
    %get3A_0 = arith.constant 0 : index
    %get3A_1 = vector.load %arg0[%get3A, %get3A_0] : memref<2x320000xi32, #tpu.memory_space<vmem>>, vector<1x320000xi32>
    %get3A_2 = vector.shape_cast %get3A_1 : vector<1x320000xi32> to vector<320000xi32>
    %get3A_3 = arith.constant 0 : index
    %get3A_4 = arith.constant 0 : index
    %get3A_5 = vector.load %arg0[%get3A_3, %get3A_4] : memref<2x320000xi32, #tpu.memory_space<vmem>>, vector<1x320000xi32>
    %get3A_6 = vector.shape_cast %get3A_5 : vector<1x320000xi32> to vector<320000xi32>
    %mul3A = arith.constant 16384 : i32
    %mul3A_7 = vector.broadcast %mul3A : i32 to vector<320000xi32>
    %mul3A_8 = arith.muli %get3A_6, %mul3A_7 : vector<320000xi32>
    %add3A = arith.addi %mul3A_8, %get3A_2 : vector<320000xi32>
    %swap3A = arith.constant 0 : index
    %swap3A_9 = vector.load %arg1[%swap3A] : memref<320000xi32, #tpu.memory_space<vmem>>, vector<320000xi32>
    tpu.vector_store %arg1[%swap3A], %add3A {strides = array<i32>} : memref<320000xi32, #tpu.memory_space<vmem>>, vector<320000xi32>,
    %swap3A_10 = arith.constant 0 : index
    %swap3A_11 = vector.load %arg2[%swap3A_10] : memref<320000xi32, #tpu.memory_space<vmem>>, vector<320000xi32>
    tpu.vector_store %arg2[%swap3A_10], %get3A_2 {strides = array<i32>} : memref<320000xi32, #tpu.memory_space<vmem>>, vector<320000xi32>,
    return
  }
}

module attributes {stable_mosaic.version = 14 : i64} {
  func.func @_enc_body(%arg0: memref<10000x128xf32, #tpu.memory_space<vmem>>, %arg1: memref<32x128xf32, #tpu.memory_space<vmem>>, %arg2: memref<1x32xf32, #tpu.memory_space<vmem>>, %arg3: memref<32x32xf32, #tpu.memory_space<vmem>>, %arg4: memref<32x10000xf32, #tpu.memory_space<vmem>>) attributes {dimension_semantics = [], scalar_prefetch = 0 : i64, scratch_operands = 0 : i64, tpu.core_type = #tpu.core_type<tc>} {
    %get3A = arith.constant 0 : index
    %get3A_0 = arith.constant 0 : index
    %get3A_1 = vector.load %arg0[%get3A, %get3A_0] : memref<10000x128xf32, #tpu.memory_space<vmem>>, vector<10000x128xf32>
    %ne3A = arith.cmpf one, %get3A_1, %get3A_1 : vector<10000x128xf32>
    %jit3A = arith.constant 0.000000e+00 : f32
    %broadcast_in_dim3A = vector.broadcast %jit3A : f32 to vector<10000x128xf32>
    %select_n3A = arith.select %ne3A, %broadcast_in_dim3A, %get3A_1 : vector<10000x128xi1>, vector<10000x128xf32>
    %get3A_2 = arith.constant 0 : index
    %get3A_3 = arith.constant 0 : index
    %get3A_4 = vector.load %arg1[%get3A_2, %get3A_3] : memref<32x128xf32, #tpu.memory_space<vmem>>, vector<32x128xf32>
    %dot_general3A = arith.constant dense<0.000000e+00> : vector<10000x32xf32>
    %dot_general3A_5 = tpu.matmul %select_n3A, %get3A_4, %dot_general3A {dimension_numbers = #tpu.dot_dimension_numbers<[1], [1], [0], [0], [0, 0, 1, 0], [], []>, transpose_lhs_hint = false} : vector<10000x128xf32>, vector<32x128xf32>, vector<10000x32xf32> -> vector<10000x32xf32>
    %get3A_6 = arith.constant 0 : index
    %get3A_7 = arith.constant 0 : index
    %get3A_8 = vector.load %arg2[%get3A_6, %get3A_7] : memref<1x32xf32, #tpu.memory_space<vmem>>, vector<1x32xf32>
    %add3A = vector.broadcast %get3A_8 : vector<1x32xf32> to vector<10000x32xf32>
    %add3A_9 = arith.addf %dot_general3A_5, %add3A : vector<10000x32xf32>
    %max3A = arith.constant 0.000000e+00 : f32
    %max3A_10 = vector.broadcast %max3A : f32 to vector<10000x32xf32>
    %max3A_11 = arith.maximumf %add3A_9, %max3A_10 : vector<10000x32xf32>
    %get3A_12 = arith.constant 0 : index
    %get3A_13 = arith.constant 0 : index
    %get3A_14 = vector.load %arg3[%get3A_12, %get3A_13] : memref<32x32xf32, #tpu.memory_space<vmem>>, vector<32x32xf32>
    %dot_general3A_15 = arith.constant dense<0.000000e+00> : vector<32x10000xf32>
    %dot_general3A_16 = tpu.matmul %get3A_14, %max3A_11, %dot_general3A_15 {dimension_numbers = #tpu.dot_dimension_numbers<[1], [1], [0], [0], [0, 0, 1, 0], [], []>, transpose_lhs_hint = false} : vector<32x32xf32>, vector<10000x32xf32>, vector<32x10000xf32> -> vector<32x10000xf32>
    %swap3A = arith.constant 0 : index
    %swap3A_17 = arith.constant 0 : index
    %swap3A_18 = vector.load %arg4[%swap3A, %swap3A_17] : memref<32x10000xf32, #tpu.memory_space<vmem>>, vector<32x10000xf32>
    tpu.vector_store %arg4[%swap3A, %swap3A_17], %dot_general3A_16 {strides = array<i32>} : memref<32x10000xf32, #tpu.memory_space<vmem>>, vector<32x10000xf32>,
    return
  }
}

module attributes {stable_mosaic.version = 14 : i64} {
  func.func @_dis_body(%arg0: memref<32x10000xf32, #tpu.memory_space<vmem>>, %arg1: memref<32x10000xf32, #tpu.memory_space<vmem>>, %arg2: memref<1x10240xf32, #tpu.memory_space<vmem>>, %arg3: memref<8x20480xi32, #tpu.memory_space<vmem>>) attributes {dimension_semantics = [], scalar_prefetch = 0 : i64, scratch_operands = 0 : i64, tpu.core_type = #tpu.core_type<tc>} {
    %get3A = arith.constant 0 : index
    %get3A_0 = arith.constant 0 : index
    %get3A_1 = vector.load %arg0[%get3A, %get3A_0] : memref<32x10000xf32, #tpu.memory_space<vmem>>, vector<32x10000xf32>
    %reduce_sum3A = arith.constant dense<0.000000e+00> : vector<10000xf32>
    %reduce_sum3A_2 = vector.multi_reduction <add>, %get3A_1, %reduce_sum3A [0] : vector<32x10000xf32> to vector<10000xf32>
    %broadcast_in_dim3A = vector.shape_cast %reduce_sum3A_2 : vector<10000xf32> to vector<1x10000xf32>
    %add3A = arith.constant 1.000000e+00 : f32
    %add3A_3 = vector.broadcast %add3A : f32 to vector<1x10000xf32>
    %add3A_4 = arith.addf %add3A_3, %broadcast_in_dim3A : vector<1x10000xf32>
    %gt3A = arith.constant 0.000000e+00 : f32
    %gt3A_5 = vector.broadcast %gt3A : f32 to vector<1x10000xf32>
    %gt3A_6 = arith.cmpf ogt, %add3A_4, %gt3A_5 : vector<1x10000xf32>
    %rsqrt3A = math.rsqrt %add3A_4 : vector<1x10000xf32>
    %jit3A = arith.constant 0.000000e+00 : f32
    %broadcast_in_dim3A_7 = vector.broadcast %jit3A : f32 to vector<1x10000xf32>
    %select_n3A = arith.select %gt3A_6, %rsqrt3A, %broadcast_in_dim3A_7 : vector<1x10000xi1>, vector<1x10000xf32>
    %squeeze3A = vector.shape_cast %select_n3A : vector<1x10000xf32> to vector<10000xf32>
    %swap3A = arith.constant 0 : index
    %swap3A_8 = arith.constant 0 : index
    %swap3A_9 = vector.load %arg2[%swap3A, %swap3A_8] : memref<1x10240xf32, #tpu.memory_space<vmem>>, vector<1x10000xf32>
    %swap3A_10 = vector.shape_cast %swap3A_9 : vector<1x10000xf32> to vector<10000xf32>
    %swap3A_11 = vector.shape_cast %squeeze3A : vector<10000xf32> to vector<1x10000xf32>
    tpu.vector_store %arg2[%swap3A, %swap3A_8], %swap3A_11 {strides = array<i32>} : memref<1x10240xf32, #tpu.memory_space<vmem>>, vector<1x10000xf32>,
    %squeeze3A_12 = vector.shape_cast %select_n3A : vector<1x10000xf32> to vector<10000xf32>
    %get3A_13 = arith.constant 0 : index
    %get3A_14 = arith.constant 0 : index
    %get3A_15 = vector.load %arg1[%get3A_13, %get3A_14] : memref<32x10000xf32, #tpu.memory_space<vmem>>, vector<1x10000xf32>
    %get3A_16 = vector.shape_cast %get3A_15 : vector<1x10000xf32> to vector<10000xf32>
    %mul3A = arith.mulf %squeeze3A_12, %get3A_16 : vector<10000xf32>
    %get3A_17 = arith.constant 1 : index
    %get3A_18 = arith.constant 0 : index
    %get3A_19 = vector.load %arg1[%get3A_17, %get3A_18] : memref<32x10000xf32, #tpu.memory_space<vmem>>, vector<1x10000xf32>
    %get3A_20 = vector.shape_cast %get3A_19 : vector<1x10000xf32> to vector<10000xf32>
    %mul3A_21 = arith.mulf %squeeze3A_12, %get3A_20 : vector<10000xf32>
    %get3A_22 = arith.constant 2 : index
    %get3A_23 = arith.constant 0 : index
    %get3A_24 = vector.load %arg1[%get3A_22, %get3A_23] : memref<32x10000xf32, #tpu.memory_space<vmem>>, vector<1x10000xf32>
    %get3A_25 = vector.shape_cast %get3A_24 : vector<1x10000xf32> to vector<10000xf32>
    %mul3A_26 = arith.mulf %squeeze3A_12, %get3A_25 : vector<10000xf32>
    %get3A_27 = arith.constant 3 : index
    %get3A_28 = arith.constant 0 : index
    %get3A_29 = vector.load %arg1[%get3A_27, %get3A_28] : memref<32x10000xf32, #tpu.memory_space<vmem>>, vector<1x10000xf32>
    %get3A_30 = vector.shape_cast %get3A_29 : vector<1x10000xf32> to vector<10000xf32>
    %mul3A_31 = arith.mulf %squeeze3A_12, %get3A_30 : vector<10000xf32>
    %convert_element_type3A = arith.truncf %mul3A : vector<10000xf32> to vector<10000xbf16>
    %bitcast_convert_type3A = tpu.bitcast %convert_element_type3A : vector<10000xbf16> -> vector<10000xi16>
    %convert_element_type3A_32 = arith.extui %bitcast_convert_type3A : vector<10000xi16> to vector<10000xi32>
    %convert_element_type3A_33 = arith.truncf %mul3A_21 : vector<10000xf32> to vector<10000xbf16>
    %bitcast_convert_type3A_34 = tpu.bitcast %convert_element_type3A_33 : vector<10000xbf16> -> vector<10000xi16>
    %convert_element_type3A_35 = arith.extui %bitcast_convert_type3A_34 : vector<10000xi16> to vector<10000xi32>
    %shift_left3A = arith.constant 16 : i32
    %shift_left3A_36 = vector.broadcast %shift_left3A : i32 to vector<10000xi32>
    %shift_left3A_37 = arith.shli %convert_element_type3A_35, %shift_left3A_36 : vector<10000xi32>
    %or3A = arith.ori %convert_element_type3A_32, %shift_left3A_37 : vector<10000xi32>
    %swap3A_38 = arith.constant 0 : index
    %swap3A_39 = arith.constant 0 : index
    %swap3A_40 = vector.load %arg3[%swap3A_38, %swap3A_39] : memref<8x20480xi32, #tpu.memory_space<vmem>>, vector<1x10000xi32>
    %swap3A_41 = vector.shape_cast %swap3A_40 : vector<1x10000xi32> to vector<10000xi32>
    %swap3A_42 = vector.shape_cast %or3A : vector<10000xi32> to vector<1x10000xi32>
    tpu.vector_store %arg3[%swap3A_38, %swap3A_39], %swap3A_42 {strides = array<i32>} : memref<8x20480xi32, #tpu.memory_space<vmem>>, vector<1x10000xi32>,
    %convert_element_type3A_43 = arith.truncf %mul3A_26 : vector<10000xf32> to vector<10000xbf16>
    %bitcast_convert_type3A_44 = tpu.bitcast %convert_element_type3A_43 : vector<10000xbf16> -> vector<10000xi16>
    %convert_element_type3A_45 = arith.extui %bitcast_convert_type3A_44 : vector<10000xi16> to vector<10000xi32>
    %convert_element_type3A_46 = arith.truncf %mul3A_31 : vector<10000xf32> to vector<10000xbf16>
    %bitcast_convert_type3A_47 = tpu.bitcast %convert_element_type3A_46 : vector<10000xbf16> -> vector<10000xi16>
    %convert_element_type3A_48 = arith.extui %bitcast_convert_type3A_47 : vector<10000xi16> to vector<10000xi32>
    %shift_left3A_49 = arith.constant 16 : i32
    %shift_left3A_50 = vector.broadcast %shift_left3A_49 : i32 to vector<10000xi32>
    %shift_left3A_51 = arith.shli %convert_element_type3A_48, %shift_left3A_50 : vector<10000xi32>
    %or3A_52 = arith.ori %convert_element_type3A_45, %shift_left3A_51 : vector<10000xi32>
    %swap3A_53 = arith.constant 0 : index
    %swap3A_54 = arith.constant 10240 : index
    %swap3A_55 = vector.load %arg3[%swap3A_53, %swap3A_54] : memref<8x20480xi32, #tpu.memory_space<vmem>>, vector<1x10000xi32>
    %swap3A_56 = vector.shape_cast %swap3A_55 : vector<1x10000xi32> to vector<10000xi32>
    %swap3A_57 = vector.shape_cast %or3A_52 : vector<10000xi32> to vector<1x10000xi32>
    tpu.vector_store %arg3[%swap3A_53, %swap3A_54], %swap3A_57 {strides = array<i32>} : memref<8x20480xi32, #tpu.memory_space<vmem>>, vector<1x10000xi32>,
    %get3A_58 = arith.constant 4 : index
    %get3A_59 = arith.constant 0 : index
    %get3A_60 = vector.load %arg1[%get3A_58, %get3A_59] : memref<32x10000xf32, #tpu.memory_space<vmem>>, vector<1x10000xf32>
    %get3A_61 = vector.shape_cast %get3A_60 : vector<1x10000xf32> to vector<10000xf32>
    %mul3A_62 = arith.mulf %squeeze3A_12, %get3A_61 : vector<10000xf32>
    %get3A_63 = arith.constant 5 : index
    %get3A_64 = arith.constant 0 : index
    %get3A_65 = vector.load %arg1[%get3A_63, %get3A_64] : memref<32x10000xf32, #tpu.memory_space<vmem>>, vector<1x10000xf32>
    %get3A_66 = vector.shape_cast %get3A_65 : vector<1x10000xf32> to vector<10000xf32>
    %mul3A_67 = arith.mulf %squeeze3A_12, %get3A_66 : vector<10000xf32>
    %get3A_68 = arith.constant 6 : index
    %get3A_69 = arith.constant 0 : index
    %get3A_70 = vector.load %arg1[%get3A_68, %get3A_69] : memref<32x10000xf32, #tpu.memory_space<vmem>>, vector<1x10000xf32>
    %get3A_71 = vector.shape_cast %get3A_70 : vector<1x10000xf32> to vector<10000xf32>
    %mul3A_72 = arith.mulf %squeeze3A_12, %get3A_71 : vector<10000xf32>
    %get3A_73 = arith.constant 7 : index
    %get3A_74 = arith.constant 0 : index
    %get3A_75 = vector.load %arg1[%get3A_73, %get3A_74] : memref<32x10000xf32, #tpu.memory_space<vmem>>, vector<1x10000xf32>
    %get3A_76 = vector.shape_cast %get3A_75 : vector<1x10000xf32> to vector<10000xf32>
    %mul3A_77 = arith.mulf %squeeze3A_12, %get3A_76 : vector<10000xf32>
    %convert_element_type3A_78 = arith.truncf %mul3A_62 : vector<10000xf32> to vector<10000xbf16>
    %bitcast_convert_type3A_79 = tpu.bitcast %convert_element_type3A_78 : vector<10000xbf16> -> vector<10000xi16>
    %convert_element_type3A_80 = arith.extui %bitcast_convert_type3A_79 : vector<10000xi16> to vector<10000xi32>
    %convert_element_type3A_81 = arith.truncf %mul3A_67 : vector<10000xf32> to vector<10000xbf16>
    %bitcast_convert_type3A_82 = tpu.bitcast %convert_element_type3A_81 : vector<10000xbf16> -> vector<10000xi16>
    %convert_element_type3A_83 = arith.extui %bitcast_convert_type3A_82 : vector<10000xi16> to vector<10000xi32>
    %shift_left3A_84 = arith.constant 16 : i32
    %shift_left3A_85 = vector.broadcast %shift_left3A_84 : i32 to vector<10000xi32>
    %shift_left3A_86 = arith.shli %convert_element_type3A_83, %shift_left3A_85 : vector<10000xi32>
    %or3A_87 = arith.ori %convert_element_type3A_80, %shift_left3A_86 : vector<10000xi32>
    %swap3A_88 = arith.constant 1 : index
    %swap3A_89 = arith.constant 0 : index
    %swap3A_90 = vector.load %arg3[%swap3A_88, %swap3A_89] : memref<8x20480xi32, #tpu.memory_space<vmem>>, vector<1x10000xi32>
    %swap3A_91 = vector.shape_cast %swap3A_90 : vector<1x10000xi32> to vector<10000xi32>
    %swap3A_92 = vector.shape_cast %or3A_87 : vector<10000xi32> to vector<1x10000xi32>
    tpu.vector_store %arg3[%swap3A_88, %swap3A_89], %swap3A_92 {strides = array<i32>} : memref<8x20480xi32, #tpu.memory_space<vmem>>, vector<1x10000xi32>,
    %convert_element_type3A_93 = arith.truncf %mul3A_72 : vector<10000xf32> to vector<10000xbf16>
    %bitcast_convert_type3A_94 = tpu.bitcast %convert_element_type3A_93 : vector<10000xbf16> -> vector<10000xi16>
    %convert_element_type3A_95 = arith.extui %bitcast_convert_type3A_94 : vector<10000xi16> to vector<10000xi32>
    %convert_element_type3A_96 = arith.truncf %mul3A_77 : vector<10000xf32> to vector<10000xbf16>
    %bitcast_convert_type3A_97 = tpu.bitcast %convert_element_type3A_96 : vector<10000xbf16> -> vector<10000xi16>
    %convert_element_type3A_98 = arith.extui %bitcast_convert_type3A_97 : vector<10000xi16> to vector<10000xi32>
    %shift_left3A_99 = arith.constant 16 : i32
    %shift_left3A_100 = vector.broadcast %shift_left3A_99 : i32 to vector<10000xi32>
    %shift_left3A_101 = arith.shli %convert_element_type3A_98, %shift_left3A_100 : vector<10000xi32>
    %or3A_102 = arith.ori %convert_element_type3A_95, %shift_left3A_101 : vector<10000xi32>
    %swap3A_103 = arith.constant 1 : index
    %swap3A_104 = arith.constant 10240 : index
    %swap3A_105 = vector.load %arg3[%swap3A_103, %swap3A_104] : memref<8x20480xi32, #tpu.memory_space<vmem>>, vector<1x10000xi32>
    %swap3A_106 = vector.shape_cast %swap3A_105 : vector<1x10000xi32> to vector<10000xi32>
    %swap3A_107 = vector.shape_cast %or3A_102 : vector<10000xi32> to vector<1x10000xi32>
    tpu.vector_store %arg3[%swap3A_103, %swap3A_104], %swap3A_107 {strides = array<i32>} : memref<8x20480xi32, #tpu.memory_space<vmem>>, vector<1x10000xi32>,
    %get3A_108 = arith.constant 8 : index
    %get3A_109 = arith.constant 0 : index
    %get3A_110 = vector.load %arg1[%get3A_108, %get3A_109] : memref<32x10000xf32, #tpu.memory_space<vmem>>, vector<1x10000xf32>
    %get3A_111 = vector.shape_cast %get3A_110 : vector<1x10000xf32> to vector<10000xf32>
    %mul3A_112 = arith.mulf %squeeze3A_12, %get3A_111 : vector<10000xf32>
    %get3A_113 = arith.constant 9 : index
    %get3A_114 = arith.constant 0 : index
    %get3A_115 = vector.load %arg1[%get3A_113, %get3A_114] : memref<32x10000xf32, #tpu.memory_space<vmem>>, vector<1x10000xf32>
    %get3A_116 = vector.shape_cast %get3A_115 : vector<1x10000xf32> to vector<10000xf32>
    %mul3A_117 = arith.mulf %squeeze3A_12, %get3A_116 : vector<10000xf32>
    %get3A_118 = arith.constant 10 : index
    %get3A_119 = arith.constant 0 : index
    %get3A_120 = vector.load %arg1[%get3A_118, %get3A_119] : memref<32x10000xf32, #tpu.memory_space<vmem>>, vector<1x10000xf32>
    %get3A_121 = vector.shape_cast %get3A_120 : vector<1x10000xf32> to vector<10000xf32>
    %mul3A_122 = arith.mulf %squeeze3A_12, %get3A_121 : vector<10000xf32>
    %get3A_123 = arith.constant 11 : index
    %get3A_124 = arith.constant 0 : index
    %get3A_125 = vector.load %arg1[%get3A_123, %get3A_124] : memref<32x10000xf32, #tpu.memory_space<vmem>>, vector<1x10000xf32>
    %get3A_126 = vector.shape_cast %get3A_125 : vector<1x10000xf32> to vector<10000xf32>
    %mul3A_127 = arith.mulf %squeeze3A_12, %get3A_126 : vector<10000xf32>
    %convert_element_type3A_128 = arith.truncf %mul3A_112 : vector<10000xf32> to vector<10000xbf16>
    %bitcast_convert_type3A_129 = tpu.bitcast %convert_element_type3A_128 : vector<10000xbf16> -> vector<10000xi16>
    %convert_element_type3A_130 = arith.extui %bitcast_convert_type3A_129 : vector<10000xi16> to vector<10000xi32>
    %convert_element_type3A_131 = arith.truncf %mul3A_117 : vector<10000xf32> to vector<10000xbf16>
    %bitcast_convert_type3A_132 = tpu.bitcast %convert_element_type3A_131 : vector<10000xbf16> -> vector<10000xi16>
    %convert_element_type3A_133 = arith.extui %bitcast_convert_type3A_132 : vector<10000xi16> to vector<10000xi32>
    %shift_left3A_134 = arith.constant 16 : i32
    %shift_left3A_135 = vector.broadcast %shift_left3A_134 : i32 to vector<10000xi32>
    %shift_left3A_136 = arith.shli %convert_element_type3A_133, %shift_left3A_135 : vector<10000xi32>
    %or3A_137 = arith.ori %convert_element_type3A_130, %shift_left3A_136 : vector<10000xi32>
    %swap3A_138 = arith.constant 2 : index
    %swap3A_139 = arith.constant 0 : index
    %swap3A_140 = vector.load %arg3[%swap3A_138, %swap3A_139] : memref<8x20480xi32, #tpu.memory_space<vmem>>, vector<1x10000xi32>
    %swap3A_141 = vector.shape_cast %swap3A_140 : vector<1x10000xi32> to vector<10000xi32>
    %swap3A_142 = vector.shape_cast %or3A_137 : vector<10000xi32> to vector<1x10000xi32>
    tpu.vector_store %arg3[%swap3A_138, %swap3A_139], %swap3A_142 {strides = array<i32>} : memref<8x20480xi32, #tpu.memory_space<vmem>>, vector<1x10000xi32>,
    %convert_element_type3A_143 = arith.truncf %mul3A_122 : vector<10000xf32> to vector<10000xbf16>
    %bitcast_convert_type3A_144 = tpu.bitcast %convert_element_type3A_143 : vector<10000xbf16> -> vector<10000xi16>
    %convert_element_type3A_145 = arith.extui %bitcast_convert_type3A_144 : vector<10000xi16> to vector<10000xi32>
    %convert_element_type3A_146 = arith.truncf %mul3A_127 : vector<10000xf32> to vector<10000xbf16>
    %bitcast_convert_type3A_147 = tpu.bitcast %convert_element_type3A_146 : vector<10000xbf16> -> vector<10000xi16>
    %convert_element_type3A_148 = arith.extui %bitcast_convert_type3A_147 : vector<10000xi16> to vector<10000xi32>
    %shift_left3A_149 = arith.constant 16 : i32
    %shift_left3A_150 = vector.broadcast %shift_left3A_149 : i32 to vector<10000xi32>
    %shift_left3A_151 = arith.shli %convert_element_type3A_148, %shift_left3A_150 : vector<10000xi32>
    %or3A_152 = arith.ori %convert_element_type3A_145, %shift_left3A_151 : vector<10000xi32>
    %swap3A_153 = arith.constant 2 : index
    %swap3A_154 = arith.constant 10240 : index
    %swap3A_155 = vector.load %arg3[%swap3A_153, %swap3A_154] : memref<8x20480xi32, #tpu.memory_space<vmem>>, vector<1x10000xi32>
    %swap3A_156 = vector.shape_cast %swap3A_155 : vector<1x10000xi32> to vector<10000xi32>
    %swap3A_157 = vector.shape_cast %or3A_152 : vector<10000xi32> to vector<1x10000xi32>
    tpu.vector_store %arg3[%swap3A_153, %swap3A_154], %swap3A_157 {strides = array<i32>} : memref<8x20480xi32, #tpu.memory_space<vmem>>, vector<1x10000xi32>,
    %get3A_158 = arith.constant 12 : index
    %get3A_159 = arith.constant 0 : index
    %get3A_160 = vector.load %arg1[%get3A_158, %get3A_159] : memref<32x10000xf32, #tpu.memory_space<vmem>>, vector<1x10000xf32>
    %get3A_161 = vector.shape_cast %get3A_160 : vector<1x10000xf32> to vector<10000xf32>
    %mul3A_162 = arith.mulf %squeeze3A_12, %get3A_161 : vector<10000xf32>
    %get3A_163 = arith.constant 13 : index
    %get3A_164 = arith.constant 0 : index
    %get3A_165 = vector.load %arg1[%get3A_163, %get3A_164] : memref<32x10000xf32, #tpu.memory_space<vmem>>, vector<1x10000xf32>
    %get3A_166 = vector.shape_cast %get3A_165 : vector<1x10000xf32> to vector<10000xf32>
    %mul3A_167 = arith.mulf %squeeze3A_12, %get3A_166 : vector<10000xf32>
    %get3A_168 = arith.constant 14 : index
    %get3A_169 = arith.constant 0 : index
    %get3A_170 = vector.load %arg1[%get3A_168, %get3A_169] : memref<32x10000xf32, #tpu.memory_space<vmem>>, vector<1x10000xf32>
    %get3A_171 = vector.shape_cast %get3A_170 : vector<1x10000xf32> to vector<10000xf32>
    %mul3A_172 = arith.mulf %squeeze3A_12, %get3A_171 : vector<10000xf32>
    %get3A_173 = arith.constant 15 : index
    %get3A_174 = arith.constant 0 : index
    %get3A_175 = vector.load %arg1[%get3A_173, %get3A_174] : memref<32x10000xf32, #tpu.memory_space<vmem>>, vector<1x10000xf32>
    %get3A_176 = vector.shape_cast %get3A_175 : vector<1x10000xf32> to vector<10000xf32>
    %mul3A_177 = arith.mulf %squeeze3A_12, %get3A_176 : vector<10000xf32>
    %convert_element_type3A_178 = arith.truncf %mul3A_162 : vector<10000xf32> to vector<10000xbf16>
    %bitcast_convert_type3A_179 = tpu.bitcast %convert_element_type3A_178 : vector<10000xbf16> -> vector<10000xi16>
    %convert_element_type3A_180 = arith.extui %bitcast_convert_type3A_179 : vector<10000xi16> to vector<10000xi32>
    %convert_element_type3A_181 = arith.truncf %mul3A_167 : vector<10000xf32> to vector<10000xbf16>
    %bitcast_convert_type3A_182 = tpu.bitcast %convert_element_type3A_181 : vector<10000xbf16> -> vector<10000xi16>
    %convert_element_type3A_183 = arith.extui %bitcast_convert_type3A_182 : vector<10000xi16> to vector<10000xi32>
    %shift_left3A_184 = arith.constant 16 : i32
    %shift_left3A_185 = vector.broadcast %shift_left3A_184 : i32 to vector<10000xi32>
    %shift_left3A_186 = arith.shli %convert_element_type3A_183, %shift_left3A_185 : vector<10000xi32>
    %or3A_187 = arith.ori %convert_element_type3A_180, %shift_left3A_186 : vector<10000xi32>
    %swap3A_188 = arith.constant 3 : index
    %swap3A_189 = arith.constant 0 : index
    %swap3A_190 = vector.load %arg3[%swap3A_188, %swap3A_189] : memref<8x20480xi32, #tpu.memory_space<vmem>>, vector<1x10000xi32>
    %swap3A_191 = vector.shape_cast %swap3A_190 : vector<1x10000xi32> to vector<10000xi32>
    %swap3A_192 = vector.shape_cast %or3A_187 : vector<10000xi32> to vector<1x10000xi32>
    tpu.vector_store %arg3[%swap3A_188, %swap3A_189], %swap3A_192 {strides = array<i32>} : memref<8x20480xi32, #tpu.memory_space<vmem>>, vector<1x10000xi32>,
    %convert_element_type3A_193 = arith.truncf %mul3A_172 : vector<10000xf32> to vector<10000xbf16>
    %bitcast_convert_type3A_194 = tpu.bitcast %convert_element_type3A_193 : vector<10000xbf16> -> vector<10000xi16>
    %convert_element_type3A_195 = arith.extui %bitcast_convert_type3A_194 : vector<10000xi16> to vector<10000xi32>
    %convert_element_type3A_196 = arith.truncf %mul3A_177 : vector<10000xf32> to vector<10000xbf16>
    %bitcast_convert_type3A_197 = tpu.bitcast %convert_element_type3A_196 : vector<10000xbf16> -> vector<10000xi16>
    %convert_element_type3A_198 = arith.extui %bitcast_convert_type3A_197 : vector<10000xi16> to vector<10000xi32>
    %shift_left3A_199 = arith.constant 16 : i32
    %shift_left3A_200 = vector.broadcast %shift_left3A_199 : i32 to vector<10000xi32>
    %shift_left3A_201 = arith.shli %convert_element_type3A_198, %shift_left3A_200 : vector<10000xi32>
    %or3A_202 = arith.ori %convert_element_type3A_195, %shift_left3A_201 : vector<10000xi32>
    %swap3A_203 = arith.constant 3 : index
    %swap3A_204 = arith.constant 10240 : index
    %swap3A_205 = vector.load %arg3[%swap3A_203, %swap3A_204] : memref<8x20480xi32, #tpu.memory_space<vmem>>, vector<1x10000xi32>
    %swap3A_206 = vector.shape_cast %swap3A_205 : vector<1x10000xi32> to vector<10000xi32>
    %swap3A_207 = vector.shape_cast %or3A_202 : vector<10000xi32> to vector<1x10000xi32>
    tpu.vector_store %arg3[%swap3A_203, %swap3A_204], %swap3A_207 {strides = array<i32>} : memref<8x20480xi32, #tpu.memory_space<vmem>>, vector<1x10000xi32>,
    %get3A_208 = arith.constant 16 : index
    %get3A_209 = arith.constant 0 : index
    %get3A_210 = vector.load %arg1[%get3A_208, %get3A_209] : memref<32x10000xf32, #tpu.memory_space<vmem>>, vector<1x10000xf32>
    %get3A_211 = vector.shape_cast %get3A_210 : vector<1x10000xf32> to vector<10000xf32>
    %mul3A_212 = arith.mulf %squeeze3A_12, %get3A_211 : vector<10000xf32>
    %get3A_213 = arith.constant 17 : index
    %get3A_214 = arith.constant 0 : index
    %get3A_215 = vector.load %arg1[%get3A_213, %get3A_214] : memref<32x10000xf32, #tpu.memory_space<vmem>>, vector<1x10000xf32>
    %get3A_216 = vector.shape_cast %get3A_215 : vector<1x10000xf32> to vector<10000xf32>
    %mul3A_217 = arith.mulf %squeeze3A_12, %get3A_216 : vector<10000xf32>
    %get3A_218 = arith.constant 18 : index
    %get3A_219 = arith.constant 0 : index
    %get3A_220 = vector.load %arg1[%get3A_218, %get3A_219] : memref<32x10000xf32, #tpu.memory_space<vmem>>, vector<1x10000xf32>
    %get3A_221 = vector.shape_cast %get3A_220 : vector<1x10000xf32> to vector<10000xf32>
    %mul3A_222 = arith.mulf %squeeze3A_12, %get3A_221 : vector<10000xf32>
    %get3A_223 = arith.constant 19 : index
    %get3A_224 = arith.constant 0 : index
    %get3A_225 = vector.load %arg1[%get3A_223, %get3A_224] : memref<32x10000xf32, #tpu.memory_space<vmem>>, vector<1x10000xf32>
    %get3A_226 = vector.shape_cast %get3A_225 : vector<1x10000xf32> to vector<10000xf32>
    %mul3A_227 = arith.mulf %squeeze3A_12, %get3A_226 : vector<10000xf32>
    %convert_element_type3A_228 = arith.truncf %mul3A_212 : vector<10000xf32> to vector<10000xbf16>
    %bitcast_convert_type3A_229 = tpu.bitcast %convert_element_type3A_228 : vector<10000xbf16> -> vector<10000xi16>
    %convert_element_type3A_230 = arith.extui %bitcast_convert_type3A_229 : vector<10000xi16> to vector<10000xi32>
    %convert_element_type3A_231 = arith.truncf %mul3A_217 : vector<10000xf32> to vector<10000xbf16>
    %bitcast_convert_type3A_232 = tpu.bitcast %convert_element_type3A_231 : vector<10000xbf16> -> vector<10000xi16>
    %convert_element_type3A_233 = arith.extui %bitcast_convert_type3A_232 : vector<10000xi16> to vector<10000xi32>
    %shift_left3A_234 = arith.constant 16 : i32
    %shift_left3A_235 = vector.broadcast %shift_left3A_234 : i32 to vector<10000xi32>
    %shift_left3A_236 = arith.shli %convert_element_type3A_233, %shift_left3A_235 : vector<10000xi32>
    %or3A_237 = arith.ori %convert_element_type3A_230, %shift_left3A_236 : vector<10000xi32>
    %swap3A_238 = arith.constant 4 : index
    %swap3A_239 = arith.constant 0 : index
    %swap3A_240 = vector.load %arg3[%swap3A_238, %swap3A_239] : memref<8x20480xi32, #tpu.memory_space<vmem>>, vector<1x10000xi32>
    %swap3A_241 = vector.shape_cast %swap3A_240 : vector<1x10000xi32> to vector<10000xi32>
    %swap3A_242 = vector.shape_cast %or3A_237 : vector<10000xi32> to vector<1x10000xi32>
    tpu.vector_store %arg3[%swap3A_238, %swap3A_239], %swap3A_242 {strides = array<i32>} : memref<8x20480xi32, #tpu.memory_space<vmem>>, vector<1x10000xi32>,
    %convert_element_type3A_243 = arith.truncf %mul3A_222 : vector<10000xf32> to vector<10000xbf16>
    %bitcast_convert_type3A_244 = tpu.bitcast %convert_element_type3A_243 : vector<10000xbf16> -> vector<10000xi16>
    %convert_element_type3A_245 = arith.extui %bitcast_convert_type3A_244 : vector<10000xi16> to vector<10000xi32>
    %convert_element_type3A_246 = arith.truncf %mul3A_227 : vector<10000xf32> to vector<10000xbf16>
    %bitcast_convert_type3A_247 = tpu.bitcast %convert_element_type3A_246 : vector<10000xbf16> -> vector<10000xi16>
    %convert_element_type3A_248 = arith.extui %bitcast_convert_type3A_247 : vector<10000xi16> to vector<10000xi32>
    %shift_left3A_249 = arith.constant 16 : i32
    %shift_left3A_250 = vector.broadcast %shift_left3A_249 : i32 to vector<10000xi32>
    %shift_left3A_251 = arith.shli %convert_element_type3A_248, %shift_left3A_250 : vector<10000xi32>
    %or3A_252 = arith.ori %convert_element_type3A_245, %shift_left3A_251 : vector<10000xi32>
    %swap3A_253 = arith.constant 4 : index
    %swap3A_254 = arith.constant 10240 : index
    %swap3A_255 = vector.load %arg3[%swap3A_253, %swap3A_254] : memref<8x20480xi32, #tpu.memory_space<vmem>>, vector<1x10000xi32>
    %swap3A_256 = vector.shape_cast %swap3A_255 : vector<1x10000xi32> to vector<10000xi32>
    %swap3A_257 = vector.shape_cast %or3A_252 : vector<10000xi32> to vector<1x10000xi32>
    tpu.vector_store %arg3[%swap3A_253, %swap3A_254], %swap3A_257 {strides = array<i32>} : memref<8x20480xi32, #tpu.memory_space<vmem>>, vector<1x10000xi32>,
    %get3A_258 = arith.constant 20 : index
    %get3A_259 = arith.constant 0 : index
    %get3A_260 = vector.load %arg1[%get3A_258, %get3A_259] : memref<32x10000xf32, #tpu.memory_space<vmem>>, vector<1x10000xf32>
    %get3A_261 = vector.shape_cast %get3A_260 : vector<1x10000xf32> to vector<10000xf32>
    %mul3A_262 = arith.mulf %squeeze3A_12, %get3A_261 : vector<10000xf32>
    %get3A_263 = arith.constant 21 : index
    %get3A_264 = arith.constant 0 : index
    %get3A_265 = vector.load %arg1[%get3A_263, %get3A_264] : memref<32x10000xf32, #tpu.memory_space<vmem>>, vector<1x10000xf32>
    %get3A_266 = vector.shape_cast %get3A_265 : vector<1x10000xf32> to vector<10000xf32>
    %mul3A_267 = arith.mulf %squeeze3A_12, %get3A_266 : vector<10000xf32>
    %get3A_268 = arith.constant 22 : index
    %get3A_269 = arith.constant 0 : index
    %get3A_270 = vector.load %arg1[%get3A_268, %get3A_269] : memref<32x10000xf32, #tpu.memory_space<vmem>>, vector<1x10000xf32>
    %get3A_271 = vector.shape_cast %get3A_270 : vector<1x10000xf32> to vector<10000xf32>
    %mul3A_272 = arith.mulf %squeeze3A_12, %get3A_271 : vector<10000xf32>
    %get3A_273 = arith.constant 23 : index
    %get3A_274 = arith.constant 0 : index
    %get3A_275 = vector.load %arg1[%get3A_273, %get3A_274] : memref<32x10000xf32, #tpu.memory_space<vmem>>, vector<1x10000xf32>
    %get3A_276 = vector.shape_cast %get3A_275 : vector<1x10000xf32> to vector<10000xf32>
    %mul3A_277 = arith.mulf %squeeze3A_12, %get3A_276 : vector<10000xf32>
    %convert_element_type3A_278 = arith.truncf %mul3A_262 : vector<10000xf32> to vector<10000xbf16>
    %bitcast_convert_type3A_279 = tpu.bitcast %convert_element_type3A_278 : vector<10000xbf16> -> vector<10000xi16>
    %convert_element_type3A_280 = arith.extui %bitcast_convert_type3A_279 : vector<10000xi16> to vector<10000xi32>
    %convert_element_type3A_281 = arith.truncf %mul3A_267 : vector<10000xf32> to vector<10000xbf16>
    %bitcast_convert_type3A_282 = tpu.bitcast %convert_element_type3A_281 : vector<10000xbf16> -> vector<10000xi16>
    %convert_element_type3A_283 = arith.extui %bitcast_convert_type3A_282 : vector<10000xi16> to vector<10000xi32>
    %shift_left3A_284 = arith.constant 16 : i32
    %shift_left3A_285 = vector.broadcast %shift_left3A_284 : i32 to vector<10000xi32>
    %shift_left3A_286 = arith.shli %convert_element_type3A_283, %shift_left3A_285 : vector<10000xi32>
    %or3A_287 = arith.ori %convert_element_type3A_280, %shift_left3A_286 : vector<10000xi32>
    %swap3A_288 = arith.constant 5 : index
    %swap3A_289 = arith.constant 0 : index
    %swap3A_290 = vector.load %arg3[%swap3A_288, %swap3A_289] : memref<8x20480xi32, #tpu.memory_space<vmem>>, vector<1x10000xi32>
    %swap3A_291 = vector.shape_cast %swap3A_290 : vector<1x10000xi32> to vector<10000xi32>
    %swap3A_292 = vector.shape_cast %or3A_287 : vector<10000xi32> to vector<1x10000xi32>
    tpu.vector_store %arg3[%swap3A_288, %swap3A_289], %swap3A_292 {strides = array<i32>} : memref<8x20480xi32, #tpu.memory_space<vmem>>, vector<1x10000xi32>,
    %convert_element_type3A_293 = arith.truncf %mul3A_272 : vector<10000xf32> to vector<10000xbf16>
    %bitcast_convert_type3A_294 = tpu.bitcast %convert_element_type3A_293 : vector<10000xbf16> -> vector<10000xi16>
    %convert_element_type3A_295 = arith.extui %bitcast_convert_type3A_294 : vector<10000xi16> to vector<10000xi32>
    %convert_element_type3A_296 = arith.truncf %mul3A_277 : vector<10000xf32> to vector<10000xbf16>
    %bitcast_convert_type3A_297 = tpu.bitcast %convert_element_type3A_296 : vector<10000xbf16> -> vector<10000xi16>
    %convert_element_type3A_298 = arith.extui %bitcast_convert_type3A_297 : vector<10000xi16> to vector<10000xi32>
    %shift_left3A_299 = arith.constant 16 : i32
    %shift_left3A_300 = vector.broadcast %shift_left3A_299 : i32 to vector<10000xi32>
    %shift_left3A_301 = arith.shli %convert_element_type3A_298, %shift_left3A_300 : vector<10000xi32>
    %or3A_302 = arith.ori %convert_element_type3A_295, %shift_left3A_301 : vector<10000xi32>
    %swap3A_303 = arith.constant 5 : index
    %swap3A_304 = arith.constant 10240 : index
    %swap3A_305 = vector.load %arg3[%swap3A_303, %swap3A_304] : memref<8x20480xi32, #tpu.memory_space<vmem>>, vector<1x10000xi32>
    %swap3A_306 = vector.shape_cast %swap3A_305 : vector<1x10000xi32> to vector<10000xi32>
    %swap3A_307 = vector.shape_cast %or3A_302 : vector<10000xi32> to vector<1x10000xi32>
    tpu.vector_store %arg3[%swap3A_303, %swap3A_304], %swap3A_307 {strides = array<i32>} : memref<8x20480xi32, #tpu.memory_space<vmem>>, vector<1x10000xi32>,
    %get3A_308 = arith.constant 24 : index
    %get3A_309 = arith.constant 0 : index
    %get3A_310 = vector.load %arg1[%get3A_308, %get3A_309] : memref<32x10000xf32, #tpu.memory_space<vmem>>, vector<1x10000xf32>
    %get3A_311 = vector.shape_cast %get3A_310 : vector<1x10000xf32> to vector<10000xf32>
    %mul3A_312 = arith.mulf %squeeze3A_12, %get3A_311 : vector<10000xf32>
    %get3A_313 = arith.constant 25 : index
    %get3A_314 = arith.constant 0 : index
    %get3A_315 = vector.load %arg1[%get3A_313, %get3A_314] : memref<32x10000xf32, #tpu.memory_space<vmem>>, vector<1x10000xf32>
    %get3A_316 = vector.shape_cast %get3A_315 : vector<1x10000xf32> to vector<10000xf32>
    %mul3A_317 = arith.mulf %squeeze3A_12, %get3A_316 : vector<10000xf32>
    %get3A_318 = arith.constant 26 : index
    %get3A_319 = arith.constant 0 : index
    %get3A_320 = vector.load %arg1[%get3A_318, %get3A_319] : memref<32x10000xf32, #tpu.memory_space<vmem>>, vector<1x10000xf32>
    %get3A_321 = vector.shape_cast %get3A_320 : vector<1x10000xf32> to vector<10000xf32>
    %mul3A_322 = arith.mulf %squeeze3A_12, %get3A_321 : vector<10000xf32>
    %get3A_323 = arith.constant 27 : index
    %get3A_324 = arith.constant 0 : index
    %get3A_325 = vector.load %arg1[%get3A_323, %get3A_324] : memref<32x10000xf32, #tpu.memory_space<vmem>>, vector<1x10000xf32>
    %get3A_326 = vector.shape_cast %get3A_325 : vector<1x10000xf32> to vector<10000xf32>
    %mul3A_327 = arith.mulf %squeeze3A_12, %get3A_326 : vector<10000xf32>
    %convert_element_type3A_328 = arith.truncf %mul3A_312 : vector<10000xf32> to vector<10000xbf16>
    %bitcast_convert_type3A_329 = tpu.bitcast %convert_element_type3A_328 : vector<10000xbf16> -> vector<10000xi16>
    %convert_element_type3A_330 = arith.extui %bitcast_convert_type3A_329 : vector<10000xi16> to vector<10000xi32>
    %convert_element_type3A_331 = arith.truncf %mul3A_317 : vector<10000xf32> to vector<10000xbf16>
    %bitcast_convert_type3A_332 = tpu.bitcast %convert_element_type3A_331 : vector<10000xbf16> -> vector<10000xi16>
    %convert_element_type3A_333 = arith.extui %bitcast_convert_type3A_332 : vector<10000xi16> to vector<10000xi32>
    %shift_left3A_334 = arith.constant 16 : i32
    %shift_left3A_335 = vector.broadcast %shift_left3A_334 : i32 to vector<10000xi32>
    %shift_left3A_336 = arith.shli %convert_element_type3A_333, %shift_left3A_335 : vector<10000xi32>
    %or3A_337 = arith.ori %convert_element_type3A_330, %shift_left3A_336 : vector<10000xi32>
    %swap3A_338 = arith.constant 6 : index
    %swap3A_339 = arith.constant 0 : index
    %swap3A_340 = vector.load %arg3[%swap3A_338, %swap3A_339] : memref<8x20480xi32, #tpu.memory_space<vmem>>, vector<1x10000xi32>
    %swap3A_341 = vector.shape_cast %swap3A_340 : vector<1x10000xi32> to vector<10000xi32>
    %swap3A_342 = vector.shape_cast %or3A_337 : vector<10000xi32> to vector<1x10000xi32>
    tpu.vector_store %arg3[%swap3A_338, %swap3A_339], %swap3A_342 {strides = array<i32>} : memref<8x20480xi32, #tpu.memory_space<vmem>>, vector<1x10000xi32>,
    %convert_element_type3A_343 = arith.truncf %mul3A_322 : vector<10000xf32> to vector<10000xbf16>
    %bitcast_convert_type3A_344 = tpu.bitcast %convert_element_type3A_343 : vector<10000xbf16> -> vector<10000xi16>
    %convert_element_type3A_345 = arith.extui %bitcast_convert_type3A_344 : vector<10000xi16> to vector<10000xi32>
    %convert_element_type3A_346 = arith.truncf %mul3A_327 : vector<10000xf32> to vector<10000xbf16>
    %bitcast_convert_type3A_347 = tpu.bitcast %convert_element_type3A_346 : vector<10000xbf16> -> vector<10000xi16>
    %convert_element_type3A_348 = arith.extui %bitcast_convert_type3A_347 : vector<10000xi16> to vector<10000xi32>
    %shift_left3A_349 = arith.constant 16 : i32
    %shift_left3A_350 = vector.broadcast %shift_left3A_349 : i32 to vector<10000xi32>
    %shift_left3A_351 = arith.shli %convert_element_type3A_348, %shift_left3A_350 : vector<10000xi32>
    %or3A_352 = arith.ori %convert_element_type3A_345, %shift_left3A_351 : vector<10000xi32>
    %swap3A_353 = arith.constant 6 : index
    %swap3A_354 = arith.constant 10240 : index
    %swap3A_355 = vector.load %arg3[%swap3A_353, %swap3A_354] : memref<8x20480xi32, #tpu.memory_space<vmem>>, vector<1x10000xi32>
    %swap3A_356 = vector.shape_cast %swap3A_355 : vector<1x10000xi32> to vector<10000xi32>
    %swap3A_357 = vector.shape_cast %or3A_352 : vector<10000xi32> to vector<1x10000xi32>
    tpu.vector_store %arg3[%swap3A_353, %swap3A_354], %swap3A_357 {strides = array<i32>} : memref<8x20480xi32, #tpu.memory_space<vmem>>, vector<1x10000xi32>,
    %get3A_358 = arith.constant 28 : index
    %get3A_359 = arith.constant 0 : index
    %get3A_360 = vector.load %arg1[%get3A_358, %get3A_359] : memref<32x10000xf32, #tpu.memory_space<vmem>>, vector<1x10000xf32>
    %get3A_361 = vector.shape_cast %get3A_360 : vector<1x10000xf32> to vector<10000xf32>
    %mul3A_362 = arith.mulf %squeeze3A_12, %get3A_361 : vector<10000xf32>
    %get3A_363 = arith.constant 29 : index
    %get3A_364 = arith.constant 0 : index
    %get3A_365 = vector.load %arg1[%get3A_363, %get3A_364] : memref<32x10000xf32, #tpu.memory_space<vmem>>, vector<1x10000xf32>
    %get3A_366 = vector.shape_cast %get3A_365 : vector<1x10000xf32> to vector<10000xf32>
    %mul3A_367 = arith.mulf %squeeze3A_12, %get3A_366 : vector<10000xf32>
    %get3A_368 = arith.constant 30 : index
    %get3A_369 = arith.constant 0 : index
    %get3A_370 = vector.load %arg1[%get3A_368, %get3A_369] : memref<32x10000xf32, #tpu.memory_space<vmem>>, vector<1x10000xf32>
    %get3A_371 = vector.shape_cast %get3A_370 : vector<1x10000xf32> to vector<10000xf32>
    %mul3A_372 = arith.mulf %squeeze3A_12, %get3A_371 : vector<10000xf32>
    %get3A_373 = arith.constant 31 : index
    %get3A_374 = arith.constant 0 : index
    %get3A_375 = vector.load %arg1[%get3A_373, %get3A_374] : memref<32x10000xf32, #tpu.memory_space<vmem>>, vector<1x10000xf32>
    %get3A_376 = vector.shape_cast %get3A_375 : vector<1x10000xf32> to vector<10000xf32>
    %mul3A_377 = arith.mulf %squeeze3A_12, %get3A_376 : vector<10000xf32>
    %convert_element_type3A_378 = arith.truncf %mul3A_362 : vector<10000xf32> to vector<10000xbf16>
    %bitcast_convert_type3A_379 = tpu.bitcast %convert_element_type3A_378 : vector<10000xbf16> -> vector<10000xi16>
    %convert_element_type3A_380 = arith.extui %bitcast_convert_type3A_379 : vector<10000xi16> to vector<10000xi32>
    %convert_element_type3A_381 = arith.truncf %mul3A_367 : vector<10000xf32> to vector<10000xbf16>
    %bitcast_convert_type3A_382 = tpu.bitcast %convert_element_type3A_381 : vector<10000xbf16> -> vector<10000xi16>
    %convert_element_type3A_383 = arith.extui %bitcast_convert_type3A_382 : vector<10000xi16> to vector<10000xi32>
    %shift_left3A_384 = arith.constant 16 : i32
    %shift_left3A_385 = vector.broadcast %shift_left3A_384 : i32 to vector<10000xi32>
    %shift_left3A_386 = arith.shli %convert_element_type3A_383, %shift_left3A_385 : vector<10000xi32>
    %or3A_387 = arith.ori %convert_element_type3A_380, %shift_left3A_386 : vector<10000xi32>
    %swap3A_388 = arith.constant 7 : index
    %swap3A_389 = arith.constant 0 : index
    %swap3A_390 = vector.load %arg3[%swap3A_388, %swap3A_389] : memref<8x20480xi32, #tpu.memory_space<vmem>>, vector<1x10000xi32>
    %swap3A_391 = vector.shape_cast %swap3A_390 : vector<1x10000xi32> to vector<10000xi32>
    %swap3A_392 = vector.shape_cast %or3A_387 : vector<10000xi32> to vector<1x10000xi32>
    tpu.vector_store %arg3[%swap3A_388, %swap3A_389], %swap3A_392 {strides = array<i32>} : memref<8x20480xi32, #tpu.memory_space<vmem>>, vector<1x10000xi32>,
    %convert_element_type3A_393 = arith.truncf %mul3A_372 : vector<10000xf32> to vector<10000xbf16>
    %bitcast_convert_type3A_394 = tpu.bitcast %convert_element_type3A_393 : vector<10000xbf16> -> vector<10000xi16>
    %convert_element_type3A_395 = arith.extui %bitcast_convert_type3A_394 : vector<10000xi16> to vector<10000xi32>
    %convert_element_type3A_396 = arith.truncf %mul3A_377 : vector<10000xf32> to vector<10000xbf16>
    %bitcast_convert_type3A_397 = tpu.bitcast %convert_element_type3A_396 : vector<10000xbf16> -> vector<10000xi16>
    %convert_element_type3A_398 = arith.extui %bitcast_convert_type3A_397 : vector<10000xi16> to vector<10000xi32>
    %shift_left3A_399 = arith.constant 16 : i32
    %shift_left3A_400 = vector.broadcast %shift_left3A_399 : i32 to vector<10000xi32>
    %shift_left3A_401 = arith.shli %convert_element_type3A_398, %shift_left3A_400 : vector<10000xi32>
    %or3A_402 = arith.ori %convert_element_type3A_395, %shift_left3A_401 : vector<10000xi32>
    %swap3A_403 = arith.constant 7 : index
    %swap3A_404 = arith.constant 10240 : index
    %swap3A_405 = vector.load %arg3[%swap3A_403, %swap3A_404] : memref<8x20480xi32, #tpu.memory_space<vmem>>, vector<1x10000xi32>
    %swap3A_406 = vector.shape_cast %swap3A_405 : vector<1x10000xi32> to vector<10000xi32>
    %swap3A_407 = vector.shape_cast %or3A_402 : vector<10000xi32> to vector<1x10000xi32>
    tpu.vector_store %arg3[%swap3A_403, %swap3A_404], %swap3A_407 {strides = array<i32>} : memref<8x20480xi32, #tpu.memory_space<vmem>>, vector<1x10000xi32>,
    return
  }
}

module attributes {stable_mosaic.version = 14 : i64} {
  func.func @_dec_body(%arg0: memref<32x40960xf32, #tpu.memory_space<vmem>>, %arg1: memref<8x20480xi32, #tpu.memory_space<vmem>>, %arg2: memref<1x10240xf32, #tpu.memory_space<vmem>>, %arg3: memref<32x1xf32, #tpu.memory_space<vmem>>, %arg4: memref<128x32xf32, #tpu.memory_space<vmem>>, %arg5: memref<1x128xf32, #tpu.memory_space<vmem>>, %arg6: memref<10000x128xf32, #tpu.memory_space<vmem>>) attributes {dimension_semantics = [], scalar_prefetch = 0 : i64, scratch_operands = 0 : i64, tpu.core_type = #tpu.core_type<tc>} {
    %get3A = arith.constant 0 : index
    %get3A_0 = arith.constant 0 : index
    %get3A_1 = vector.load %arg0[%get3A, %get3A_0] : memref<32x40960xf32, #tpu.memory_space<vmem>>, vector<8x40960xf32>
    %get3A_2 = arith.constant 8 : index
    %get3A_3 = arith.constant 0 : index
    %get3A_4 = vector.load %arg0[%get3A_2, %get3A_3] : memref<32x40960xf32, #tpu.memory_space<vmem>>, vector<8x40960xf32>
    %add3A = arith.addf %get3A_1, %get3A_4 : vector<8x40960xf32>
    %get3A_5 = arith.constant 16 : index
    %get3A_6 = arith.constant 0 : index
    %get3A_7 = vector.load %arg0[%get3A_5, %get3A_6] : memref<32x40960xf32, #tpu.memory_space<vmem>>, vector<8x40960xf32>
    %add3A_8 = arith.addf %add3A, %get3A_7 : vector<8x40960xf32>
    %get3A_9 = arith.constant 24 : index
    %get3A_10 = arith.constant 0 : index
    %get3A_11 = vector.load %arg0[%get3A_9, %get3A_10] : memref<32x40960xf32, #tpu.memory_space<vmem>>, vector<8x40960xf32>
    %add3A_12 = arith.addf %add3A_8, %get3A_11 : vector<8x40960xf32>
    %get3A_13 = arith.constant 0 : index
    %get3A_14 = arith.constant 0 : index
    %get3A_15 = vector.load %arg1[%get3A_13, %get3A_14] : memref<8x20480xi32, #tpu.memory_space<vmem>>, vector<8x10240xi32>
    %get3A_16 = arith.constant 0 : index
    %get3A_17 = arith.constant 10240 : index
    %get3A_18 = vector.load %arg1[%get3A_16, %get3A_17] : memref<8x20480xi32, #tpu.memory_space<vmem>>, vector<8x10240xi32>
    %shift_left3A = arith.constant 16 : i32
    %shift_left3A_19 = vector.broadcast %shift_left3A : i32 to vector<8x10240xi32>
    %shift_left3A_20 = arith.shli %get3A_15, %shift_left3A_19 : vector<8x10240xi32>
    %bitcast_convert_type3A = tpu.bitcast %shift_left3A_20 : vector<8x10240xi32> -> vector<8x10240xf32>
    %and3A = arith.constant -65536 : i32
    %and3A_21 = vector.broadcast %and3A : i32 to vector<8x10240xi32>
    %and3A_22 = arith.andi %get3A_15, %and3A_21 : vector<8x10240xi32>
    %bitcast_convert_type3A_23 = tpu.bitcast %and3A_22 : vector<8x10240xi32> -> vector<8x10240xf32>
    %shift_left3A_24 = arith.constant 16 : i32
    %shift_left3A_25 = vector.broadcast %shift_left3A_24 : i32 to vector<8x10240xi32>
    %shift_left3A_26 = arith.shli %get3A_18, %shift_left3A_25 : vector<8x10240xi32>
    %bitcast_convert_type3A_27 = tpu.bitcast %shift_left3A_26 : vector<8x10240xi32> -> vector<8x10240xf32>
    %and3A_28 = arith.constant -65536 : i32
    %and3A_29 = vector.broadcast %and3A_28 : i32 to vector<8x10240xi32>
    %and3A_30 = arith.andi %get3A_18, %and3A_29 : vector<8x10240xi32>
    %bitcast_convert_type3A_31 = tpu.bitcast %and3A_30 : vector<8x10240xi32> -> vector<8x10240xf32>
    %concatenate3A = tpu.concatenate %bitcast_convert_type3A, %bitcast_convert_type3A_23, %bitcast_convert_type3A_27, %bitcast_convert_type3A_31 in 1 : vector<8x10240xf32>, vector<8x10240xf32>, vector<8x10240xf32>, vector<8x10240xf32> -> vector<8x40960xf32>
    %add3A_32 = arith.addf %add3A_12, %concatenate3A : vector<8x40960xf32>
    %reshape3A = vector.shape_cast %add3A_32 : vector<8x40960xf32> to vector<32x10240xf32>
    %get3A_33 = arith.constant 0 : index
    %get3A_34 = arith.constant 0 : index
    %get3A_35 = vector.load %arg2[%get3A_33, %get3A_34] : memref<1x10240xf32, #tpu.memory_space<vmem>>, vector<1x10240xf32>
    %mul3A = vector.broadcast %get3A_35 : vector<1x10240xf32> to vector<32x10240xf32>
    %mul3A_36 = arith.mulf %mul3A, %reshape3A : vector<32x10240xf32>
    %get3A_37 = arith.constant 0 : index
    %get3A_38 = arith.constant 0 : index
    %get3A_39 = vector.load %arg3[%get3A_37, %get3A_38] : memref<32x1xf32, #tpu.memory_space<vmem>>, vector<32x1xf32>
    %add3A_40 = vector.broadcast %get3A_39 : vector<32x1xf32> to vector<32x10240xf32>
    %add3A_41 = arith.addf %mul3A_36, %add3A_40 : vector<32x10240xf32>
    %max3A = arith.constant 0.000000e+00 : f32
    %max3A_42 = vector.broadcast %max3A : f32 to vector<32x10240xf32>
    %max3A_43 = arith.maximumf %add3A_41, %max3A_42 : vector<32x10240xf32>
    %get3A_44 = arith.constant 0 : index
    %get3A_45 = arith.constant 0 : index
    %get3A_46 = vector.load %arg4[%get3A_44, %get3A_45] : memref<128x32xf32, #tpu.memory_space<vmem>>, vector<128x32xf32>
    %dot_general3A = arith.constant dense<0.000000e+00> : vector<10240x128xf32>
    %dot_general3A_47 = tpu.matmul %max3A_43, %get3A_46, %dot_general3A {dimension_numbers = #tpu.dot_dimension_numbers<[0], [1], [1], [0], [0, 1, 1, 0], [], []>, transpose_lhs_hint = false} : vector<32x10240xf32>, vector<128x32xf32>, vector<10240x128xf32> -> vector<10240x128xf32>
    %slice3A = vector.extract_strided_slice %dot_general3A_47 {offsets = [0, 0], sizes = [10000, 128], strides = [1, 1]} : vector<10240x128xf32> to vector<10000x128xf32>
    %get3A_48 = arith.constant 0 : index
    %get3A_49 = arith.constant 0 : index
    %get3A_50 = vector.load %arg5[%get3A_48, %get3A_49] : memref<1x128xf32, #tpu.memory_space<vmem>>, vector<1x128xf32>
    %add3A_51 = vector.broadcast %get3A_50 : vector<1x128xf32> to vector<10000x128xf32>
    %add3A_52 = arith.addf %slice3A, %add3A_51 : vector<10000x128xf32>
    %swap3A = arith.constant 0 : index
    %swap3A_53 = arith.constant 0 : index
    %swap3A_54 = vector.load %arg6[%swap3A, %swap3A_53] : memref<10000x128xf32, #tpu.memory_space<vmem>>, vector<10000x128xf32>
    tpu.vector_store %arg6[%swap3A, %swap3A_53], %add3A_52 {strides = array<i32>} : memref<10000x128xf32, #tpu.memory_space<vmem>>, vector<10000x128xf32>,
    return
  }
}

</mosaic_0001>

<sc_bundles>
// kernel: kernel.11.cloned.1.call-start
scs
__scs_entry_jumppad:
0x0: {  	(pc) =	sbr.rel $0x88, $3  }
0x1: {  	(tag) =	ssettag $0x0;
	lr =	simm.s32 $0x1  }
0x2: {  	[smem:$0x3F98] =	sst lr;
	_ =	strace $0xD0000000  }
0x3: {  	_ = 	snop  }
0x4: {  	_ = 	snop  }
0x5: {  	_ = 	snop  }
0x6: {  	_ = 	snop  }
0x7: {  	_ = 	snop  }
__scs_overlays_trampoline_lowered:
0x8: {  	[smem:$0x3FA7] =	sst s0  }
0x9: {  	[smem:$0x3FA8] =	sst s1  }
0xa: {  	[smem:$0x3FA9] =	sst s2  }
0xb: {  	[smem:$0x3FAA] =	sst s3  }
0xc: {  	[smem:$0x3FAB] =	sst s4  }
0xd: {  	[smem:$0x3FAC] =	sst s5  }
0xe: {  	[smem:$0x3FAD] =	sst s6  }
0xf: {  	[smem:$0x3FAE] =	sst s7  }
0x10: {  	[smem:$0x3FAF] =	sst s8  }
0x11: {  	[smem:$0x3FB0] =	sst s9;
	s0 =	simm.s32 @!p0 $0x0  }
0x12: {  	s1 =	sld [smem:$0x3F96];
	s0 =	simm.s32 @p0 $0x1  }
0x13: {  	[smem:$0x3FB1] =	sst s0;
	s0 =	simm.s32 @!p1 $0x0  }
0x14: {  	s2 =	sld [smem:$0x3F95];
	s0 =	simm.s32 @p1 $0x1  }
0x15: {  	[smem:$0x3FB2] =	sst s0;
	s0 =	simm.s32 @!p2 $0x0  }
0x16: {  	s3 =	sld [smem:$0x3FDB];
	s0 =	simm.s32 @p2 $0x1  }
0x17: {  	s4 =	simm.s32 $0x1BF5;
	[smem:$0x3FB4] =	sst s0  }
0x18: {  	s0 =	sld [smem:$0x3F97];
	_ =	swait.ge [sflag:s4], $0x0  }
0x19: {  	s7 =	sld [smem:$0x3F98]  }
0x1a: {  	s8 =	sadd.s32 $0xFFFFE003, lr  }
0x1b: {  	s9 =	sadd.s32 $0xFFFFFEF7, lr;
	s5 =	simm.s32 $0xFFFFFFFF;
	p2 =	slt.u32 s8, $0xFFFFF086  }
0x1c: {  	p1 =	slt.u32 s9, $0xF7A;
	s5 =	simm.s32 @!p2 $0x0  }
0x1d: {  	s5 =	simm.s32 @p1 $0x1;
	p0 =	seq.s32 s7, s2  }
0x1e: {  	s7 =	smul.u32 @!p0 $0xF7A, s2;
	p2 =	seq.s32 @!p0 s5, $0x0  }
0x1f: {  	s9 =	smul.u32 $0xF7A, s1;
	s8 =	simm.s32 @!p0 $0x1BF5;
	p2 =	por !p2, p0  }
0x20: {  	[sflag:s8] =	ssyncset.s32 @!p0 $0xFFFFF086;
	s6 =	sadd.s32 @!p0 s3, s7;
	s7 =	simm.s32 @!p0 $0x108  }
0x21: {  	s3 =	sadd.s32 s3, s9;
	s6 =	sadd.s32 @!p0 $0x88, s6;
	s7 =	simm.s32 @p2 $0x1082  }
0x22: {  	[simem:s7], [sflag:s8] =	dma.local @!p0 [hbm:s6], $0xF7A  }
0x23: {  	s9 =	sor.u32 $0xD0000000, s2;
	s6 =	simm.s32 $0x108;
	_ =	swait.ge @!p0 [sflag:s8], $0x0  }
0x24: {  	s3 =	sadd.s32 $0x88, s3;
	s6 =	simm.s32 @!p1 $0x1082;
	[sflag:s4] =	ssyncset.s32 $0xFFFFF086  }
0x25: {  	[simem:s6], [sflag:s4] =	dma.local [hbm:s3], $0xF7A  }
0x26: {  	[smem:$0x3F98] =	sst s1;
	(tag) =	ssettag s2;
	_ =	strace s9  }
0x27: {  	s1 =	sld [smem:$0x3FA8]  }
0x28: {  	s2 =	sld [smem:$0x3FA9]  }
0x29: {  	s4 =	sld [smem:$0x3FAB]  }
0x2a: {  	p0 =	seq.s32 s5, $0x0;
	s5 =	sld [smem:$0x3FAC]  }
0x2b: {  	s6 =	sld [smem:$0x3FAD]  }
0x2c: {  	s7 =	sld [smem:$0x3FAE]  }
0x2d: {  	s3 =	simm.s32 $0x108;
	s8 =	sld [smem:$0x3FAF]  }
0x2e: {  	s3 =	simm.s32 @!p0 $0x1082;
	s9 =	sld [smem:$0x3FB0]  }
0x2f: {  	lr =	sadd.s32 s0, s3;
	s0 =	sld [smem:$0x3FA7]  }
0x30: {  	s3 =	sld [smem:$0x3FAA]  }
0x31: {  	[smem:$0x3FB3] =	sst s10  }
0x32: {  	s10 =	sld [smem:$0x3FB1];
	_ =	sdelay $0x3  }
0x33: {  	p0 =	seq.s32 s10, $0x1;
	s10 =	sld [smem:$0x3FB3];
	_ =	sdelay $0x3  }
0x34: {  	[smem:$0x3FB3] =	sst s10  }
0x35: {  	s10 =	sld [smem:$0x3FB2];
	_ =	sdelay $0x3  }
0x36: {  	p1 =	seq.s32 s10, $0x1;
	s10 =	sld [smem:$0x3FB3];
	_ =	sdelay $0x3  }
0x37: {  	[smem:$0x3FB3] =	sst s10  }
0x38: {  	s10 =	sld [smem:$0x3FB4]  }
0x39: {  	_ = 	snop;
	(pc) =	sbr.ind lr, $3  }
0x3a: {  	_ = 	snop  }
0x3b: {  	_ = 	snop  }
0x3c: {  	p2 =	seq.s32 s10, $0x1;
	s10 =	sld [smem:$0x3FB3]  }
0x3d: {  	_ =	shalt  }
0x3e: {  	_ =	shalt  }
0x3f: {  	_ =	shalt  }
0x40: {  	_ =	shalt  }
0x41: {  	_ =	shalt  }
0x42: {  	_ =	shalt  }
0x43: {  	_ =	shalt  }
0x44: {  	_ =	shalt  }
0x45: {  	_ =	shalt  }
0x46: {  	_ =	shalt  }
0x47: {  	_ =	shalt  }
0x48: {  	_ =	shalt  }
0x49: {  	_ =	shalt  }
0x4a: {  	_ =	shalt  }
0x4b: {  	_ =	shalt  }
0x4c: {  	_ =	shalt  }
0x4d: {  	_ =	shalt  }
0x4e: {  	_ =	shalt  }
0x4f: {  	_ =	shalt  }
0x50: {  	_ =	shalt  }
0x51: {  	_ =	shalt  }
0x52: {  	_ =	shalt  }
0x53: {  	_ =	shalt  }
0x54: {  	_ =	shalt  }
0x55: {  	_ =	shalt  }
0x56: {  	_ =	shalt  }
0x57: {  	_ =	shalt  }
0x58: {  	_ =	shalt  }
0x59: {  	_ =	shalt  }
0x5a: {  	_ =	shalt  }
0x5b: {  	_ =	shalt  }
0x5c: {  	_ =	shalt  }
0x5d: {  	_ =	shalt  }
0x5e: {  	_ =	shalt  }
0x5f: {  	_ =	shalt  }
0x60: {  	_ =	shalt  }
0x61: {  	_ =	shalt  }
0x62: {  	_ =	shalt  }
0x63: {  	_ =	shalt  }
0x64: {  	_ =	shalt  }
0x65: {  	_ =	shalt  }
0x66: {  	_ =	shalt  }
0x67: {  	_ =	shalt  }
0x68: {  	_ =	shalt  }
0x69: {  	_ =	shalt  }
0x6a: {  	_ =	shalt  }
0x6b: {  	_ =	shalt  }
0x6c: {  	_ =	shalt  }
0x6d: {  	_ =	shalt  }
0x6e: {  	_ =	shalt  }
0x6f: {  	_ =	shalt  }
0x70: {  	_ =	shalt  }
0x71: {  	_ =	shalt  }
0x72: {  	_ =	shalt  }
0x73: {  	_ =	shalt  }
0x74: {  	_ =	shalt  }
0x75: {  	_ =	shalt  }
0x76: {  	_ =	shalt  }
0x77: {  	_ =	shalt  }
0x78: {  	_ =	shalt  }
0x79: {  	_ =	shalt  }
0x7a: {  	_ =	shalt  }
0x7b: {  	_ =	shalt  }
0x7c: {  	_ =	shalt  }
0x7d: {  	_ =	shalt  }
0x7e: {  	_ =	shalt  }
0x7f: {  	_ =	shalt  }
0x80: {  	_ =	shalt  }
0x81: {  	_ =	shalt  }
0x82: {  	_ =	shalt  }
0x83: {  	_ =	shalt  }
0x84: {  	_ =	shalt  }
0x85: {  	_ =	shalt  }
0x86: {  	_ =	shalt  }
0x87: {  	_ =	shalt  }
.Lfunc_end0:
.L_simem_size_0:
called_computation.1_lowered:
.L_overlay_start_0:
0x88: {  	s2 =	sld [smem:$0x3FD9]  }
0x89: {  	s3 =	sld [smem:$0x3FFE];
	_ =	sdelay $0x1  }
0x8a: {  	s1 =	srdreg.scid  }
0x8b: {  	s0 =	sand.u32 $0x1, s1  }
0x8c: {  	s17 =	sshll.u32 s0, $0xA;
	s2 =	sadd.s32 s3, s2  }
0x8d: {  	s2 =	sadd.s32 s2, s17  }
0x8e: {  	[smem:$0x3FBF] =	sst s2  }
0x8f: {  	_ = 	snop  }
0x90: {  	s2 =	sld [smem:$0x3FC7]  }
0x91: {  	s18 =	sld [smem:$0x3FD0];
	(tm) =	ssettm $0x1  }
0x92: {  	s4 =	sld [smem:$0x3FFB];
	_ =	sdelay $0x3  }
0x93: {  	_ =	strace s4  }
0x94: {  	s4 =	sld [smem:$0x3FFC];
	_ =	sdelay $0x3  }
0x95: {  	_ =	strace s4  }
0x96: {  	s4 =	sld [smem:$0x3FFD];
	_ =	sdelay $0x3  }
0x97: {  	_ =	strace s4  }
0x98: {  	_ =	strace $0x8FFFFFFF  }
0x99: {  	s19 =	sld [smem:$0x3FDB];
	_ =	sdelay $0x1  }
0x9a: {  	s5 =	simm.s32 $_scs_section_size  }
0x9b: {  	s6 =	simm.s32 $_size__tile_overlayer_lowered;
	s7 =	simm.s32 $_tile_overlayer_lowered  }
0x9c: {  	s22 =	simm.s32 $0x1BFF;
	s21 =	sshll.u32 s7, $0x1;
	s4 =	sadd.s32 s5, s19  }
0x9d: {  	s8 =	simm.s32 $0x0;
	s20 =	sshll.u32 s6, $0x1;
	s6 =	sadd.s32 s21, s4  }
0x9e: {  	[timem:s8], [sflag:s22] =	dma.local [hbm:s6], s20  }
0x9f: {  	_ =	swait.ge [sflag:s22], s20  }
0xa0: {  	s5 =	ssub.s32 $0x0, s20;
	[sflag:s22] =	ssyncset.done $0x0  }
0xa1: {  	[sflag:s22] =	ssyncadd.s32 s5;
	_ =	sdelay $0x1  }
0xa2: {  	s23 =	simm.s32 $0x1B8B  }
0xa3: {  	_ =	swait.ge [sflag:s23], $0x1  }
0xa4: {  	[sflag:s23] =	ssyncset.done $0x0  }
0xa5: {  	s25 =	simm.s32 $0x1B8E;
	s24 =	sld [smem:$0x3FFE];
	[sflag:s23] =	ssyncadd.s32 $0xFFFFFFFF  }
0xa6: {  	s26 =	simm.s32 $execute0_lowered;
	[smem:$0x3FD2] =	sst s25  }
0xa7: {  	s6 =	sshll.u32 s26, $0x1;
	_ =	strace $0x80000049;
	[dreg:$0x1] =	wrdreg $0xFFFFFFFF  }
0xa8: {  	s28 =	simm.s32 $_size_execute0_lowered;
	s4 =	sadd.s32 s4, s6;
	[dreg:$0x0] =	wrdreg $0x0  }
0xa9: {  	s6 =	sshll.u32 s28, $0x1;
	[dreg:$0x2] =	wrdreg s4  }
0xaa: {  	[dreg:$0x3] =	wrdreg s6  }
0xab: {  	[dreg:$0x4] =	wrdreg $0xC0  }
0xac: {  	_ =	task [dreg:s8], $0x5FFFF  }
0xad: {  	[dreg:$0x1] =	wrdreg $0xFFFFFFFF  }
0xae: {  	[dreg:$0x0] =	wrdreg $0x60  }
0xaf: {  	[dreg:$0x2] =	wrdreg s24  }
0xb0: {  	[dreg:$0x3] =	wrdreg s2  }
0xb1: {  	[dreg:$0x4] =	wrdreg s18  }
0xb2: {  	[dreg:$0x5] =	wrdreg $0x9  }
0xb3: {  	_ =	task.clear_ibuf [dreg:s8], $0x6FFFF;
	_ =	strace $0x90000049  }
0xb4: {  	s29 =	simm.s32 $0x9;
	_ =	strace $0x8000004B  }
0xb5: {  	_ =	swait.ge [sflag:s29], $0x1  }
0xb6: {  	[sflag:s29] =	ssyncadd.s32 $0xFFFFFFFF  }
0xb7: {  	_ =	strace $0x9000004B  }
0xb8: {  	_ =	sfence  }
0xb9: {  	s30 =	sld [smem:$0x0];
	_ =	sdelay $0x2  }
0xba: {  	s31 =	sshll.u32 s1, $0xD;
	s1 =	sshrl.u32 s1, $0x2  }
0xbb: {  	s3 =	sand.u32 $0x4000, s31;
	s1 =	sadd.s32 s1, s30  }
0xbc: {  	s0 =	sor.u32 s3, s0;
	s1 =	sshll.u32 s1, $0x11  }
0xbd: {  	s0 =	sor.u32 s1, s0  }
0xbe: {  	s0 =	sadd.s32 $0x8F2B, s0  }
0xbf: {  	[sflag:s0] =	ssyncadd.remote.s32 $0x1  }
0xc0: {  	_ =	sfence.sel $0xFFFF  }
0xc1: {  	[dreg:$0x0] =	wrdreg $0xFFFFFFFF;
	(pc) =	sbr.abs _section_cstart, $3  }
0xc2: {  	[dreg:$0x1] =	wrdreg $0xFFFFFFFF  }
0xc3: {  	_ =	task.clear_ibuf [dreg:s8], $0x2FFFF;
	_ =	strace $0x9FFFFFFF  }
0xc4: {  	(tm) =	ssettm $0x7FFFFFFF  }
0xc5: {  	_ =	shalt  }
tec
execute0_lowered:
.L_overlay_start_1:
0x0: {  	(tag) =	ssettag $0x1  }
0x1: {  	s0 =	rddreg [dreg:$0x0]  }
0x2: {  	s1 =	rddreg [dreg:$0x1];
	s2 =	srdreg.scid  }
0x3: {  	s6 =	stileid.u32;
	s3 =	rddreg [dreg:$0x2]  }
0x4: {  	s28 =	simm.s32 $0x1;
	s29 =	simm.s32 $0x11780;
	s30 =	simm.s32 $0x16680  }
0x5: {  	s31 =	simm.s32 $0x2800;
	s13 =	sshll.u32 s6, $0x1;
	s6 =	sshrl.u32 s6, $0x2  }
0x6: {  	s4 =	sand.u32 $0x1, s2;
	s2 =	simm.s32 $0x0;
	s7 =	smul.u32 $0x50000, s6  }
0x7: {  	s5 =	sor.u32 s4, s13;
	[smem:$0x7FF] =	sst s2;
	s6 =	smul.u32 $0x13880, s6  }
0x8: {  	s4 =	ssub.s32 $0x2, s4;
	s8 =	sshll.u32 s5, $0x7;
	_ =	strace $0x8000004A  }
0x9: {  	s14 =	sshrl.u32 s4, $0x1;
	s5 =	sshll.u32 s5, $0x4;
	s8 =	sand.u32 $0x380, s8  }
0xa: {  	s6 =	sshrl.u32 s6, $0x3;
	s4 =	ssub.s32 s4, s14;
	s5 =	sand.u32 $0x70, s5  }
0xb: {  	s7 =	sor.u32 s7, s8;
	s8 =	sadd.s32 $0xCC00, s0;
	s16 =	sadd.s32 s1, s6  }
0xc: {  	s17 =	sadd.s32 $0x4E2, s6;
	s3 =	sadd.s32 s3, s5;
	s19 =	sadd.s32 $0x9C4, s6  }
0xd: {  	s22 =	sadd.s32 $0xEA6, s6;
	s23 =	sadd.s32 $0x1388, s6;
	s24 =	sadd.s32 $0x186A, s6  }
0xe: {  	s25 =	sadd.s32 $0x1D4C, s6;
	s26 =	sadd.s32 $0x222E, s6;
	s5 =	simm.s32 $0x0  }
0xf: {  	s7 =	sshrl.u32 s7, $0x3;
	s15 =	sadd.s32 s8, s6;
	[dreg:$0x5] =	wrdreg s16  }
0x10: {  	[dreg:$0x6] =	wrdreg s3;
	s18 =	sadd.s32 s8, s17;
	s20 =	sadd.s32 s1, s17  }
0x11: {  	s21 =	sadd.s32 s8, s19;
	s9 =	sadd.s32 s1, s19;
	s10 =	sadd.s32 s8, s22  }
0x12: {  	s11 =	sadd.s32 s1, s22;
	s12 =	sadd.s32 s8, s23;
	s13 =	sadd.s32 s1, s23  }
0x13: {  	s14 =	sadd.s32 s8, s24;
	s16 =	sadd.s32 s8, s25;
	s17 =	sadd.s32 s1, s25  }
0x14: {  	s19 =	sadd.s32 s1, s26;
	s22 =	simm.s32 $0xF000;
	[dreg:$0x4] =	wrdreg s15  }
0x15: {  	s23 =	simm.s32 $0x13F00;
	s3 =	simm.s32 $0xA000;
	[dreg:$0x7] =	wrdreg s18  }
0x16: {  	s25 =	simm.s32 $0x4;
	s0 =	sadd.s32 s7, s0;
	[dreg:$0x8] =	wrdreg s20  }
0x17: {  	[dreg:$0x9] =	wrdreg s21;
	s15 =	sadd.s32 s1, s24;
	s18 =	sadd.s32 s8, s26  }
0x18: {  	s21 =	smax.u32 s4, $0x1;
	s7 =	simm.s32 $0x80;
	s8 =	simm.s32 $0x400  }
0x19: {  	s26 =	simm.s32 $0x3;
	s1 =	simm.s32 $0x5000;
	s4 =	simm.s32 $0xC800  }
0x1a: {  	v0 =	vimm.f32 $0.0e+00;
	s24 =	simm.s32 $0x2;
	s20 =	sadd.s32 $0x16A00, s0;
	s0 =	simm.s32 $0x7800  }
.LBB2_1:
0x1b: {  	s6 =	rddreg [dreg:$0x4]  }
0x1c: {  	[tilespmem:s22], [sflag:$0x1] =	stream.linear.gather [hbm4b:s6+s2], $0x2710, $0x38;
	[tilespmem:$0x18E00] =	vst v63  }
0x1d: {  	s6 =	rddreg [dreg:$0x5]  }
0x1e: {  	[tilespmem:s23], [sflag:$0x1] =	stream.linear.gather [hbm4b:s6+s2], $0x2710, $0x38;
	[tilespmem:$0x18E00] =	vst v63  }
0x1f: {  	s6 =	rddreg [dreg:$0x6]  }
0x20: {  	[tilespmem:s2], [sflag:$0x3] =	stream.strided.gather [hbm4b:s6+s7], $0x5000, s8, s7, $0x38;
	[tilespmem:$0x18E00] =	vst v63  }
0x21: {  	s6 =	simm.s32 $0x5020  }
0x22: {  	[tilespmem:s6+$0xFFFFFFE0] =	vst v0  }
0x23: {  	[tilespmem:s6+$0x10] =	vst v0  }
0x24: {  	s7 =	simm.s32 $0x0;
	[tilespmem:s6+$0x0] =	vst v0  }
.LBB2_2:
0x25: {  	s7 =	sadd.s32 $0x4, s7  }
0x26: {  	[tilespmem:s6+$0xFFFFFFF0] =	vst v0;
	s6 =	sadd.s32 $0x40, s6;
	p0 =	slt.u32 s7, $0x9FC  }
.Ltmp0:
0x27: {  	[tilespmem:s6+$0xFFFFFFE0] =	vst v0;
	(pc) =	sbr.rel @p0 .LBB2_2-.Ltmp0, $3  }
0x28: {  	_ =	sdelay $0x1  }
0x29: {  	[tilespmem:s6+$0x10] =	vst v0  }
0x2a: {  	[tilespmem:s6+$0x0] =	vst v0  }
0x2b: {  	[tilespmem:s6+$0xFFFFFFF0] =	vst v0  }
0x2c: {  	_ =	swait.ge [sflag:s26], $0x5000  }
0x2d: {  	[sflag:s26] =	ssyncset.done $0x0  }
0x2e: {  	[sflag:s26] =	ssyncadd.s32 $0xFFFFB000  }
0x2f: {  	_ =	swait.ge [sflag:s28], $0x2710  }
0x30: {  	[sflag:s28] =	ssyncset.done $0x0  }
0x31: {  	[sflag:s28] =	ssyncadd.s32 $0xFFFFD8F0  }
0x32: {  	_ =	swait.ge [sflag:s28], $0x2710  }
0x33: {  	[sflag:s28] =	ssyncset.done $0x0  }
0x34: {  	s8 =	rddreg [dreg:$0x7];
	[sflag:s28] =	ssyncadd.s32 $0xFFFFD8F0  }
0x35: {  	[tilespmem:s29], [sflag:$0x2] =	stream.linear.gather [hbm4b:s8+s2], $0x2710, $0x38;
	[tilespmem:$0x18E00] =	vst v63  }
0x36: {  	s7 =	rddreg [dreg:$0x8];
	s8 =	simm.s32 $0xF020  }
0x37: {  	[tilespmem:s30], [sflag:$0x2] =	stream.linear.gather [hbm4b:s7+s2], $0x2710, $0x38;
	[tilespmem:$0x18E00] =	vst v63  }
0x38: {  	v1 =	vld [tilespmem:s8+$0x10];
	_ =	sdelay $0x1  }
0x39: {  	v3 =	vld [tilespmem:s8+$0xFFFFFFE0];
	_ =	sdelay $0x1  }
0x3a: {  	v2 =	vld [tilespmem:s8+$0xFFFFFFF0]  }
0x3b: {  	v4 =	vshrl.u32 v1, $0xE  }
0x3c: {  	v5 =	vld [tilespmem:s8+$0x0]  }
0x3d: {  	s6 =	simm.s32 $0x13F20;
	v6 =	vshrl.u32 v3, $0xE  }
0x3e: {  	v9 =	vld [tilespmem:s6+$0x10]  }
0x3f: {  	v18 =	vld [tilespmem:s6+$0xFFFFFFF0];
	v7 =	vshrl.u32 v2, $0xE  }
0x40: {  	v8 =	vld.idx.msk [tilespmem:v4+s2+$0x0], $0xffff  }
0x41: {  	v10 =	vshrl.u32 v5, $0xE;
	v4 =	vld.idx.msk [tilespmem:v4+s31+$0x0], $0xffff  }
0x42: {  	v11 =	vld.idx.msk [tilespmem:v6+s2+$0x0], $0xffff  }
0x43: {  	v6 =	vld.idx.msk [tilespmem:v6+s31+$0x0], $0xffff  }
0x44: {  	v12 =	vand.u32 $0x3FFF, v1;
	v13 =	vld.idx.msk [tilespmem:v7+s2+$0x0], $0xffff  }
0x45: {  	v7 =	vld.idx.msk [tilespmem:v7+s31+$0x0], $0xffff  }
0x46: {  	v15 =	vld.idx.msk [tilespmem:v10+s2+$0x0], $0xffff;
	v14 =	vshll.u32 v8, $0x10  }
0x47: {  	v1 =	vand.u32 $0x3FFF, v5;
	v16 =	vld.idx.msk [tilespmem:v10+s31+$0x0], $0xffff;
	v8 =	vand.u32 $0xFFFF0000, v8;
	v5 =	vmul.f32 v14, v9  }
0x48: {  	v10 =	vshll.u32 v4, $0x10;
	v14 =	vld [tilespmem:s6+$0xFFFFFFE0];
	v8 =	vmul.f32 v8, v9  }
0x49: {  	v4 =	vand.u32 $0xFFFF0000, v4;
	[tilespmem:v12+s1+$0x0] =	vst.idx.add.f32.msk $0xffff, v5;
	v5 =	vmul.f32 v10, v9  }
0x4a: {  	v2 =	vand.u32 $0x3FFF, v2;
	v4 =	vmul.f32 v4, v9;
	[tilespmem:v12+s0+$0x0] =	vst.idx.add.f32.msk $0xffff, v8  }
0x4b: {  	v3 =	vand.u32 $0x3FFF, v3;
	v17 =	vshll.u32 v11, $0x10;
	v19 =	vand.u32 $0xFFFF0000, v13;
	[tilespmem:v12+s3+$0x0] =	vst.idx.add.f32.msk $0xffff, v5  }
0x4c: {  	v20 =	vshll.u32 v7, $0x10;
	v21 =	vand.u32 $0xFFFF0000, v7;
	v7 =	vshll.u32 v16, $0x10;
	[tilespmem:v12+s4+$0x0] =	vst.idx.add.f32.msk $0xffff, v4  }
0x4d: {  	v10 =	vand.u32 $0xFFFF0000, v11;
	v11 =	vshll.u32 v6, $0x10;
	v9 =	vshll.u32 v13, $0x10;
	v4 =	vld [tilespmem:s6+$0x0]  }
0x4e: {  	v8 =	vand.u32 $0xFFFF0000, v6;
	v12 =	vmul.f32 v17, v14;
	v63 =	vmul.f32 v10, v14  }
0x4f: {  	v6 =	vand.u32 $0xFFFF0000, v15;
	v13 =	vmul.f32 v11, v14;
	v10 =	vmul.f32 v8, v14  }
0x50: {  	v5 =	vshll.u32 v15, $0x10;
	v14 =	vmul.f32 v9, v18;
	v11 =	vmul.f32 v19, v18;
	[tilespmem:v3+s1+$0x0] =	vst.idx.add.f32.msk $0xffff, v12  }
0x51: {  	s7 =	simm.s32 $0x0;
	s8 =	simm.s32 $0xF060;
	v8 =	vand.u32 $0xFFFF0000, v16;
	v9 =	vmul.f32 v21, v18;
	v12 =	vmul.f32 v20, v18;
	[tilespmem:v3+s0+$0x0] =	vst.idx.add.f32.msk $0xffff, v63  }
.LBB2_4:
0x52: {  	v15 =	vld [tilespmem:s8+$0x10];
	v16 =	vmul.f32 v5, v4;
	v17 =	vmul.f32 v6, v4  }
0x53: {  	v18 =	vmul.f32 v7, v4;
	v19 =	vmul.f32 v8, v4;
	v5 =	vld [tilespmem:s8+$0xFFFFFFF0]  }
0x54: {  	v4 =	vld [tilespmem:s8+$0x0]  }
0x55: {  	s7 =	sadd.s32 $0x4, s7;
	v6 =	vld [tilespmem:s8+$0xFFFFFFE0]  }
0x56: {  	p0 =	slt.u32 s7, $0x26C;
	[tilespmem:v3+s3+$0x0] =	vst.idx.add.f32.msk $0xffff, v13  }
0x57: {  	v7 =	vshrl.u32 v15, $0xE;
	[tilespmem:v3+s4+$0x0] =	vst.idx.add.f32.msk $0xffff, v10  }
0x58: {  	v8 =	vshrl.u32 v5, $0xE;
	v5 =	vand.u32 $0x3FFF, v5;
	[tilespmem:v2+s1+$0x0] =	vst.idx.add.f32.msk $0xffff, v14  }
0x59: {  	v10 =	vshrl.u32 v4, $0xE;
	v14 =	vand.u32 $0x3FFF, v4;
	[tilespmem:v2+s0+$0x0] =	vst.idx.add.f32.msk $0xffff, v11  }
0x5a: {  	v4 =	vshrl.u32 v6, $0xE;
	v3 =	vand.u32 $0x3FFF, v6;
	[tilespmem:v2+s3+$0x0] =	vst.idx.add.f32.msk $0xffff, v12  }
0x5b: {  	[tilespmem:v2+s4+$0x0] =	vst.idx.add.f32.msk $0xffff, v9;
	v2 =	vmov v5  }
0x5c: {  	s6 =	sadd.s32 $0x40, s6;
	v5 =	vld.idx.msk [tilespmem:v7+s2+$0x0], $0xffff  }
0x5d: {  	v6 =	vld [tilespmem:s6+$0x10]  }
0x5e: {  	v7 =	vld.idx.msk [tilespmem:v7+s31+$0x0], $0xffff  }
0x5f: {  	v9 =	vld.idx.msk [tilespmem:v4+s2+$0x0], $0xffff  }
0x60: {  	v11 =	vand.u32 $0x3FFF, v15;
	v4 =	vld.idx.msk [tilespmem:v4+s31+$0x0], $0xffff  }
0x61: {  	v12 =	vld.idx.msk [tilespmem:v8+s2+$0x0], $0xffff  }
0x62: {  	v13 =	vshll.u32 v5, $0x10;
	v8 =	vld.idx.msk [tilespmem:v8+s31+$0x0], $0xffff  }
0x63: {  	v5 =	vand.u32 $0xFFFF0000, v5;
	v13 =	vmul.f32 v13, v6;
	v15 =	vld.idx.msk [tilespmem:v10+s2+$0x0], $0xffff  }
0x64: {  	v5 =	vmul.f32 v5, v6;
	v20 =	vshll.u32 v7, $0x10;
	v10 =	vld.idx.msk [tilespmem:v10+s31+$0x0], $0xffff  }
0x65: {  	v7 =	vand.u32 $0xFFFF0000, v7;
	v21 =	vshll.u32 v9, $0x10;
	v20 =	vmul.f32 v20, v6;
	[tilespmem:v11+s1+$0x0] =	vst.idx.add.f32.msk $0xffff, v13  }
0x66: {  	v9 =	vand.u32 $0xFFFF0000, v9;
	v6 =	vmul.f32 v7, v6;
	v13 =	vshll.u32 v4, $0x10;
	[tilespmem:v11+s0+$0x0] =	vst.idx.add.f32.msk $0xffff, v5  }
0x67: {  	v22 =	vand.u32 $0xFFFF0000, v4;
	v23 =	vshll.u32 v12, $0x10;
	v12 =	vand.u32 $0xFFFF0000, v12;
	[tilespmem:v11+s3+$0x0] =	vst.idx.add.f32.msk $0xffff, v20  }
0x68: {  	v20 =	vshll.u32 v8, $0x10;
	v24 =	vand.u32 $0xFFFF0000, v8;
	[tilespmem:v11+s4+$0x0] =	vst.idx.add.f32.msk $0xffff, v6  }
0x69: {  	v5 =	vshll.u32 v15, $0x10;
	v6 =	vand.u32 $0xFFFF0000, v15;
	v11 =	vld [tilespmem:s6+$0xFFFFFFE0]  }
0x6a: {  	v7 =	vshll.u32 v10, $0x10;
	v8 =	vand.u32 $0xFFFF0000, v10;
	v15 =	vld [tilespmem:s6+$0xFFFFFFF0]  }
0x6b: {  	v4 =	vld [tilespmem:s6+$0x0]  }
0x6c: {  	[tilespmem:v1+s1+$0x0] =	vst.idx.add.f32.msk $0xffff, v16  }
.Ltmp1:
0x6d: {  	[tilespmem:v1+s0+$0x0] =	vst.idx.add.f32.msk $0xffff, v17;
	(pc) =	sbr.rel @p0 .LBB2_4-.Ltmp1, $4  }
0x6e: {  	v16 =	vmul.f32 v21, v11;
	v9 =	vmul.f32 v9, v11;
	[tilespmem:v1+s3+$0x0] =	vst.idx.add.f32.msk $0xffff, v18  }
0x6f: {  	v13 =	vmul.f32 v13, v11;
	v10 =	vmul.f32 v22, v11;
	[tilespmem:v1+s4+$0x0] =	vst.idx.add.f32.msk $0xffff, v19;
	v1 =	vmov v14  }
0x70: {  	v14 =	vmul.f32 v23, v15;
	v11 =	vmul.f32 v12, v15;
	[tilespmem:v3+s1+$0x0] =	vst.idx.add.f32.msk $0xffff, v16  }
0x71: {  	s8 =	sadd.s32 $0x40, s8;
	v12 =	vmul.f32 v20, v15;
	[tilespmem:v3+s0+$0x0] =	vst.idx.add.f32.msk $0xffff, v9;
	v9 =	vmul.f32 v24, v15  }
0x72: {  	_ =	sdelay $0x3  }
0x73: {  	[tilespmem:v3+s3+$0x0] =	vst.idx.add.f32.msk $0xffff, v13  }
0x74: {  	[tilespmem:v2+s1+$0x0] =	vst.idx.add.f32.msk $0xffff, v14  }
0x75: {  	[tilespmem:v3+s4+$0x0] =	vst.idx.add.f32.msk $0xffff, v10  }
0x76: {  	[tilespmem:v2+s0+$0x0] =	vst.idx.add.f32.msk $0xffff, v11  }
0x77: {  	v3 =	vmul.f32 v5, v4;
	[tilespmem:v2+s3+$0x0] =	vst.idx.add.f32.msk $0xffff, v12  }
0x78: {  	v5 =	vmul.f32 v6, v4;
	[tilespmem:v2+s4+$0x0] =	vst.idx.add.f32.msk $0xffff, v9  }
0x79: {  	v2 =	vmul.f32 v7, v4;
	[tilespmem:v1+s1+$0x0] =	vst.idx.add.f32.msk $0xffff, v3  }
0x7a: {  	v3 =	vmul.f32 v8, v4;
	[tilespmem:v1+s0+$0x0] =	vst.idx.add.f32.msk $0xffff, v5  }
0x7b: {  	[tilespmem:v1+s3+$0x0] =	vst.idx.add.f32.msk $0xffff, v2  }
0x7c: {  	[tilespmem:v1+s4+$0x0] =	vst.idx.add.f32.msk $0xffff, v3  }
0x7d: {  	v1 =	vld [tilespmem:$0x11700];
	_ =	sdelay $0x4  }
0x7e: {  	v2 =	vshrl.u32 v1, $0xE;
	_ =	sdelay $0x4  }
0x7f: {  	v3 =	vld.idx.msk [tilespmem:v2+s2+$0x0], $0xffff  }
0x80: {  	v4 =	vld [tilespmem:$0x16600]  }
0x81: {  	v2 =	vld.idx.msk [tilespmem:v2+s31+$0x0], $0xffff  }
0x82: {  	v1 =	vand.u32 $0x3FFF, v1;
	_ =	sdelay $0x1  }
0x83: {  	v5 =	vshll.u32 v3, $0x10  }
0x84: {  	v3 =	vand.u32 $0xFFFF0000, v3;
	v5 =	vmul.f32 v5, v4  }
0x85: {  	v6 =	vshll.u32 v2, $0x10;
	v3 =	vmul.f32 v3, v4  }
0x86: {  	v2 =	vand.u32 $0xFFFF0000, v2;
	v6 =	vmul.f32 v6, v4;
	[tilespmem:v1+s1+$0x0] =	vst.idx.add.f32.msk $0xffff, v5  }
0x87: {  	v2 =	vmul.f32 v2, v4;
	[tilespmem:v1+s0+$0x0] =	vst.idx.add.f32.msk $0xffff, v3  }
0x88: {  	[tilespmem:v1+s3+$0x0] =	vst.idx.add.f32.msk $0xffff, v6  }
0x89: {  	[tilespmem:v1+s4+$0x0] =	vst.idx.add.f32.msk $0xffff, v2  }
0x8a: {  	_ =	swait.ge [sflag:s24], $0x2710  }
0x8b: {  	[sflag:s24] =	ssyncset.done $0x0  }
0x8c: {  	[sflag:s24] =	ssyncadd.s32 $0xFFFFD8F0  }
0x8d: {  	_ =	swait.ge [sflag:s24], $0x2710  }
0x8e: {  	[sflag:s24] =	ssyncset.done $0x0  }
0x8f: {  	s6 =	rddreg [dreg:$0x9];
	[sflag:s24] =	ssyncadd.s32 $0xFFFFD8F0  }
0x90: {  	[tilespmem:s22], [sflag:$0x1] =	stream.linear.gather [hbm4b:s6+s2], $0x2710, $0x38;
	[tilespmem:$0x18E00] =	vst v63  }
0x91: {  	s8 =	simm.s32 $0x117A0  }
0x92: {  	[tilespmem:s23], [sflag:$0x1] =	stream.linear.gather [hbm4b:s9+s2], $0x2710, $0x38;
	[tilespmem:$0x18E00] =	vst v63  }
0x93: {  	v1 =	vld [tilespmem:s8+$0x10];
	_ =	sdelay $0x1  }
0x94: {  	v3 =	vld [tilespmem:s8+$0xFFFFFFE0];
	_ =	sdelay $0x1  }
0x95: {  	v2 =	vld [tilespmem:s8+$0xFFFFFFF0]  }
0x96: {  	v4 =	vshrl.u32 v1, $0xE  }
0x97: {  	v5 =	vld [tilespmem:s8+$0x0]  }
0x98: {  	s6 =	simm.s32 $0x166A0;
	v6 =	vshrl.u32 v3, $0xE  }
0x99: {  	v9 =	vld [tilespmem:s6+$0x10]  }
0x9a: {  	v18 =	vld [tilespmem:s6+$0xFFFFFFF0];
	v7 =	vshrl.u32 v2, $0xE  }
0x9b: {  	v8 =	vld.idx.msk [tilespmem:v4+s2+$0x0], $0xffff  }
0x9c: {  	v10 =	vshrl.u32 v5, $0xE;
	v4 =	vld.idx.msk [tilespmem:v4+s31+$0x0], $0xffff  }
0x9d: {  	v11 =	vld.idx.msk [tilespmem:v6+s2+$0x0], $0xffff  }
0x9e: {  	v6 =	vld.idx.msk [tilespmem:v6+s31+$0x0], $0xffff  }
0x9f: {  	v12 =	vand.u32 $0x3FFF, v1;
	v13 =	vld.idx.msk [tilespmem:v7+s2+$0x0], $0xffff  }
0xa0: {  	v7 =	vld.idx.msk [tilespmem:v7+s31+$0x0], $0xffff  }
0xa1: {  	v15 =	vld.idx.msk [tilespmem:v10+s2+$0x0], $0xffff;
	v14 =	vshll.u32 v8, $0x10  }
0xa2: {  	v1 =	vand.u32 $0x3FFF, v5;
	v16 =	vld.idx.msk [tilespmem:v10+s31+$0x0], $0xffff;
	v8 =	vand.u32 $0xFFFF0000, v8;
	v5 =	vmul.f32 v14, v9  }
0xa3: {  	v10 =	vshll.u32 v4, $0x10;
	v14 =	vld [tilespmem:s6+$0xFFFFFFE0];
	v8 =	vmul.f32 v8, v9  }
0xa4: {  	v4 =	vand.u32 $0xFFFF0000, v4;
	[tilespmem:v12+s1+$0x0] =	vst.idx.add.f32.msk $0xffff, v5;
	v5 =	vmul.f32 v10, v9  }
0xa5: {  	v2 =	vand.u32 $0x3FFF, v2;
	v4 =	vmul.f32 v4, v9;
	[tilespmem:v12+s0+$0x0] =	vst.idx.add.f32.msk $0xffff, v8  }
0xa6: {  	v3 =	vand.u32 $0x3FFF, v3;
	v17 =	vshll.u32 v11, $0x10;
	v19 =	vand.u32 $0xFFFF0000, v13;
	[tilespmem:v12+s3+$0x0] =	vst.idx.add.f32.msk $0xffff, v5  }
0xa7: {  	v20 =	vshll.u32 v7, $0x10;
	v21 =	vand.u32 $0xFFFF0000, v7;
	v7 =	vshll.u32 v16, $0x10;
	[tilespmem:v12+s4+$0x0] =	vst.idx.add.f32.msk $0xffff, v4  }
0xa8: {  	v10 =	vand.u32 $0xFFFF0000, v11;
	v11 =	vshll.u32 v6, $0x10;
	v9 =	vshll.u32 v13, $0x10;
	v4 =	vld [tilespmem:s6+$0x0]  }
0xa9: {  	v8 =	vand.u32 $0xFFFF0000, v6;
	v12 =	vmul.f32 v17, v14;
	v63 =	vmul.f32 v10, v14  }
0xaa: {  	v6 =	vand.u32 $0xFFFF0000, v15;
	v13 =	vmul.f32 v11, v14;
	v10 =	vmul.f32 v8, v14  }
0xab: {  	v5 =	vshll.u32 v15, $0x10;
	v14 =	vmul.f32 v9, v18;
	v11 =	vmul.f32 v19, v18;
	[tilespmem:v3+s1+$0x0] =	vst.idx.add.f32.msk $0xffff, v12  }
0xac: {  	s7 =	simm.s32 $0x0;
	s8 =	simm.s32 $0x117E0;
	v8 =	vand.u32 $0xFFFF0000, v16;
	v9 =	vmul.f32 v21, v18;
	v12 =	vmul.f32 v20, v18;
	[tilespmem:v3+s0+$0x0] =	vst.idx.add.f32.msk $0xffff, v63  }
.LBB2_6:
0xad: {  	v15 =	vld [tilespmem:s8+$0x10];
	v16 =	vmul.f32 v5, v4;
	v17 =	vmul.f32 v6, v4  }
0xae: {  	v18 =	vmul.f32 v7, v4;
	v19 =	vmul.f32 v8, v4;
	v5 =	vld [tilespmem:s8+$0xFFFFFFF0]  }
0xaf: {  	v4 =	vld [tilespmem:s8+$0x0]  }
0xb0: {  	s7 =	sadd.s32 $0x4, s7;
	v6 =	vld [tilespmem:s8+$0xFFFFFFE0]  }
0xb1: {  	p0 =	slt.u32 s7, $0x26C;
	[tilespmem:v3+s3+$0x0] =	vst.idx.add.f32.msk $0xffff, v13  }
0xb2: {  	v7 =	vshrl.u32 v15, $0xE;
	[tilespmem:v3+s4+$0x0] =	vst.idx.add.f32.msk $0xffff, v10  }
0xb3: {  	v8 =	vshrl.u32 v5, $0xE;
	v5 =	vand.u32 $0x3FFF, v5;
	[tilespmem:v2+s1+$0x0] =	vst.idx.add.f32.msk $0xffff, v14  }
0xb4: {  	v10 =	vshrl.u32 v4, $0xE;
	v14 =	vand.u32 $0x3FFF, v4;
	[tilespmem:v2+s0+$0x0] =	vst.idx.add.f32.msk $0xffff, v11  }
0xb5: {  	v4 =	vshrl.u32 v6, $0xE;
	v3 =	vand.u32 $0x3FFF, v6;
	[tilespmem:v2+s3+$0x0] =	vst.idx.add.f32.msk $0xffff, v12  }
0xb6: {  	[tilespmem:v2+s4+$0x0] =	vst.idx.add.f32.msk $0xffff, v9;
	v2 =	vmov v5  }
0xb7: {  	s6 =	sadd.s32 $0x40, s6;
	v5 =	vld.idx.msk [tilespmem:v7+s2+$0x0], $0xffff  }
0xb8: {  	v6 =	vld [tilespmem:s6+$0x10]  }
0xb9: {  	v7 =	vld.idx.msk [tilespmem:v7+s31+$0x0], $0xffff  }
0xba: {  	v9 =	vld.idx.msk [tilespmem:v4+s2+$0x0], $0xffff  }
0xbb: {  	v11 =	vand.u32 $0x3FFF, v15;
	v4 =	vld.idx.msk [tilespmem:v4+s31+$0x0], $0xffff  }
0xbc: {  	v12 =	vld.idx.msk [tilespmem:v8+s2+$0x0], $0xffff  }
0xbd: {  	v13 =	vshll.u32 v5, $0x10;
	v8 =	vld.idx.msk [tilespmem:v8+s31+$0x0], $0xffff  }
0xbe: {  	v5 =	vand.u32 $0xFFFF0000, v5;
	v13 =	vmul.f32 v13, v6;
	v15 =	vld.idx.msk [tilespmem:v10+s2+$0x0], $0xffff  }
0xbf: {  	v5 =	vmul.f32 v5, v6;
	v20 =	vshll.u32 v7, $0x10;
	v10 =	vld.idx.msk [tilespmem:v10+s31+$0x0], $0xffff  }
0xc0: {  	v7 =	vand.u32 $0xFFFF0000, v7;
	v21 =	vshll.u32 v9, $0x10;
	v20 =	vmul.f32 v20, v6;
	[tilespmem:v11+s1+$0x0] =	vst.idx.add.f32.msk $0xffff, v13  }
0xc1: {  	v9 =	vand.u32 $0xFFFF0000, v9;
	v6 =	vmul.f32 v7, v6;
	v13 =	vshll.u32 v4, $0x10;
	[tilespmem:v11+s0+$0x0] =	vst.idx.add.f32.msk $0xffff, v5  }
0xc2: {  	v22 =	vand.u32 $0xFFFF0000, v4;
	v23 =	vshll.u32 v12, $0x10;
	v12 =	vand.u32 $0xFFFF0000, v12;
	[tilespmem:v11+s3+$0x0] =	vst.idx.add.f32.msk $0xffff, v20  }
0xc3: {  	v20 =	vshll.u32 v8, $0x10;
	v24 =	vand.u32 $0xFFFF0000, v8;
	[tilespmem:v11+s4+$0x0] =	vst.idx.add.f32.msk $0xffff, v6  }
0xc4: {  	v5 =	vshll.u32 v15, $0x10;
	v6 =	vand.u32 $0xFFFF0000, v15;
	v11 =	vld [tilespmem:s6+$0xFFFFFFE0]  }
0xc5: {  	v7 =	vshll.u32 v10, $0x10;
	v8 =	vand.u32 $0xFFFF0000, v10;
	v15 =	vld [tilespmem:s6+$0xFFFFFFF0]  }
0xc6: {  	v4 =	vld [tilespmem:s6+$0x0]  }
0xc7: {  	[tilespmem:v1+s1+$0x0] =	vst.idx.add.f32.msk $0xffff, v16  }
.Ltmp2:
0xc8: {  	[tilespmem:v1+s0+$0x0] =	vst.idx.add.f32.msk $0xffff, v17;
	(pc) =	sbr.rel @p0 .LBB2_6-.Ltmp2, $4  }
0xc9: {  	v16 =	vmul.f32 v21, v11;
	v9 =	vmul.f32 v9, v11;
	[tilespmem:v1+s3+$0x0] =	vst.idx.add.f32.msk $0xffff, v18  }
0xca: {  	v13 =	vmul.f32 v13, v11;
	v10 =	vmul.f32 v22, v11;
	[tilespmem:v1+s4+$0x0] =	vst.idx.add.f32.msk $0xffff, v19;
	v1 =	vmov v14  }
0xcb: {  	v14 =	vmul.f32 v23, v15;
	v11 =	vmul.f32 v12, v15;
	[tilespmem:v3+s1+$0x0] =	vst.idx.add.f32.msk $0xffff, v16  }
0xcc: {  	s8 =	sadd.s32 $0x40, s8;
	v12 =	vmul.f32 v20, v15;
	[tilespmem:v3+s0+$0x0] =	vst.idx.add.f32.msk $0xffff, v9;
	v9 =	vmul.f32 v24, v15  }
0xcd: {  	_ =	sdelay $0x3  }
0xce: {  	[tilespmem:v3+s3+$0x0] =	vst.idx.add.f32.msk $0xffff, v13  }
0xcf: {  	[tilespmem:v2+s1+$0x0] =	vst.idx.add.f32.msk $0xffff, v14  }
0xd0: {  	[tilespmem:v3+s4+$0x0] =	vst.idx.add.f32.msk $0xffff, v10  }
0xd1: {  	[tilespmem:v2+s0+$0x0] =	vst.idx.add.f32.msk $0xffff, v11  }
0xd2: {  	v3 =	vmul.f32 v5, v4;
	[tilespmem:v2+s3+$0x0] =	vst.idx.add.f32.msk $0xffff, v12  }
0xd3: {  	v5 =	vmul.f32 v6, v4;
	[tilespmem:v2+s4+$0x0] =	vst.idx.add.f32.msk $0xffff, v9  }
0xd4: {  	v2 =	vmul.f32 v7, v4;
	[tilespmem:v1+s1+$0x0] =	vst.idx.add.f32.msk $0xffff, v3  }
0xd5: {  	v3 =	vmul.f32 v8, v4;
	[tilespmem:v1+s0+$0x0] =	vst.idx.add.f32.msk $0xffff, v5  }
0xd6: {  	[tilespmem:v1+s3+$0x0] =	vst.idx.add.f32.msk $0xffff, v2  }
0xd7: {  	[tilespmem:v1+s4+$0x0] =	vst.idx.add.f32.msk $0xffff, v3  }
0xd8: {  	v1 =	vld [tilespmem:$0x13E80];
	_ =	sdelay $0x4  }
0xd9: {  	v2 =	vshrl.u32 v1, $0xE;
	_ =	sdelay $0x4  }
0xda: {  	v3 =	vld.idx.msk [tilespmem:v2+s2+$0x0], $0xffff  }
0xdb: {  	v4 =	vld [tilespmem:$0x18D80]  }
0xdc: {  	v2 =	vld.idx.msk [tilespmem:v2+s31+$0x0], $0xffff  }
0xdd: {  	v1 =	vand.u32 $0x3FFF, v1;
	_ =	sdelay $0x1  }
0xde: {  	v5 =	vshll.u32 v3, $0x10  }
0xdf: {  	v3 =	vand.u32 $0xFFFF0000, v3;
	v5 =	vmul.f32 v5, v4  }
0xe0: {  	v6 =	vshll.u32 v2, $0x10;
	v3 =	vmul.f32 v3, v4  }
0xe1: {  	v2 =	vand.u32 $0xFFFF0000, v2;
	v6 =	vmul.f32 v6, v4;
	[tilespmem:v1+s1+$0x0] =	vst.idx.add.f32.msk $0xffff, v5  }
0xe2: {  	v2 =	vmul.f32 v2, v4;
	[tilespmem:v1+s0+$0x0] =	vst.idx.add.f32.msk $0xffff, v3  }
0xe3: {  	[tilespmem:v1+s3+$0x0] =	vst.idx.add.f32.msk $0xffff, v6  }
0xe4: {  	[tilespmem:v1+s4+$0x0] =	vst.idx.add.f32.msk $0xffff, v2  }
0xe5: {  	_ =	swait.ge [sflag:s28], $0x2710  }
0xe6: {  	[sflag:s28] =	ssyncset.done $0x0  }
0xe7: {  	[sflag:s28] =	ssyncadd.s32 $0xFFFFD8F0  }
0xe8: {  	_ =	swait.ge [sflag:s28], $0x2710  }
0xe9: {  	[sflag:s28] =	ssyncset.done $0x0  }
0xea: {  	[sflag:s28] =	ssyncadd.s32 $0xFFFFD8F0  }
0xeb: {  	[tilespmem:s29], [sflag:$0x2] =	stream.linear.gather [hbm4b:s10+s2], $0x2710, $0x38;
	[tilespmem:$0x18E00] =	vst v63  }
0xec: {  	s6 =	simm.s32 $0xF020  }
0xed: {  	[tilespmem:s30], [sflag:$0x2] =	stream.linear.gather [hbm4b:s11+s2], $0x2710, $0x38;
	[tilespmem:$0x18E00] =	vst v63  }
0xee: {  	v1 =	vld [tilespmem:s6+$0x10];
	_ =	sdelay $0x1  }
0xef: {  	v3 =	vld [tilespmem:s6+$0xFFFFFFE0];
	_ =	sdelay $0x1  }
0xf0: {  	v2 =	vld [tilespmem:s6+$0xFFFFFFF0]  }
0xf1: {  	v4 =	vshrl.u32 v1, $0xE  }
0xf2: {  	v5 =	vld [tilespmem:s6+$0x0]  }
0xf3: {  	s6 =	simm.s32 $0x13F20;
	v6 =	vshrl.u32 v3, $0xE  }
0xf4: {  	v9 =	vld [tilespmem:s6+$0x10]  }
0xf5: {  	v18 =	vld [tilespmem:s6+$0xFFFFFFF0];
	v7 =	vshrl.u32 v2, $0xE  }
0xf6: {  	v8 =	vld.idx.msk [tilespmem:v4+s2+$0x0], $0xffff  }
0xf7: {  	v10 =	vshrl.u32 v5, $0xE;
	v4 =	vld.idx.msk [tilespmem:v4+s31+$0x0], $0xffff  }
0xf8: {  	v11 =	vld.idx.msk [tilespmem:v6+s2+$0x0], $0xffff  }
0xf9: {  	v6 =	vld.idx.msk [tilespmem:v6+s31+$0x0], $0xffff  }
0xfa: {  	v12 =	vand.u32 $0x3FFF, v1;
	v13 =	vld.idx.msk [tilespmem:v7+s2+$0x0], $0xffff  }
0xfb: {  	v7 =	vld.idx.msk [tilespmem:v7+s31+$0x0], $0xffff  }
0xfc: {  	v15 =	vld.idx.msk [tilespmem:v10+s2+$0x0], $0xffff;
	v14 =	vshll.u32 v8, $0x10  }
0xfd: {  	v1 =	vand.u32 $0x3FFF, v5;
	v16 =	vld.idx.msk [tilespmem:v10+s31+$0x0], $0xffff;
	v8 =	vand.u32 $0xFFFF0000, v8;
	v5 =	vmul.f32 v14, v9  }
0xfe: {  	v10 =	vshll.u32 v4, $0x10;
	v14 =	vld [tilespmem:s6+$0xFFFFFFE0];
	v8 =	vmul.f32 v8, v9  }
0xff: {  	v4 =	vand.u32 $0xFFFF0000, v4;
	[tilespmem:v12+s1+$0x0] =	vst.idx.add.f32.msk $0xffff, v5;
	v5 =	vmul.f32 v10, v9  }
0x100: {  	v2 =	vand.u32 $0x3FFF, v2;
	v4 =	vmul.f32 v4, v9;
	[tilespmem:v12+s0+$0x0] =	vst.idx.add.f32.msk $0xffff, v8  }
0x101: {  	v3 =	vand.u32 $0x3FFF, v3;
	v17 =	vshll.u32 v11, $0x10;
	v19 =	vand.u32 $0xFFFF0000, v13;
	[tilespmem:v12+s3+$0x0] =	vst.idx.add.f32.msk $0xffff, v5  }
0x102: {  	v20 =	vshll.u32 v7, $0x10;
	v21 =	vand.u32 $0xFFFF0000, v7;
	v7 =	vshll.u32 v16, $0x10;
	[tilespmem:v12+s4+$0x0] =	vst.idx.add.f32.msk $0xffff, v4  }
0x103: {  	v10 =	vand.u32 $0xFFFF0000, v11;
	v11 =	vshll.u32 v6, $0x10;
	v9 =	vshll.u32 v13, $0x10;
	v4 =	vld [tilespmem:s6+$0x0]  }
0x104: {  	v8 =	vand.u32 $0xFFFF0000, v6;
	v12 =	vmul.f32 v17, v14;
	v63 =	vmul.f32 v10, v14  }
0x105: {  	v6 =	vand.u32 $0xFFFF0000, v15;
	v13 =	vmul.f32 v11, v14;
	v10 =	vmul.f32 v8, v14  }
0x106: {  	v5 =	vshll.u32 v15, $0x10;
	v14 =	vmul.f32 v9, v18;
	v11 =	vmul.f32 v19, v18;
	[tilespmem:v3+s1+$0x0] =	vst.idx.add.f32.msk $0xffff, v12  }
0x107: {  	s7 =	simm.s32 $0x0;
	s8 =	simm.s32 $0xF060;
	v8 =	vand.u32 $0xFFFF0000, v16;
	v9 =	vmul.f32 v21, v18;
	v12 =	vmul.f32 v20, v18;
	[tilespmem:v3+s0+$0x0] =	vst.idx.add.f32.msk $0xffff, v63  }
.LBB2_8:
0x108: {  	v15 =	vld [tilespmem:s8+$0x10];
	v16 =	vmul.f32 v5, v4;
	v17 =	vmul.f32 v6, v4  }
0x109: {  	v18 =	vmul.f32 v7, v4;
	v19 =	vmul.f32 v8, v4;
	v5 =	vld [tilespmem:s8+$0xFFFFFFF0]  }
0x10a: {  	v4 =	vld [tilespmem:s8+$0x0]  }
0x10b: {  	s7 =	sadd.s32 $0x4, s7;
	v6 =	vld [tilespmem:s8+$0xFFFFFFE0]  }
0x10c: {  	p0 =	slt.u32 s7, $0x26C;
	[tilespmem:v3+s3+$0x0] =	vst.idx.add.f32.msk $0xffff, v13  }
0x10d: {  	v7 =	vshrl.u32 v15, $0xE;
	[tilespmem:v3+s4+$0x0] =	vst.idx.add.f32.msk $0xffff, v10  }
0x10e: {  	v8 =	vshrl.u32 v5, $0xE;
	v5 =	vand.u32 $0x3FFF, v5;
	[tilespmem:v2+s1+$0x0] =	vst.idx.add.f32.msk $0xffff, v14  }
0x10f: {  	v10 =	vshrl.u32 v4, $0xE;
	v14 =	vand.u32 $0x3FFF, v4;
	[tilespmem:v2+s0+$0x0] =	vst.idx.add.f32.msk $0xffff, v11  }
0x110: {  	v4 =	vshrl.u32 v6, $0xE;
	v3 =	vand.u32 $0x3FFF, v6;
	[tilespmem:v2+s3+$0x0] =	vst.idx.add.f32.msk $0xffff, v12  }
0x111: {  	[tilespmem:v2+s4+$0x0] =	vst.idx.add.f32.msk $0xffff, v9;
	v2 =	vmov v5  }
0x112: {  	s6 =	sadd.s32 $0x40, s6;
	v5 =	vld.idx.msk [tilespmem:v7+s2+$0x0], $0xffff  }
0x113: {  	v6 =	vld [tilespmem:s6+$0x10]  }
0x114: {  	v7 =	vld.idx.msk [tilespmem:v7+s31+$0x0], $0xffff  }
0x115: {  	v9 =	vld.idx.msk [tilespmem:v4+s2+$0x0], $0xffff  }
0x116: {  	v11 =	vand.u32 $0x3FFF, v15;
	v4 =	vld.idx.msk [tilespmem:v4+s31+$0x0], $0xffff  }
0x117: {  	v12 =	vld.idx.msk [tilespmem:v8+s2+$0x0], $0xffff  }
0x118: {  	v13 =	vshll.u32 v5, $0x10;
	v8 =	vld.idx.msk [tilespmem:v8+s31+$0x0], $0xffff  }
0x119: {  	v5 =	vand.u32 $0xFFFF0000, v5;
	v13 =	vmul.f32 v13, v6;
	v15 =	vld.idx.msk [tilespmem:v10+s2+$0x0], $0xffff  }
0x11a: {  	v5 =	vmul.f32 v5, v6;
	v20 =	vshll.u32 v7, $0x10;
	v10 =	vld.idx.msk [tilespmem:v10+s31+$0x0], $0xffff  }
0x11b: {  	v7 =	vand.u32 $0xFFFF0000, v7;
	v21 =	vshll.u32 v9, $0x10;
	v20 =	vmul.f32 v20, v6;
	[tilespmem:v11+s1+$0x0] =	vst.idx.add.f32.msk $0xffff, v13  }
0x11c: {  	v9 =	vand.u32 $0xFFFF0000, v9;
	v6 =	vmul.f32 v7, v6;
	v13 =	vshll.u32 v4, $0x10;
	[tilespmem:v11+s0+$0x0] =	vst.idx.add.f32.msk $0xffff, v5  }
0x11d: {  	v22 =	vand.u32 $0xFFFF0000, v4;
	v23 =	vshll.u32 v12, $0x10;
	v12 =	vand.u32 $0xFFFF0000, v12;
	[tilespmem:v11+s3+$0x0] =	vst.idx.add.f32.msk $0xffff, v20  }
0x11e: {  	v20 =	vshll.u32 v8, $0x10;
	v24 =	vand.u32 $0xFFFF0000, v8;
	[tilespmem:v11+s4+$0x0] =	vst.idx.add.f32.msk $0xffff, v6  }
0x11f: {  	v5 =	vshll.u32 v15, $0x10;
	v6 =	vand.u32 $0xFFFF0000, v15;
	v11 =	vld [tilespmem:s6+$0xFFFFFFE0]  }
0x120: {  	v7 =	vshll.u32 v10, $0x10;
	v8 =	vand.u32 $0xFFFF0000, v10;
	v15 =	vld [tilespmem:s6+$0xFFFFFFF0]  }
0x121: {  	v4 =	vld [tilespmem:s6+$0x0]  }
0x122: {  	[tilespmem:v1+s1+$0x0] =	vst.idx.add.f32.msk $0xffff, v16  }
.Ltmp3:
0x123: {  	[tilespmem:v1+s0+$0x0] =	vst.idx.add.f32.msk $0xffff, v17;
	(pc) =	sbr.rel @p0 .LBB2_8-.Ltmp3, $4  }
0x124: {  	v16 =	vmul.f32 v21, v11;
	v9 =	vmul.f32 v9, v11;
	[tilespmem:v1+s3+$0x0] =	vst.idx.add.f32.msk $0xffff, v18  }
0x125: {  	v13 =	vmul.f32 v13, v11;
	v10 =	vmul.f32 v22, v11;
	[tilespmem:v1+s4+$0x0] =	vst.idx.add.f32.msk $0xffff, v19;
	v1 =	vmov v14  }
0x126: {  	v14 =	vmul.f32 v23, v15;
	v11 =	vmul.f32 v12, v15;
	[tilespmem:v3+s1+$0x0] =	vst.idx.add.f32.msk $0xffff, v16  }
0x127: {  	s8 =	sadd.s32 $0x40, s8;
	v12 =	vmul.f32 v20, v15;
	[tilespmem:v3+s0+$0x0] =	vst.idx.add.f32.msk $0xffff, v9;
	v9 =	vmul.f32 v24, v15  }
0x128: {  	_ =	sdelay $0x3  }
0x129: {  	[tilespmem:v3+s3+$0x0] =	vst.idx.add.f32.msk $0xffff, v13  }
0x12a: {  	[tilespmem:v2+s1+$0x0] =	vst.idx.add.f32.msk $0xffff, v14  }
0x12b: {  	[tilespmem:v3+s4+$0x0] =	vst.idx.add.f32.msk $0xffff, v10  }
0x12c: {  	[tilespmem:v2+s0+$0x0] =	vst.idx.add.f32.msk $0xffff, v11  }
0x12d: {  	v3 =	vmul.f32 v5, v4;
	[tilespmem:v2+s3+$0x0] =	vst.idx.add.f32.msk $0xffff, v12  }
0x12e: {  	v5 =	vmul.f32 v6, v4;
	[tilespmem:v2+s4+$0x0] =	vst.idx.add.f32.msk $0xffff, v9  }
0x12f: {  	v2 =	vmul.f32 v7, v4;
	[tilespmem:v1+s1+$0x0] =	vst.idx.add.f32.msk $0xffff, v3  }
0x130: {  	v3 =	vmul.f32 v8, v4;
	[tilespmem:v1+s0+$0x0] =	vst.idx.add.f32.msk $0xffff, v5  }
0x131: {  	[tilespmem:v1+s3+$0x0] =	vst.idx.add.f32.msk $0xffff, v2  }
0x132: {  	[tilespmem:v1+s4+$0x0] =	vst.idx.add.f32.msk $0xffff, v3  }
0x133: {  	v1 =	vld [tilespmem:$0x11700];
	_ =	sdelay $0x4  }
0x134: {  	v2 =	vshrl.u32 v1, $0xE;
	_ =	sdelay $0x4  }
0x135: {  	v3 =	vld.idx.msk [tilespmem:v2+s2+$0x0], $0xffff  }
0x136: {  	v4 =	vld [tilespmem:$0x16600]  }
0x137: {  	v2 =	vld.idx.msk [tilespmem:v2+s31+$0x0], $0xffff  }
0x138: {  	v1 =	vand.u32 $0x3FFF, v1;
	_ =	sdelay $0x1  }
0x139: {  	v5 =	vshll.u32 v3, $0x10  }
0x13a: {  	v3 =	vand.u32 $0xFFFF0000, v3;
	v5 =	vmul.f32 v5, v4  }
0x13b: {  	v6 =	vshll.u32 v2, $0x10;
	v3 =	vmul.f32 v3, v4  }
0x13c: {  	v2 =	vand.u32 $0xFFFF0000, v2;
	v6 =	vmul.f32 v6, v4;
	[tilespmem:v1+s1+$0x0] =	vst.idx.add.f32.msk $0xffff, v5  }
0x13d: {  	v2 =	vmul.f32 v2, v4;
	[tilespmem:v1+s0+$0x0] =	vst.idx.add.f32.msk $0xffff, v3  }
0x13e: {  	[tilespmem:v1+s3+$0x0] =	vst.idx.add.f32.msk $0xffff, v6  }
0x13f: {  	[tilespmem:v1+s4+$0x0] =	vst.idx.add.f32.msk $0xffff, v2  }
0x140: {  	_ =	swait.ge [sflag:s24], $0x2710  }
0x141: {  	[sflag:s24] =	ssyncset.done $0x0  }
0x142: {  	[sflag:s24] =	ssyncadd.s32 $0xFFFFD8F0  }
0x143: {  	_ =	swait.ge [sflag:s24], $0x2710  }
0x144: {  	[sflag:s24] =	ssyncset.done $0x0  }
0x145: {  	[sflag:s24] =	ssyncadd.s32 $0xFFFFD8F0  }
0x146: {  	[tilespmem:s22], [sflag:$0x1] =	stream.linear.gather [hbm4b:s12+s2], $0x2710, $0x38;
	[tilespmem:$0x18E00] =	vst v63  }
0x147: {  	s6 =	simm.s32 $0x117A0  }
0x148: {  	[tilespmem:s23], [sflag:$0x1] =	stream.linear.gather [hbm4b:s13+s2], $0x2710, $0x38;
	[tilespmem:$0x18E00] =	vst v63  }
0x149: {  	v1 =	vld [tilespmem:s6+$0x10];
	_ =	sdelay $0x1  }
0x14a: {  	v3 =	vld [tilespmem:s6+$0xFFFFFFE0];
	_ =	sdelay $0x1  }
0x14b: {  	v2 =	vld [tilespmem:s6+$0xFFFFFFF0]  }
0x14c: {  	v4 =	vshrl.u32 v1, $0xE  }
0x14d: {  	v5 =	vld [tilespmem:s6+$0x0]  }
0x14e: {  	s6 =	simm.s32 $0x166A0;
	v6 =	vshrl.u32 v3, $0xE  }
0x14f: {  	v9 =	vld [tilespmem:s6+$0x10]  }
0x150: {  	v18 =	vld [tilespmem:s6+$0xFFFFFFF0];
	v7 =	vshrl.u32 v2, $0xE  }
0x151: {  	v8 =	vld.idx.msk [tilespmem:v4+s2+$0x0], $0xffff  }
0x152: {  	v10 =	vshrl.u32 v5, $0xE;
	v4 =	vld.idx.msk [tilespmem:v4+s31+$0x0], $0xffff  }
0x153: {  	v11 =	vld.idx.msk [tilespmem:v6+s2+$0x0], $0xffff  }
0x154: {  	v6 =	vld.idx.msk [tilespmem:v6+s31+$0x0], $0xffff  }
0x155: {  	v12 =	vand.u32 $0x3FFF, v1;
	v13 =	vld.idx.msk [tilespmem:v7+s2+$0x0], $0xffff  }
0x156: {  	v7 =	vld.idx.msk [tilespmem:v7+s31+$0x0], $0xffff  }
0x157: {  	v15 =	vld.idx.msk [tilespmem:v10+s2+$0x0], $0xffff;
	v14 =	vshll.u32 v8, $0x10  }
0x158: {  	v1 =	vand.u32 $0x3FFF, v5;
	v16 =	vld.idx.msk [tilespmem:v10+s31+$0x0], $0xffff;
	v8 =	vand.u32 $0xFFFF0000, v8;
	v5 =	vmul.f32 v14, v9  }
0x159: {  	v10 =	vshll.u32 v4, $0x10;
	v14 =	vld [tilespmem:s6+$0xFFFFFFE0];
	v8 =	vmul.f32 v8, v9  }
0x15a: {  	v4 =	vand.u32 $0xFFFF0000, v4;
	[tilespmem:v12+s1+$0x0] =	vst.idx.add.f32.msk $0xffff, v5;
	v5 =	vmul.f32 v10, v9  }
0x15b: {  	v2 =	vand.u32 $0x3FFF, v2;
	v4 =	vmul.f32 v4, v9;
	[tilespmem:v12+s0+$0x0] =	vst.idx.add.f32.msk $0xffff, v8  }
0x15c: {  	v3 =	vand.u32 $0x3FFF, v3;
	v17 =	vshll.u32 v11, $0x10;
	v19 =	vand.u32 $0xFFFF0000, v13;
	[tilespmem:v12+s3+$0x0] =	vst.idx.add.f32.msk $0xffff, v5  }
0x15d: {  	v20 =	vshll.u32 v7, $0x10;
	v21 =	vand.u32 $0xFFFF0000, v7;
	v7 =	vshll.u32 v16, $0x10;
	[tilespmem:v12+s4+$0x0] =	vst.idx.add.f32.msk $0xffff, v4  }
0x15e: {  	v10 =	vand.u32 $0xFFFF0000, v11;
	v11 =	vshll.u32 v6, $0x10;
	v9 =	vshll.u32 v13, $0x10;
	v4 =	vld [tilespmem:s6+$0x0]  }
0x15f: {  	v8 =	vand.u32 $0xFFFF0000, v6;
	v12 =	vmul.f32 v17, v14;
	v63 =	vmul.f32 v10, v14  }
0x160: {  	v6 =	vand.u32 $0xFFFF0000, v15;
	v13 =	vmul.f32 v11, v14;
	v10 =	vmul.f32 v8, v14  }
0x161: {  	v5 =	vshll.u32 v15, $0x10;
	v14 =	vmul.f32 v9, v18;
	v11 =	vmul.f32 v19, v18;
	[tilespmem:v3+s1+$0x0] =	vst.idx.add.f32.msk $0xffff, v12  }
0x162: {  	s7 =	simm.s32 $0x0;
	s8 =	simm.s32 $0x117E0;
	v8 =	vand.u32 $0xFFFF0000, v16;
	v9 =	vmul.f32 v21, v18;
	v12 =	vmul.f32 v20, v18;
	[tilespmem:v3+s0+$0x0] =	vst.idx.add.f32.msk $0xffff, v63  }
.LBB2_10:
0x163: {  	v15 =	vld [tilespmem:s8+$0x10];
	v16 =	vmul.f32 v5, v4;
	v17 =	vmul.f32 v6, v4  }
0x164: {  	v18 =	vmul.f32 v7, v4;
	v19 =	vmul.f32 v8, v4;
	v5 =	vld [tilespmem:s8+$0xFFFFFFF0]  }
0x165: {  	v4 =	vld [tilespmem:s8+$0x0]  }
0x166: {  	s7 =	sadd.s32 $0x4, s7;
	v6 =	vld [tilespmem:s8+$0xFFFFFFE0]  }
0x167: {  	p0 =	slt.u32 s7, $0x26C;
	[tilespmem:v3+s3+$0x0] =	vst.idx.add.f32.msk $0xffff, v13  }
0x168: {  	v7 =	vshrl.u32 v15, $0xE;
	[tilespmem:v3+s4+$0x0] =	vst.idx.add.f32.msk $0xffff, v10  }
0x169: {  	v8 =	vshrl.u32 v5, $0xE;
	v5 =	vand.u32 $0x3FFF, v5;
	[tilespmem:v2+s1+$0x0] =	vst.idx.add.f32.msk $0xffff, v14  }
0x16a: {  	v10 =	vshrl.u32 v4, $0xE;
	v14 =	vand.u32 $0x3FFF, v4;
	[tilespmem:v2+s0+$0x0] =	vst.idx.add.f32.msk $0xffff, v11  }
0x16b: {  	v4 =	vshrl.u32 v6, $0xE;
	v3 =	vand.u32 $0x3FFF, v6;
	[tilespmem:v2+s3+$0x0] =	vst.idx.add.f32.msk $0xffff, v12  }
0x16c: {  	[tilespmem:v2+s4+$0x0] =	vst.idx.add.f32.msk $0xffff, v9;
	v2 =	vmov v5  }
0x16d: {  	s6 =	sadd.s32 $0x40, s6;
	v5 =	vld.idx.msk [tilespmem:v7+s2+$0x0], $0xffff  }
0x16e: {  	v6 =	vld [tilespmem:s6+$0x10]  }
0x16f: {  	v7 =	vld.idx.msk [tilespmem:v7+s31+$0x0], $0xffff  }
0x170: {  	v9 =	vld.idx.msk [tilespmem:v4+s2+$0x0], $0xffff  }
0x171: {  	v11 =	vand.u32 $0x3FFF, v15;
	v4 =	vld.idx.msk [tilespmem:v4+s31+$0x0], $0xffff  }
0x172: {  	v12 =	vld.idx.msk [tilespmem:v8+s2+$0x0], $0xffff  }
0x173: {  	v13 =	vshll.u32 v5, $0x10;
	v8 =	vld.idx.msk [tilespmem:v8+s31+$0x0], $0xffff  }
0x174: {  	v5 =	vand.u32 $0xFFFF0000, v5;
	v13 =	vmul.f32 v13, v6;
	v15 =	vld.idx.msk [tilespmem:v10+s2+$0x0], $0xffff  }
0x175: {  	v5 =	vmul.f32 v5, v6;
	v20 =	vshll.u32 v7, $0x10;
	v10 =	vld.idx.msk [tilespmem:v10+s31+$0x0], $0xffff  }
0x176: {  	v7 =	vand.u32 $0xFFFF0000, v7;
	v21 =	vshll.u32 v9, $0x10;
	v20 =	vmul.f32 v20, v6;
	[tilespmem:v11+s1+$0x0] =	vst.idx.add.f32.msk $0xffff, v13  }
0x177: {  	v9 =	vand.u32 $0xFFFF0000, v9;
	v6 =	vmul.f32 v7, v6;
	v13 =	vshll.u32 v4, $0x10;
	[tilespmem:v11+s0+$0x0] =	vst.idx.add.f32.msk $0xffff, v5  }
0x178: {  	v22 =	vand.u32 $0xFFFF0000, v4;
	v23 =	vshll.u32 v12, $0x10;
	v12 =	vand.u32 $0xFFFF0000, v12;
	[tilespmem:v11+s3+$0x0] =	vst.idx.add.f32.msk $0xffff, v20  }
0x179: {  	v20 =	vshll.u32 v8, $0x10;
	v24 =	vand.u32 $0xFFFF0000, v8;
	[tilespmem:v11+s4+$0x0] =	vst.idx.add.f32.msk $0xffff, v6  }
0x17a: {  	v5 =	vshll.u32 v15, $0x10;
	v6 =	vand.u32 $0xFFFF0000, v15;
	v11 =	vld [tilespmem:s6+$0xFFFFFFE0]  }
0x17b: {  	v7 =	vshll.u32 v10, $0x10;
	v8 =	vand.u32 $0xFFFF0000, v10;
	v15 =	vld [tilespmem:s6+$0xFFFFFFF0]  }
0x17c: {  	v4 =	vld [tilespmem:s6+$0x0]  }
0x17d: {  	[tilespmem:v1+s1+$0x0] =	vst.idx.add.f32.msk $0xffff, v16  }
.Ltmp4:
0x17e: {  	[tilespmem:v1+s0+$0x0] =	vst.idx.add.f32.msk $0xffff, v17;
	(pc) =	sbr.rel @p0 .LBB2_10-.Ltmp4, $4  }
0x17f: {  	v16 =	vmul.f32 v21, v11;
	v9 =	vmul.f32 v9, v11;
	[tilespmem:v1+s3+$0x0] =	vst.idx.add.f32.msk $0xffff, v18  }
0x180: {  	v13 =	vmul.f32 v13, v11;
	v10 =	vmul.f32 v22, v11;
	[tilespmem:v1+s4+$0x0] =	vst.idx.add.f32.msk $0xffff, v19;
	v1 =	vmov v14  }
0x181: {  	v14 =	vmul.f32 v23, v15;
	v11 =	vmul.f32 v12, v15;
	[tilespmem:v3+s1+$0x0] =	vst.idx.add.f32.msk $0xffff, v16  }
0x182: {  	s8 =	sadd.s32 $0x40, s8;
	v12 =	vmul.f32 v20, v15;
	[tilespmem:v3+s0+$0x0] =	vst.idx.add.f32.msk $0xffff, v9;
	v9 =	vmul.f32 v24, v15  }
0x183: {  	_ =	sdelay $0x3  }
0x184: {  	[tilespmem:v3+s3+$0x0] =	vst.idx.add.f32.msk $0xffff, v13  }
0x185: {  	[tilespmem:v2+s1+$0x0] =	vst.idx.add.f32.msk $0xffff, v14  }
0x186: {  	[tilespmem:v3+s4+$0x0] =	vst.idx.add.f32.msk $0xffff, v10  }
0x187: {  	[tilespmem:v2+s0+$0x0] =	vst.idx.add.f32.msk $0xffff, v11  }
0x188: {  	v3 =	vmul.f32 v5, v4;
	[tilespmem:v2+s3+$0x0] =	vst.idx.add.f32.msk $0xffff, v12  }
0x189: {  	v5 =	vmul.f32 v6, v4;
	[tilespmem:v2+s4+$0x0] =	vst.idx.add.f32.msk $0xffff, v9  }
0x18a: {  	v2 =	vmul.f32 v7, v4;
	[tilespmem:v1+s1+$0x0] =	vst.idx.add.f32.msk $0xffff, v3  }
0x18b: {  	v3 =	vmul.f32 v8, v4;
	[tilespmem:v1+s0+$0x0] =	vst.idx.add.f32.msk $0xffff, v5  }
0x18c: {  	[tilespmem:v1+s3+$0x0] =	vst.idx.add.f32.msk $0xffff, v2  }
0x18d: {  	[tilespmem:v1+s4+$0x0] =	vst.idx.add.f32.msk $0xffff, v3  }
0x18e: {  	v1 =	vld [tilespmem:$0x13E80];
	_ =	sdelay $0x4  }
0x18f: {  	v2 =	vshrl.u32 v1, $0xE;
	_ =	sdelay $0x4  }
0x190: {  	v3 =	vld.idx.msk [tilespmem:v2+s2+$0x0], $0xffff  }
0x191: {  	v4 =	vld [tilespmem:$0x18D80]  }
0x192: {  	v2 =	vld.idx.msk [tilespmem:v2+s31+$0x0], $0xffff  }
0x193: {  	v1 =	vand.u32 $0x3FFF, v1;
	_ =	sdelay $0x1  }
0x194: {  	v5 =	vshll.u32 v3, $0x10  }
0x195: {  	v3 =	vand.u32 $0xFFFF0000, v3;
	v5 =	vmul.f32 v5, v4  }
0x196: {  	v6 =	vshll.u32 v2, $0x10;
	v3 =	vmul.f32 v3, v4  }
0x197: {  	v2 =	vand.u32 $0xFFFF0000, v2;
	v6 =	vmul.f32 v6, v4;
	[tilespmem:v1+s1+$0x0] =	vst.idx.add.f32.msk $0xffff, v5  }
0x198: {  	v2 =	vmul.f32 v2, v4;
	[tilespmem:v1+s0+$0x0] =	vst.idx.add.f32.msk $0xffff, v3  }
0x199: {  	[tilespmem:v1+s3+$0x0] =	vst.idx.add.f32.msk $0xffff, v6  }
0x19a: {  	[tilespmem:v1+s4+$0x0] =	vst.idx.add.f32.msk $0xffff, v2  }
0x19b: {  	_ =	swait.ge [sflag:s28], $0x2710  }
0x19c: {  	[sflag:s28] =	ssyncset.done $0x0  }
0x19d: {  	[sflag:s28] =	ssyncadd.s32 $0xFFFFD8F0  }
0x19e: {  	_ =	swait.ge [sflag:s28], $0x2710  }
0x19f: {  	[sflag:s28] =	ssyncset.done $0x0  }
0x1a0: {  	[sflag:s28] =	ssyncadd.s32 $0xFFFFD8F0  }
0x1a1: {  	[tilespmem:s29], [sflag:$0x2] =	stream.linear.gather [hbm4b:s14+s2], $0x2710, $0x38;
	[tilespmem:$0x18E00] =	vst v63  }
0x1a2: {  	s6 =	simm.s32 $0xF020  }
0x1a3: {  	[tilespmem:s30], [sflag:$0x2] =	stream.linear.gather [hbm4b:s15+s2], $0x2710, $0x38;
	[tilespmem:$0x18E00] =	vst v63  }
0x1a4: {  	v1 =	vld [tilespmem:s6+$0x10];
	_ =	sdelay $0x1  }
0x1a5: {  	v3 =	vld [tilespmem:s6+$0xFFFFFFE0];
	_ =	sdelay $0x1  }
0x1a6: {  	v2 =	vld [tilespmem:s6+$0xFFFFFFF0]  }
0x1a7: {  	v4 =	vshrl.u32 v1, $0xE  }
0x1a8: {  	v5 =	vld [tilespmem:s6+$0x0]  }
0x1a9: {  	s6 =	simm.s32 $0x13F20;
	v6 =	vshrl.u32 v3, $0xE  }
0x1aa: {  	v9 =	vld [tilespmem:s6+$0x10]  }
0x1ab: {  	v18 =	vld [tilespmem:s6+$0xFFFFFFF0];
	v7 =	vshrl.u32 v2, $0xE  }
0x1ac: {  	v8 =	vld.idx.msk [tilespmem:v4+s2+$0x0], $0xffff  }
0x1ad: {  	v10 =	vshrl.u32 v5, $0xE;
	v4 =	vld.idx.msk [tilespmem:v4+s31+$0x0], $0xffff  }
0x1ae: {  	v11 =	vld.idx.msk [tilespmem:v6+s2+$0x0], $0xffff  }
0x1af: {  	v6 =	vld.idx.msk [tilespmem:v6+s31+$0x0], $0xffff  }
0x1b0: {  	v12 =	vand.u32 $0x3FFF, v1;
	v13 =	vld.idx.msk [tilespmem:v7+s2+$0x0], $0xffff  }
0x1b1: {  	v7 =	vld.idx.msk [tilespmem:v7+s31+$0x0], $0xffff  }
0x1b2: {  	v15 =	vld.idx.msk [tilespmem:v10+s2+$0x0], $0xffff;
	v14 =	vshll.u32 v8, $0x10  }
0x1b3: {  	v1 =	vand.u32 $0x3FFF, v5;
	v16 =	vld.idx.msk [tilespmem:v10+s31+$0x0], $0xffff;
	v8 =	vand.u32 $0xFFFF0000, v8;
	v5 =	vmul.f32 v14, v9  }
0x1b4: {  	v10 =	vshll.u32 v4, $0x10;
	v14 =	vld [tilespmem:s6+$0xFFFFFFE0];
	v8 =	vmul.f32 v8, v9  }
0x1b5: {  	v4 =	vand.u32 $0xFFFF0000, v4;
	[tilespmem:v12+s1+$0x0] =	vst.idx.add.f32.msk $0xffff, v5;
	v5 =	vmul.f32 v10, v9  }
0x1b6: {  	v2 =	vand.u32 $0x3FFF, v2;
	v4 =	vmul.f32 v4, v9;
	[tilespmem:v12+s0+$0x0] =	vst.idx.add.f32.msk $0xffff, v8  }
0x1b7: {  	v3 =	vand.u32 $0x3FFF, v3;
	v17 =	vshll.u32 v11, $0x10;
	v19 =	vand.u32 $0xFFFF0000, v13;
	[tilespmem:v12+s3+$0x0] =	vst.idx.add.f32.msk $0xffff, v5  }
0x1b8: {  	v20 =	vshll.u32 v7, $0x10;
	v21 =	vand.u32 $0xFFFF0000, v7;
	v7 =	vshll.u32 v16, $0x10;
	[tilespmem:v12+s4+$0x0] =	vst.idx.add.f32.msk $0xffff, v4  }
0x1b9: {  	v10 =	vand.u32 $0xFFFF0000, v11;
	v11 =	vshll.u32 v6, $0x10;
	v9 =	vshll.u32 v13, $0x10;
	v4 =	vld [tilespmem:s6+$0x0]  }
0x1ba: {  	v8 =	vand.u32 $0xFFFF0000, v6;
	v12 =	vmul.f32 v17, v14;
	v63 =	vmul.f32 v10, v14  }
0x1bb: {  	v6 =	vand.u32 $0xFFFF0000, v15;
	v13 =	vmul.f32 v11, v14;
	v10 =	vmul.f32 v8, v14  }
0x1bc: {  	v5 =	vshll.u32 v15, $0x10;
	v14 =	vmul.f32 v9, v18;
	v11 =	vmul.f32 v19, v18;
	[tilespmem:v3+s1+$0x0] =	vst.idx.add.f32.msk $0xffff, v12  }
0x1bd: {  	s7 =	simm.s32 $0x0;
	s8 =	simm.s32 $0xF060;
	v8 =	vand.u32 $0xFFFF0000, v16;
	v9 =	vmul.f32 v21, v18;
	v12 =	vmul.f32 v20, v18;
	[tilespmem:v3+s0+$0x0] =	vst.idx.add.f32.msk $0xffff, v63  }
.LBB2_12:
0x1be: {  	v15 =	vld [tilespmem:s8+$0x10];
	v16 =	vmul.f32 v5, v4;
	v17 =	vmul.f32 v6, v4  }
0x1bf: {  	v18 =	vmul.f32 v7, v4;
	v19 =	vmul.f32 v8, v4;
	v5 =	vld [tilespmem:s8+$0xFFFFFFF0]  }
0x1c0: {  	v4 =	vld [tilespmem:s8+$0x0]  }
0x1c1: {  	s7 =	sadd.s32 $0x4, s7;
	v6 =	vld [tilespmem:s8+$0xFFFFFFE0]  }
0x1c2: {  	p0 =	slt.u32 s7, $0x26C;
	[tilespmem:v3+s3+$0x0] =	vst.idx.add.f32.msk $0xffff, v13  }
0x1c3: {  	v7 =	vshrl.u32 v15, $0xE;
	[tilespmem:v3+s4+$0x0] =	vst.idx.add.f32.msk $0xffff, v10  }
0x1c4: {  	v8 =	vshrl.u32 v5, $0xE;
	v5 =	vand.u32 $0x3FFF, v5;
	[tilespmem:v2+s1+$0x0] =	vst.idx.add.f32.msk $0xffff, v14  }
0x1c5: {  	v10 =	vshrl.u32 v4, $0xE;
	v14 =	vand.u32 $0x3FFF, v4;
	[tilespmem:v2+s0+$0x0] =	vst.idx.add.f32.msk $0xffff, v11  }
0x1c6: {  	v4 =	vshrl.u32 v6, $0xE;
	v3 =	vand.u32 $0x3FFF, v6;
	[tilespmem:v2+s3+$0x0] =	vst.idx.add.f32.msk $0xffff, v12  }
0x1c7: {  	[tilespmem:v2+s4+$0x0] =	vst.idx.add.f32.msk $0xffff, v9;
	v2 =	vmov v5  }
0x1c8: {  	s6 =	sadd.s32 $0x40, s6;
	v5 =	vld.idx.msk [tilespmem:v7+s2+$0x0], $0xffff  }
0x1c9: {  	v6 =	vld [tilespmem:s6+$0x10]  }
0x1ca: {  	v7 =	vld.idx.msk [tilespmem:v7+s31+$0x0], $0xffff  }
0x1cb: {  	v9 =	vld.idx.msk [tilespmem:v4+s2+$0x0], $0xffff  }
0x1cc: {  	v11 =	vand.u32 $0x3FFF, v15;
	v4 =	vld.idx.msk [tilespmem:v4+s31+$0x0], $0xffff  }
0x1cd: {  	v12 =	vld.idx.msk [tilespmem:v8+s2+$0x0], $0xffff  }
0x1ce: {  	v13 =	vshll.u32 v5, $0x10;
	v8 =	vld.idx.msk [tilespmem:v8+s31+$0x0], $0xffff  }
0x1cf: {  	v5 =	vand.u32 $0xFFFF0000, v5;
	v13 =	vmul.f32 v13, v6;
	v15 =	vld.idx.msk [tilespmem:v10+s2+$0x0], $0xffff  }
0x1d0: {  	v5 =	vmul.f32 v5, v6;
	v20 =	vshll.u32 v7, $0x10;
	v10 =	vld.idx.msk [tilespmem:v10+s31+$0x0], $0xffff  }
0x1d1: {  	v7 =	vand.u32 $0xFFFF0000, v7;
	v21 =	vshll.u32 v9, $0x10;
	v20 =	vmul.f32 v20, v6;
	[tilespmem:v11+s1+$0x0] =	vst.idx.add.f32.msk $0xffff, v13  }
0x1d2: {  	v9 =	vand.u32 $0xFFFF0000, v9;
	v6 =	vmul.f32 v7, v6;
	v13 =	vshll.u32 v4, $0x10;
	[tilespmem:v11+s0+$0x0] =	vst.idx.add.f32.msk $0xffff, v5  }
0x1d3: {  	v22 =	vand.u32 $0xFFFF0000, v4;
	v23 =	vshll.u32 v12, $0x10;
	v12 =	vand.u32 $0xFFFF0000, v12;
	[tilespmem:v11+s3+$0x0] =	vst.idx.add.f32.msk $0xffff, v20  }
0x1d4: {  	v20 =	vshll.u32 v8, $0x10;
	v24 =	vand.u32 $0xFFFF0000, v8;
	[tilespmem:v11+s4+$0x0] =	vst.idx.add.f32.msk $0xffff, v6  }
0x1d5: {  	v5 =	vshll.u32 v15, $0x10;
	v6 =	vand.u32 $0xFFFF0000, v15;
	v11 =	vld [tilespmem:s6+$0xFFFFFFE0]  }
0x1d6: {  	v7 =	vshll.u32 v10, $0x10;
	v8 =	vand.u32 $0xFFFF0000, v10;
	v15 =	vld [tilespmem:s6+$0xFFFFFFF0]  }
0x1d7: {  	v4 =	vld [tilespmem:s6+$0x0]  }
0x1d8: {  	[tilespmem:v1+s1+$0x0] =	vst.idx.add.f32.msk $0xffff, v16  }
.Ltmp5:
0x1d9: {  	[tilespmem:v1+s0+$0x0] =	vst.idx.add.f32.msk $0xffff, v17;
	(pc) =	sbr.rel @p0 .LBB2_12-.Ltmp5, $4  }
0x1da: {  	v16 =	vmul.f32 v21, v11;
	v9 =	vmul.f32 v9, v11;
	[tilespmem:v1+s3+$0x0] =	vst.idx.add.f32.msk $0xffff, v18  }
0x1db: {  	v13 =	vmul.f32 v13, v11;
	v10 =	vmul.f32 v22, v11;
	[tilespmem:v1+s4+$0x0] =	vst.idx.add.f32.msk $0xffff, v19;
	v1 =	vmov v14  }
0x1dc: {  	v14 =	vmul.f32 v23, v15;
	v11 =	vmul.f32 v12, v15;
	[tilespmem:v3+s1+$0x0] =	vst.idx.add.f32.msk $0xffff, v16  }
0x1dd: {  	s8 =	sadd.s32 $0x40, s8;
	v12 =	vmul.f32 v20, v15;
	[tilespmem:v3+s0+$0x0] =	vst.idx.add.f32.msk $0xffff, v9;
	v9 =	vmul.f32 v24, v15  }
0x1de: {  	_ =	sdelay $0x3  }
0x1df: {  	[tilespmem:v3+s3+$0x0] =	vst.idx.add.f32.msk $0xffff, v13  }
0x1e0: {  	[tilespmem:v2+s1+$0x0] =	vst.idx.add.f32.msk $0xffff, v14  }
0x1e1: {  	[tilespmem:v3+s4+$0x0] =	vst.idx.add.f32.msk $0xffff, v10  }
0x1e2: {  	[tilespmem:v2+s0+$0x0] =	vst.idx.add.f32.msk $0xffff, v11  }
0x1e3: {  	v3 =	vmul.f32 v5, v4;
	[tilespmem:v2+s3+$0x0] =	vst.idx.add.f32.msk $0xffff, v12  }
0x1e4: {  	v5 =	vmul.f32 v6, v4;
	[tilespmem:v2+s4+$0x0] =	vst.idx.add.f32.msk $0xffff, v9  }
0x1e5: {  	v2 =	vmul.f32 v7, v4;
	[tilespmem:v1+s1+$0x0] =	vst.idx.add.f32.msk $0xffff, v3  }
0x1e6: {  	v3 =	vmul.f32 v8, v4;
	[tilespmem:v1+s0+$0x0] =	vst.idx.add.f32.msk $0xffff, v5  }
0x1e7: {  	[tilespmem:v1+s3+$0x0] =	vst.idx.add.f32.msk $0xffff, v2  }
0x1e8: {  	[tilespmem:v1+s4+$0x0] =	vst.idx.add.f32.msk $0xffff, v3  }
0x1e9: {  	v1 =	vld [tilespmem:$0x11700];
	_ =	sdelay $0x4  }
0x1ea: {  	v2 =	vshrl.u32 v1, $0xE;
	_ =	sdelay $0x4  }
0x1eb: {  	v3 =	vld.idx.msk [tilespmem:v2+s2+$0x0], $0xffff  }
0x1ec: {  	v4 =	vld [tilespmem:$0x16600]  }
0x1ed: {  	v2 =	vld.idx.msk [tilespmem:v2+s31+$0x0], $0xffff  }
0x1ee: {  	v1 =	vand.u32 $0x3FFF, v1;
	_ =	sdelay $0x1  }
0x1ef: {  	v5 =	vshll.u32 v3, $0x10  }
0x1f0: {  	v3 =	vand.u32 $0xFFFF0000, v3;
	v5 =	vmul.f32 v5, v4  }
0x1f1: {  	v6 =	vshll.u32 v2, $0x10;
	v3 =	vmul.f32 v3, v4  }
0x1f2: {  	v2 =	vand.u32 $0xFFFF0000, v2;
	v6 =	vmul.f32 v6, v4;
	[tilespmem:v1+s1+$0x0] =	vst.idx.add.f32.msk $0xffff, v5  }
0x1f3: {  	v2 =	vmul.f32 v2, v4;
	[tilespmem:v1+s0+$0x0] =	vst.idx.add.f32.msk $0xffff, v3  }
0x1f4: {  	[tilespmem:v1+s3+$0x0] =	vst.idx.add.f32.msk $0xffff, v6  }
0x1f5: {  	[tilespmem:v1+s4+$0x0] =	vst.idx.add.f32.msk $0xffff, v2  }
0x1f6: {  	_ =	swait.ge [sflag:s24], $0x2710  }
0x1f7: {  	[sflag:s24] =	ssyncset.done $0x0  }
0x1f8: {  	[sflag:s24] =	ssyncadd.s32 $0xFFFFD8F0  }
0x1f9: {  	_ =	swait.ge [sflag:s24], $0x2710  }
0x1fa: {  	[sflag:s24] =	ssyncset.done $0x0  }
0x1fb: {  	[sflag:s24] =	ssyncadd.s32 $0xFFFFD8F0  }
0x1fc: {  	[tilespmem:s22], [sflag:$0x1] =	stream.linear.gather [hbm4b:s16+s2], $0x2710, $0x38;
	[tilespmem:$0x18E00] =	vst v63  }
0x1fd: {  	s6 =	simm.s32 $0x117A0  }
0x1fe: {  	[tilespmem:s23], [sflag:$0x1] =	stream.linear.gather [hbm4b:s17+s2], $0x2710, $0x38;
	[tilespmem:$0x18E00] =	vst v63  }
0x1ff: {  	v1 =	vld [tilespmem:s6+$0x10];
	_ =	sdelay $0x1  }
0x200: {  	v3 =	vld [tilespmem:s6+$0xFFFFFFE0];
	_ =	sdelay $0x1  }
0x201: {  	v2 =	vld [tilespmem:s6+$0xFFFFFFF0]  }
0x202: {  	v4 =	vshrl.u32 v1, $0xE  }
0x203: {  	v5 =	vld [tilespmem:s6+$0x0]  }
0x204: {  	s6 =	simm.s32 $0x166A0;
	v6 =	vshrl.u32 v3, $0xE  }
0x205: {  	v9 =	vld [tilespmem:s6+$0x10]  }
0x206: {  	v18 =	vld [tilespmem:s6+$0xFFFFFFF0];
	v7 =	vshrl.u32 v2, $0xE  }
0x207: {  	v8 =	vld.idx.msk [tilespmem:v4+s2+$0x0], $0xffff  }
0x208: {  	v10 =	vshrl.u32 v5, $0xE;
	v4 =	vld.idx.msk [tilespmem:v4+s31+$0x0], $0xffff  }
0x209: {  	v11 =	vld.idx.msk [tilespmem:v6+s2+$0x0], $0xffff  }
0x20a: {  	v6 =	vld.idx.msk [tilespmem:v6+s31+$0x0], $0xffff  }
0x20b: {  	v12 =	vand.u32 $0x3FFF, v1;
	v13 =	vld.idx.msk [tilespmem:v7+s2+$0x0], $0xffff  }
0x20c: {  	v7 =	vld.idx.msk [tilespmem:v7+s31+$0x0], $0xffff  }
0x20d: {  	v15 =	vld.idx.msk [tilespmem:v10+s2+$0x0], $0xffff;
	v14 =	vshll.u32 v8, $0x10  }
0x20e: {  	v1 =	vand.u32 $0x3FFF, v5;
	v16 =	vld.idx.msk [tilespmem:v10+s31+$0x0], $0xffff;
	v8 =	vand.u32 $0xFFFF0000, v8;
	v5 =	vmul.f32 v14, v9  }
0x20f: {  	v10 =	vshll.u32 v4, $0x10;
	v14 =	vld [tilespmem:s6+$0xFFFFFFE0];
	v8 =	vmul.f32 v8, v9  }
0x210: {  	v4 =	vand.u32 $0xFFFF0000, v4;
	[tilespmem:v12+s1+$0x0] =	vst.idx.add.f32.msk $0xffff, v5;
	v5 =	vmul.f32 v10, v9  }
0x211: {  	v2 =	vand.u32 $0x3FFF, v2;
	v4 =	vmul.f32 v4, v9;
	[tilespmem:v12+s0+$0x0] =	vst.idx.add.f32.msk $0xffff, v8  }
0x212: {  	v3 =	vand.u32 $0x3FFF, v3;
	v17 =	vshll.u32 v11, $0x10;
	v19 =	vand.u32 $0xFFFF0000, v13;
	[tilespmem:v12+s3+$0x0] =	vst.idx.add.f32.msk $0xffff, v5  }
0x213: {  	v20 =	vshll.u32 v7, $0x10;
	v21 =	vand.u32 $0xFFFF0000, v7;
	v7 =	vshll.u32 v16, $0x10;
	[tilespmem:v12+s4+$0x0] =	vst.idx.add.f32.msk $0xffff, v4  }
0x214: {  	v10 =	vand.u32 $0xFFFF0000, v11;
	v11 =	vshll.u32 v6, $0x10;
	v9 =	vshll.u32 v13, $0x10;
	v4 =	vld [tilespmem:s6+$0x0]  }
0x215: {  	v8 =	vand.u32 $0xFFFF0000, v6;
	v12 =	vmul.f32 v17, v14;
	v63 =	vmul.f32 v10, v14  }
0x216: {  	v6 =	vand.u32 $0xFFFF0000, v15;
	v13 =	vmul.f32 v11, v14;
	v10 =	vmul.f32 v8, v14  }
0x217: {  	v5 =	vshll.u32 v15, $0x10;
	v14 =	vmul.f32 v9, v18;
	v11 =	vmul.f32 v19, v18;
	[tilespmem:v3+s1+$0x0] =	vst.idx.add.f32.msk $0xffff, v12  }
0x218: {  	s7 =	simm.s32 $0x0;
	s8 =	simm.s32 $0x117E0;
	v8 =	vand.u32 $0xFFFF0000, v16;
	v9 =	vmul.f32 v21, v18;
	v12 =	vmul.f32 v20, v18;
	[tilespmem:v3+s0+$0x0] =	vst.idx.add.f32.msk $0xffff, v63  }
.LBB2_14:
0x219: {  	v15 =	vld [tilespmem:s8+$0x10];
	v16 =	vmul.f32 v5, v4;
	v17 =	vmul.f32 v6, v4  }
0x21a: {  	v18 =	vmul.f32 v7, v4;
	v19 =	vmul.f32 v8, v4;
	v5 =	vld [tilespmem:s8+$0xFFFFFFF0]  }
0x21b: {  	v4 =	vld [tilespmem:s8+$0x0]  }
0x21c: {  	s7 =	sadd.s32 $0x4, s7;
	v6 =	vld [tilespmem:s8+$0xFFFFFFE0]  }
0x21d: {  	p0 =	slt.u32 s7, $0x26C;
	[tilespmem:v3+s3+$0x0] =	vst.idx.add.f32.msk $0xffff, v13  }
0x21e: {  	v7 =	vshrl.u32 v15, $0xE;
	[tilespmem:v3+s4+$0x0] =	vst.idx.add.f32.msk $0xffff, v10  }
0x21f: {  	v8 =	vshrl.u32 v5, $0xE;
	v5 =	vand.u32 $0x3FFF, v5;
	[tilespmem:v2+s1+$0x0] =	vst.idx.add.f32.msk $0xffff, v14  }
0x220: {  	v10 =	vshrl.u32 v4, $0xE;
	v14 =	vand.u32 $0x3FFF, v4;
	[tilespmem:v2+s0+$0x0] =	vst.idx.add.f32.msk $0xffff, v11  }
0x221: {  	v4 =	vshrl.u32 v6, $0xE;
	v3 =	vand.u32 $0x3FFF, v6;
	[tilespmem:v2+s3+$0x0] =	vst.idx.add.f32.msk $0xffff, v12  }
0x222: {  	[tilespmem:v2+s4+$0x0] =	vst.idx.add.f32.msk $0xffff, v9;
	v2 =	vmov v5  }
0x223: {  	s6 =	sadd.s32 $0x40, s6;
	v5 =	vld.idx.msk [tilespmem:v7+s2+$0x0], $0xffff  }
0x224: {  	v6 =	vld [tilespmem:s6+$0x10]  }
0x225: {  	v7 =	vld.idx.msk [tilespmem:v7+s31+$0x0], $0xffff  }
0x226: {  	v9 =	vld.idx.msk [tilespmem:v4+s2+$0x0], $0xffff  }
0x227: {  	v11 =	vand.u32 $0x3FFF, v15;
	v4 =	vld.idx.msk [tilespmem:v4+s31+$0x0], $0xffff  }
0x228: {  	v12 =	vld.idx.msk [tilespmem:v8+s2+$0x0], $0xffff  }
0x229: {  	v13 =	vshll.u32 v5, $0x10;
	v8 =	vld.idx.msk [tilespmem:v8+s31+$0x0], $0xffff  }
0x22a: {  	v5 =	vand.u32 $0xFFFF0000, v5;
	v13 =	vmul.f32 v13, v6;
	v15 =	vld.idx.msk [tilespmem:v10+s2+$0x0], $0xffff  }
0x22b: {  	v5 =	vmul.f32 v5, v6;
	v20 =	vshll.u32 v7, $0x10;
	v10 =	vld.idx.msk [tilespmem:v10+s31+$0x0], $0xffff  }
0x22c: {  	v7 =	vand.u32 $0xFFFF0000, v7;
	v21 =	vshll.u32 v9, $0x10;
	v20 =	vmul.f32 v20, v6;
	[tilespmem:v11+s1+$0x0] =	vst.idx.add.f32.msk $0xffff, v13  }
0x22d: {  	v9 =	vand.u32 $0xFFFF0000, v9;
	v6 =	vmul.f32 v7, v6;
	v13 =	vshll.u32 v4, $0x10;
	[tilespmem:v11+s0+$0x0] =	vst.idx.add.f32.msk $0xffff, v5  }
0x22e: {  	v22 =	vand.u32 $0xFFFF0000, v4;
	v23 =	vshll.u32 v12, $0x10;
	v12 =	vand.u32 $0xFFFF0000, v12;
	[tilespmem:v11+s3+$0x0] =	vst.idx.add.f32.msk $0xffff, v20  }
0x22f: {  	v20 =	vshll.u32 v8, $0x10;
	v24 =	vand.u32 $0xFFFF0000, v8;
	[tilespmem:v11+s4+$0x0] =	vst.idx.add.f32.msk $0xffff, v6  }
0x230: {  	v5 =	vshll.u32 v15, $0x10;
	v6 =	vand.u32 $0xFFFF0000, v15;
	v11 =	vld [tilespmem:s6+$0xFFFFFFE0]  }
0x231: {  	v7 =	vshll.u32 v10, $0x10;
	v8 =	vand.u32 $0xFFFF0000, v10;
	v15 =	vld [tilespmem:s6+$0xFFFFFFF0]  }
0x232: {  	v4 =	vld [tilespmem:s6+$0x0]  }
0x233: {  	[tilespmem:v1+s1+$0x0] =	vst.idx.add.f32.msk $0xffff, v16  }
.Ltmp6:
0x234: {  	[tilespmem:v1+s0+$0x0] =	vst.idx.add.f32.msk $0xffff, v17;
	(pc) =	sbr.rel @p0 .LBB2_14-.Ltmp6, $4  }
0x235: {  	v16 =	vmul.f32 v21, v11;
	v9 =	vmul.f32 v9, v11;
	[tilespmem:v1+s3+$0x0] =	vst.idx.add.f32.msk $0xffff, v18  }
0x236: {  	v13 =	vmul.f32 v13, v11;
	v10 =	vmul.f32 v22, v11;
	[tilespmem:v1+s4+$0x0] =	vst.idx.add.f32.msk $0xffff, v19;
	v1 =	vmov v14  }
0x237: {  	v14 =	vmul.f32 v23, v15;
	v11 =	vmul.f32 v12, v15;
	[tilespmem:v3+s1+$0x0] =	vst.idx.add.f32.msk $0xffff, v16  }
0x238: {  	s8 =	sadd.s32 $0x40, s8;
	v12 =	vmul.f32 v20, v15;
	[tilespmem:v3+s0+$0x0] =	vst.idx.add.f32.msk $0xffff, v9;
	v9 =	vmul.f32 v24, v15  }
0x239: {  	_ =	sdelay $0x3  }
0x23a: {  	[tilespmem:v3+s3+$0x0] =	vst.idx.add.f32.msk $0xffff, v13  }
0x23b: {  	[tilespmem:v2+s1+$0x0] =	vst.idx.add.f32.msk $0xffff, v14  }
0x23c: {  	[tilespmem:v3+s4+$0x0] =	vst.idx.add.f32.msk $0xffff, v10  }
0x23d: {  	[tilespmem:v2+s0+$0x0] =	vst.idx.add.f32.msk $0xffff, v11  }
0x23e: {  	v3 =	vmul.f32 v5, v4;
	[tilespmem:v2+s3+$0x0] =	vst.idx.add.f32.msk $0xffff, v12  }
0x23f: {  	v5 =	vmul.f32 v6, v4;
	[tilespmem:v2+s4+$0x0] =	vst.idx.add.f32.msk $0xffff, v9  }
0x240: {  	v2 =	vmul.f32 v7, v4;
	[tilespmem:v1+s1+$0x0] =	vst.idx.add.f32.msk $0xffff, v3  }
0x241: {  	v3 =	vmul.f32 v8, v4;
	[tilespmem:v1+s0+$0x0] =	vst.idx.add.f32.msk $0xffff, v5  }
0x242: {  	[tilespmem:v1+s3+$0x0] =	vst.idx.add.f32.msk $0xffff, v2  }
0x243: {  	[tilespmem:v1+s4+$0x0] =	vst.idx.add.f32.msk $0xffff, v3  }
0x244: {  	v1 =	vld [tilespmem:$0x13E80];
	_ =	sdelay $0x4  }
0x245: {  	v2 =	vshrl.u32 v1, $0xE;
	_ =	sdelay $0x4  }
0x246: {  	v3 =	vld.idx.msk [tilespmem:v2+s2+$0x0], $0xffff  }
0x247: {  	v4 =	vld [tilespmem:$0x18D80]  }
0x248: {  	v2 =	vld.idx.msk [tilespmem:v2+s31+$0x0], $0xffff  }
0x249: {  	v1 =	vand.u32 $0x3FFF, v1;
	_ =	sdelay $0x1  }
0x24a: {  	v5 =	vshll.u32 v3, $0x10  }
0x24b: {  	v3 =	vand.u32 $0xFFFF0000, v3;
	v5 =	vmul.f32 v5, v4  }
0x24c: {  	v6 =	vshll.u32 v2, $0x10;
	v3 =	vmul.f32 v3, v4  }
0x24d: {  	v2 =	vand.u32 $0xFFFF0000, v2;
	v6 =	vmul.f32 v6, v4;
	[tilespmem:v1+s1+$0x0] =	vst.idx.add.f32.msk $0xffff, v5  }
0x24e: {  	v2 =	vmul.f32 v2, v4;
	[tilespmem:v1+s0+$0x0] =	vst.idx.add.f32.msk $0xffff, v3  }
0x24f: {  	[tilespmem:v1+s3+$0x0] =	vst.idx.add.f32.msk $0xffff, v6  }
0x250: {  	[tilespmem:v1+s4+$0x0] =	vst.idx.add.f32.msk $0xffff, v2  }
0x251: {  	_ =	swait.ge [sflag:s28], $0x2710  }
0x252: {  	[sflag:s28] =	ssyncset.done $0x0  }
0x253: {  	[sflag:s28] =	ssyncadd.s32 $0xFFFFD8F0  }
0x254: {  	_ =	swait.ge [sflag:s28], $0x2710  }
0x255: {  	[sflag:s28] =	ssyncset.done $0x0  }
0x256: {  	[sflag:s28] =	ssyncadd.s32 $0xFFFFD8F0  }
0x257: {  	[tilespmem:s29], [sflag:$0x2] =	stream.linear.gather [hbm4b:s18+s2], $0x2710, $0x38;
	[tilespmem:$0x18E00] =	vst v63  }
0x258: {  	s6 =	simm.s32 $0xF020  }
0x259: {  	[tilespmem:s30], [sflag:$0x2] =	stream.linear.gather [hbm4b:s19+s2], $0x2710, $0x38;
	[tilespmem:$0x18E00] =	vst v63  }
0x25a: {  	v1 =	vld [tilespmem:s6+$0x10];
	_ =	sdelay $0x1  }
0x25b: {  	v3 =	vld [tilespmem:s6+$0xFFFFFFE0];
	_ =	sdelay $0x1  }
0x25c: {  	v2 =	vld [tilespmem:s6+$0xFFFFFFF0]  }
0x25d: {  	v4 =	vshrl.u32 v1, $0xE  }
0x25e: {  	v5 =	vld [tilespmem:s6+$0x0]  }
0x25f: {  	s6 =	simm.s32 $0x13F20;
	v6 =	vshrl.u32 v3, $0xE  }
0x260: {  	v9 =	vld [tilespmem:s6+$0x10]  }
0x261: {  	v18 =	vld [tilespmem:s6+$0xFFFFFFF0];
	v7 =	vshrl.u32 v2, $0xE  }
0x262: {  	v8 =	vld.idx.msk [tilespmem:v4+s2+$0x0], $0xffff  }
0x263: {  	v10 =	vshrl.u32 v5, $0xE;
	v4 =	vld.idx.msk [tilespmem:v4+s31+$0x0], $0xffff  }
0x264: {  	v11 =	vld.idx.msk [tilespmem:v6+s2+$0x0], $0xffff  }
0x265: {  	v6 =	vld.idx.msk [tilespmem:v6+s31+$0x0], $0xffff  }
0x266: {  	v12 =	vand.u32 $0x3FFF, v1;
	v13 =	vld.idx.msk [tilespmem:v7+s2+$0x0], $0xffff  }
0x267: {  	v7 =	vld.idx.msk [tilespmem:v7+s31+$0x0], $0xffff  }
0x268: {  	v15 =	vld.idx.msk [tilespmem:v10+s2+$0x0], $0xffff;
	v14 =	vshll.u32 v8, $0x10  }
0x269: {  	v1 =	vand.u32 $0x3FFF, v5;
	v16 =	vld.idx.msk [tilespmem:v10+s31+$0x0], $0xffff;
	v8 =	vand.u32 $0xFFFF0000, v8;
	v5 =	vmul.f32 v14, v9  }
0x26a: {  	v10 =	vshll.u32 v4, $0x10;
	v14 =	vld [tilespmem:s6+$0xFFFFFFE0];
	v8 =	vmul.f32 v8, v9  }
0x26b: {  	v4 =	vand.u32 $0xFFFF0000, v4;
	[tilespmem:v12+s1+$0x0] =	vst.idx.add.f32.msk $0xffff, v5;
	v5 =	vmul.f32 v10, v9  }
0x26c: {  	v2 =	vand.u32 $0x3FFF, v2;
	v4 =	vmul.f32 v4, v9;
	[tilespmem:v12+s0+$0x0] =	vst.idx.add.f32.msk $0xffff, v8  }
0x26d: {  	v3 =	vand.u32 $0x3FFF, v3;
	v17 =	vshll.u32 v11, $0x10;
	v19 =	vand.u32 $0xFFFF0000, v13;
	[tilespmem:v12+s3+$0x0] =	vst.idx.add.f32.msk $0xffff, v5  }
0x26e: {  	v20 =	vshll.u32 v7, $0x10;
	v21 =	vand.u32 $0xFFFF0000, v7;
	v7 =	vshll.u32 v16, $0x10;
	[tilespmem:v12+s4+$0x0] =	vst.idx.add.f32.msk $0xffff, v4  }
0x26f: {  	v10 =	vand.u32 $0xFFFF0000, v11;
	v11 =	vshll.u32 v6, $0x10;
	v9 =	vshll.u32 v13, $0x10;
	v4 =	vld [tilespmem:s6+$0x0]  }
0x270: {  	v8 =	vand.u32 $0xFFFF0000, v6;
	v12 =	vmul.f32 v17, v14;
	v63 =	vmul.f32 v10, v14  }
0x271: {  	v6 =	vand.u32 $0xFFFF0000, v15;
	v13 =	vmul.f32 v11, v14;
	v10 =	vmul.f32 v8, v14  }
0x272: {  	v5 =	vshll.u32 v15, $0x10;
	v14 =	vmul.f32 v9, v18;
	v11 =	vmul.f32 v19, v18;
	[tilespmem:v3+s1+$0x0] =	vst.idx.add.f32.msk $0xffff, v12  }
0x273: {  	s7 =	simm.s32 $0x0;
	s8 =	simm.s32 $0xF060;
	v8 =	vand.u32 $0xFFFF0000, v16;
	v9 =	vmul.f32 v21, v18;
	v12 =	vmul.f32 v20, v18;
	[tilespmem:v3+s0+$0x0] =	vst.idx.add.f32.msk $0xffff, v63  }
.LBB2_16:
0x274: {  	v15 =	vld [tilespmem:s8+$0x10];
	v16 =	vmul.f32 v5, v4;
	v17 =	vmul.f32 v6, v4  }
0x275: {  	v18 =	vmul.f32 v7, v4;
	v19 =	vmul.f32 v8, v4;
	v5 =	vld [tilespmem:s8+$0xFFFFFFF0]  }
0x276: {  	v4 =	vld [tilespmem:s8+$0x0]  }
0x277: {  	s7 =	sadd.s32 $0x4, s7;
	v6 =	vld [tilespmem:s8+$0xFFFFFFE0]  }
0x278: {  	p0 =	slt.u32 s7, $0x26C;
	[tilespmem:v3+s3+$0x0] =	vst.idx.add.f32.msk $0xffff, v13  }
0x279: {  	v7 =	vshrl.u32 v15, $0xE;
	[tilespmem:v3+s4+$0x0] =	vst.idx.add.f32.msk $0xffff, v10  }
0x27a: {  	v8 =	vshrl.u32 v5, $0xE;
	v5 =	vand.u32 $0x3FFF, v5;
	[tilespmem:v2+s1+$0x0] =	vst.idx.add.f32.msk $0xffff, v14  }
0x27b: {  	v10 =	vshrl.u32 v4, $0xE;
	v14 =	vand.u32 $0x3FFF, v4;
	[tilespmem:v2+s0+$0x0] =	vst.idx.add.f32.msk $0xffff, v11  }
0x27c: {  	v4 =	vshrl.u32 v6, $0xE;
	v3 =	vand.u32 $0x3FFF, v6;
	[tilespmem:v2+s3+$0x0] =	vst.idx.add.f32.msk $0xffff, v12  }
0x27d: {  	[tilespmem:v2+s4+$0x0] =	vst.idx.add.f32.msk $0xffff, v9;
	v2 =	vmov v5  }
0x27e: {  	s6 =	sadd.s32 $0x40, s6;
	v5 =	vld.idx.msk [tilespmem:v7+s2+$0x0], $0xffff  }
0x27f: {  	v6 =	vld [tilespmem:s6+$0x10]  }
0x280: {  	v7 =	vld.idx.msk [tilespmem:v7+s31+$0x0], $0xffff  }
0x281: {  	v9 =	vld.idx.msk [tilespmem:v4+s2+$0x0], $0xffff  }
0x282: {  	v11 =	vand.u32 $0x3FFF, v15;
	v4 =	vld.idx.msk [tilespmem:v4+s31+$0x0], $0xffff  }
0x283: {  	v12 =	vld.idx.msk [tilespmem:v8+s2+$0x0], $0xffff  }
0x284: {  	v13 =	vshll.u32 v5, $0x10;
	v8 =	vld.idx.msk [tilespmem:v8+s31+$0x0], $0xffff  }
0x285: {  	v5 =	vand.u32 $0xFFFF0000, v5;
	v13 =	vmul.f32 v13, v6;
	v15 =	vld.idx.msk [tilespmem:v10+s2+$0x0], $0xffff  }
0x286: {  	v5 =	vmul.f32 v5, v6;
	v20 =	vshll.u32 v7, $0x10;
	v10 =	vld.idx.msk [tilespmem:v10+s31+$0x0], $0xffff  }
0x287: {  	v7 =	vand.u32 $0xFFFF0000, v7;
	v21 =	vshll.u32 v9, $0x10;
	v20 =	vmul.f32 v20, v6;
	[tilespmem:v11+s1+$0x0] =	vst.idx.add.f32.msk $0xffff, v13  }
0x288: {  	v9 =	vand.u32 $0xFFFF0000, v9;
	v6 =	vmul.f32 v7, v6;
	v13 =	vshll.u32 v4, $0x10;
	[tilespmem:v11+s0+$0x0] =	vst.idx.add.f32.msk $0xffff, v5  }
0x289: {  	v22 =	vand.u32 $0xFFFF0000, v4;
	v23 =	vshll.u32 v12, $0x10;
	v12 =	vand.u32 $0xFFFF0000, v12;
	[tilespmem:v11+s3+$0x0] =	vst.idx.add.f32.msk $0xffff, v20  }
0x28a: {  	v20 =	vshll.u32 v8, $0x10;
	v24 =	vand.u32 $0xFFFF0000, v8;
	[tilespmem:v11+s4+$0x0] =	vst.idx.add.f32.msk $0xffff, v6  }
0x28b: {  	v5 =	vshll.u32 v15, $0x10;
	v6 =	vand.u32 $0xFFFF0000, v15;
	v11 =	vld [tilespmem:s6+$0xFFFFFFE0]  }
0x28c: {  	v7 =	vshll.u32 v10, $0x10;
	v8 =	vand.u32 $0xFFFF0000, v10;
	v15 =	vld [tilespmem:s6+$0xFFFFFFF0]  }
0x28d: {  	v4 =	vld [tilespmem:s6+$0x0]  }
0x28e: {  	[tilespmem:v1+s1+$0x0] =	vst.idx.add.f32.msk $0xffff, v16  }
.Ltmp7:
0x28f: {  	[tilespmem:v1+s0+$0x0] =	vst.idx.add.f32.msk $0xffff, v17;
	(pc) =	sbr.rel @p0 .LBB2_16-.Ltmp7, $4  }
0x290: {  	v16 =	vmul.f32 v21, v11;
	v9 =	vmul.f32 v9, v11;
	[tilespmem:v1+s3+$0x0] =	vst.idx.add.f32.msk $0xffff, v18  }
0x291: {  	v13 =	vmul.f32 v13, v11;
	v10 =	vmul.f32 v22, v11;
	[tilespmem:v1+s4+$0x0] =	vst.idx.add.f32.msk $0xffff, v19;
	v1 =	vmov v14  }
0x292: {  	v14 =	vmul.f32 v23, v15;
	v11 =	vmul.f32 v12, v15;
	[tilespmem:v3+s1+$0x0] =	vst.idx.add.f32.msk $0xffff, v16  }
0x293: {  	s8 =	sadd.s32 $0x40, s8;
	v12 =	vmul.f32 v20, v15;
	[tilespmem:v3+s0+$0x0] =	vst.idx.add.f32.msk $0xffff, v9;
	v9 =	vmul.f32 v24, v15  }
0x294: {  	_ =	sdelay $0x3  }
0x295: {  	[tilespmem:v3+s3+$0x0] =	vst.idx.add.f32.msk $0xffff, v13  }
0x296: {  	[tilespmem:v2+s1+$0x0] =	vst.idx.add.f32.msk $0xffff, v14  }
0x297: {  	[tilespmem:v3+s4+$0x0] =	vst.idx.add.f32.msk $0xffff, v10  }
0x298: {  	[tilespmem:v2+s0+$0x0] =	vst.idx.add.f32.msk $0xffff, v11  }
0x299: {  	v3 =	vmul.f32 v5, v4;
	[tilespmem:v2+s3+$0x0] =	vst.idx.add.f32.msk $0xffff, v12  }
0x29a: {  	v5 =	vmul.f32 v6, v4;
	[tilespmem:v2+s4+$0x0] =	vst.idx.add.f32.msk $0xffff, v9  }
0x29b: {  	v2 =	vmul.f32 v7, v4;
	[tilespmem:v1+s1+$0x0] =	vst.idx.add.f32.msk $0xffff, v3  }
0x29c: {  	v3 =	vmul.f32 v8, v4;
	[tilespmem:v1+s0+$0x0] =	vst.idx.add.f32.msk $0xffff, v5  }
0x29d: {  	[tilespmem:v1+s3+$0x0] =	vst.idx.add.f32.msk $0xffff, v2  }
0x29e: {  	[tilespmem:v1+s4+$0x0] =	vst.idx.add.f32.msk $0xffff, v3  }
0x29f: {  	v1 =	vld [tilespmem:$0x11700];
	_ =	sdelay $0x4  }
0x2a0: {  	v2 =	vshrl.u32 v1, $0xE;
	_ =	sdelay $0x4  }
0x2a1: {  	v3 =	vld.idx.msk [tilespmem:v2+s2+$0x0], $0xffff  }
0x2a2: {  	v4 =	vld [tilespmem:$0x16600]  }
0x2a3: {  	v2 =	vld.idx.msk [tilespmem:v2+s31+$0x0], $0xffff  }
0x2a4: {  	v1 =	vand.u32 $0x3FFF, v1;
	_ =	sdelay $0x1  }
0x2a5: {  	v5 =	vshll.u32 v3, $0x10  }
0x2a6: {  	v3 =	vand.u32 $0xFFFF0000, v3;
	v5 =	vmul.f32 v5, v4  }
0x2a7: {  	v6 =	vshll.u32 v2, $0x10;
	v3 =	vmul.f32 v3, v4  }
0x2a8: {  	v2 =	vand.u32 $0xFFFF0000, v2;
	v6 =	vmul.f32 v6, v4;
	[tilespmem:v1+s1+$0x0] =	vst.idx.add.f32.msk $0xffff, v5  }
0x2a9: {  	v2 =	vmul.f32 v2, v4;
	[tilespmem:v1+s0+$0x0] =	vst.idx.add.f32.msk $0xffff, v3  }
0x2aa: {  	[tilespmem:v1+s3+$0x0] =	vst.idx.add.f32.msk $0xffff, v6  }
0x2ab: {  	[tilespmem:v1+s4+$0x0] =	vst.idx.add.f32.msk $0xffff, v2  }
0x2ac: {  	_ =	swait.ge [sflag:s24], $0x2710  }
0x2ad: {  	[sflag:s24] =	ssyncset.done $0x0  }
0x2ae: {  	[sflag:s24] =	ssyncadd.s32 $0xFFFFD8F0  }
0x2af: {  	_ =	swait.ge [sflag:s24], $0x2710  }
0x2b0: {  	[sflag:s24] =	ssyncset.done $0x0  }
0x2b1: {  	s6 =	simm.s32 $0x117A0;
	[sflag:s24] =	ssyncadd.s32 $0xFFFFD8F0  }
0x2b2: {  	v1 =	vld [tilespmem:s6+$0x10];
	_ =	sdelay $0x1  }
0x2b3: {  	v3 =	vld [tilespmem:s6+$0xFFFFFFE0];
	_ =	sdelay $0x1  }
0x2b4: {  	v2 =	vld [tilespmem:s6+$0xFFFFFFF0]  }
0x2b5: {  	v4 =	vshrl.u32 v1, $0xE  }
0x2b6: {  	v5 =	vld [tilespmem:s6+$0x0]  }
0x2b7: {  	s6 =	simm.s32 $0x166A0;
	v6 =	vshrl.u32 v3, $0xE  }
0x2b8: {  	v9 =	vld [tilespmem:s6+$0x10]  }
0x2b9: {  	v18 =	vld [tilespmem:s6+$0xFFFFFFF0];
	v7 =	vshrl.u32 v2, $0xE  }
0x2ba: {  	v8 =	vld.idx.msk [tilespmem:v4+s2+$0x0], $0xffff  }
0x2bb: {  	v10 =	vshrl.u32 v5, $0xE;
	v4 =	vld.idx.msk [tilespmem:v4+s31+$0x0], $0xffff  }
0x2bc: {  	v11 =	vld.idx.msk [tilespmem:v6+s2+$0x0], $0xffff  }
0x2bd: {  	v6 =	vld.idx.msk [tilespmem:v6+s31+$0x0], $0xffff  }
0x2be: {  	v12 =	vand.u32 $0x3FFF, v1;
	v13 =	vld.idx.msk [tilespmem:v7+s2+$0x0], $0xffff  }
0x2bf: {  	v7 =	vld.idx.msk [tilespmem:v7+s31+$0x0], $0xffff  }
0x2c0: {  	v15 =	vld.idx.msk [tilespmem:v10+s2+$0x0], $0xffff;
	v14 =	vshll.u32 v8, $0x10  }
0x2c1: {  	v1 =	vand.u32 $0x3FFF, v5;
	v16 =	vld.idx.msk [tilespmem:v10+s31+$0x0], $0xffff;
	v8 =	vand.u32 $0xFFFF0000, v8;
	v5 =	vmul.f32 v14, v9  }
0x2c2: {  	v10 =	vshll.u32 v4, $0x10;
	v14 =	vld [tilespmem:s6+$0xFFFFFFE0];
	v8 =	vmul.f32 v8, v9  }
0x2c3: {  	v4 =	vand.u32 $0xFFFF0000, v4;
	[tilespmem:v12+s1+$0x0] =	vst.idx.add.f32.msk $0xffff, v5;
	v5 =	vmul.f32 v10, v9  }
0x2c4: {  	v2 =	vand.u32 $0x3FFF, v2;
	v4 =	vmul.f32 v4, v9;
	[tilespmem:v12+s0+$0x0] =	vst.idx.add.f32.msk $0xffff, v8  }
0x2c5: {  	v3 =	vand.u32 $0x3FFF, v3;
	v17 =	vshll.u32 v11, $0x10;
	v19 =	vand.u32 $0xFFFF0000, v13;
	[tilespmem:v12+s3+$0x0] =	vst.idx.add.f32.msk $0xffff, v5  }
0x2c6: {  	v20 =	vshll.u32 v7, $0x10;
	v21 =	vand.u32 $0xFFFF0000, v7;
	v7 =	vshll.u32 v16, $0x10;
	[tilespmem:v12+s4+$0x0] =	vst.idx.add.f32.msk $0xffff, v4  }
0x2c7: {  	v10 =	vand.u32 $0xFFFF0000, v11;
	v11 =	vshll.u32 v6, $0x10;
	v9 =	vshll.u32 v13, $0x10;
	v4 =	vld [tilespmem:s6+$0x0]  }
0x2c8: {  	v8 =	vand.u32 $0xFFFF0000, v6;
	v12 =	vmul.f32 v17, v14;
	v63 =	vmul.f32 v10, v14  }
0x2c9: {  	v6 =	vand.u32 $0xFFFF0000, v15;
	v13 =	vmul.f32 v11, v14;
	v10 =	vmul.f32 v8, v14  }
0x2ca: {  	v5 =	vshll.u32 v15, $0x10;
	v14 =	vmul.f32 v9, v18;
	v11 =	vmul.f32 v19, v18;
	[tilespmem:v3+s1+$0x0] =	vst.idx.add.f32.msk $0xffff, v12  }
0x2cb: {  	s7 =	simm.s32 $0x0;
	s8 =	simm.s32 $0x117E0;
	v8 =	vand.u32 $0xFFFF0000, v16;
	v9 =	vmul.f32 v21, v18;
	v12 =	vmul.f32 v20, v18;
	[tilespmem:v3+s0+$0x0] =	vst.idx.add.f32.msk $0xffff, v63  }
.LBB2_18:
0x2cc: {  	v15 =	vld [tilespmem:s8+$0x10];
	v16 =	vmul.f32 v5, v4;
	v17 =	vmul.f32 v6, v4  }
0x2cd: {  	v18 =	vmul.f32 v7, v4;
	v19 =	vmul.f32 v8, v4;
	v5 =	vld [tilespmem:s8+$0xFFFFFFF0]  }
0x2ce: {  	v4 =	vld [tilespmem:s8+$0x0]  }
0x2cf: {  	s7 =	sadd.s32 $0x4, s7;
	v6 =	vld [tilespmem:s8+$0xFFFFFFE0]  }
0x2d0: {  	p0 =	slt.u32 s7, $0x26C;
	[tilespmem:v3+s3+$0x0] =	vst.idx.add.f32.msk $0xffff, v13  }
0x2d1: {  	v7 =	vshrl.u32 v15, $0xE;
	[tilespmem:v3+s4+$0x0] =	vst.idx.add.f32.msk $0xffff, v10  }
0x2d2: {  	v8 =	vshrl.u32 v5, $0xE;
	v5 =	vand.u32 $0x3FFF, v5;
	[tilespmem:v2+s1+$0x0] =	vst.idx.add.f32.msk $0xffff, v14  }
0x2d3: {  	v10 =	vshrl.u32 v4, $0xE;
	v14 =	vand.u32 $0x3FFF, v4;
	[tilespmem:v2+s0+$0x0] =	vst.idx.add.f32.msk $0xffff, v11  }
0x2d4: {  	v4 =	vshrl.u32 v6, $0xE;
	v3 =	vand.u32 $0x3FFF, v6;
	[tilespmem:v2+s3+$0x0] =	vst.idx.add.f32.msk $0xffff, v12  }
0x2d5: {  	[tilespmem:v2+s4+$0x0] =	vst.idx.add.f32.msk $0xffff, v9;
	v2 =	vmov v5  }
0x2d6: {  	s6 =	sadd.s32 $0x40, s6;
	v5 =	vld.idx.msk [tilespmem:v7+s2+$0x0], $0xffff  }
0x2d7: {  	v6 =	vld [tilespmem:s6+$0x10]  }
0x2d8: {  	v7 =	vld.idx.msk [tilespmem:v7+s31+$0x0], $0xffff  }
0x2d9: {  	v9 =	vld.idx.msk [tilespmem:v4+s2+$0x0], $0xffff  }
0x2da: {  	v11 =	vand.u32 $0x3FFF, v15;
	v4 =	vld.idx.msk [tilespmem:v4+s31+$0x0], $0xffff  }
0x2db: {  	v12 =	vld.idx.msk [tilespmem:v8+s2+$0x0], $0xffff  }
0x2dc: {  	v13 =	vshll.u32 v5, $0x10;
	v8 =	vld.idx.msk [tilespmem:v8+s31+$0x0], $0xffff  }
0x2dd: {  	v5 =	vand.u32 $0xFFFF0000, v5;
	v13 =	vmul.f32 v13, v6;
	v15 =	vld.idx.msk [tilespmem:v10+s2+$0x0], $0xffff  }
0x2de: {  	v5 =	vmul.f32 v5, v6;
	v20 =	vshll.u32 v7, $0x10;
	v10 =	vld.idx.msk [tilespmem:v10+s31+$0x0], $0xffff  }
0x2df: {  	v7 =	vand.u32 $0xFFFF0000, v7;
	v21 =	vshll.u32 v9, $0x10;
	v20 =	vmul.f32 v20, v6;
	[tilespmem:v11+s1+$0x0] =	vst.idx.add.f32.msk $0xffff, v13  }
0x2e0: {  	v9 =	vand.u32 $0xFFFF0000, v9;
	v6 =	vmul.f32 v7, v6;
	v13 =	vshll.u32 v4, $0x10;
	[tilespmem:v11+s0+$0x0] =	vst.idx.add.f32.msk $0xffff, v5  }
0x2e1: {  	v22 =	vand.u32 $0xFFFF0000, v4;
	v23 =	vshll.u32 v12, $0x10;
	v12 =	vand.u32 $0xFFFF0000, v12;
	[tilespmem:v11+s3+$0x0] =	vst.idx.add.f32.msk $0xffff, v20  }
0x2e2: {  	v20 =	vshll.u32 v8, $0x10;
	v24 =	vand.u32 $0xFFFF0000, v8;
	[tilespmem:v11+s4+$0x0] =	vst.idx.add.f32.msk $0xffff, v6  }
0x2e3: {  	v5 =	vshll.u32 v15, $0x10;
	v6 =	vand.u32 $0xFFFF0000, v15;
	v11 =	vld [tilespmem:s6+$0xFFFFFFE0]  }
0x2e4: {  	v7 =	vshll.u32 v10, $0x10;
	v8 =	vand.u32 $0xFFFF0000, v10;
	v15 =	vld [tilespmem:s6+$0xFFFFFFF0]  }
0x2e5: {  	v4 =	vld [tilespmem:s6+$0x0]  }
0x2e6: {  	[tilespmem:v1+s1+$0x0] =	vst.idx.add.f32.msk $0xffff, v16  }
.Ltmp8:
0x2e7: {  	[tilespmem:v1+s0+$0x0] =	vst.idx.add.f32.msk $0xffff, v17;
	(pc) =	sbr.rel @p0 .LBB2_18-.Ltmp8, $4  }
0x2e8: {  	v16 =	vmul.f32 v21, v11;
	v9 =	vmul.f32 v9, v11;
	[tilespmem:v1+s3+$0x0] =	vst.idx.add.f32.msk $0xffff, v18  }
0x2e9: {  	v13 =	vmul.f32 v13, v11;
	v10 =	vmul.f32 v22, v11;
	[tilespmem:v1+s4+$0x0] =	vst.idx.add.f32.msk $0xffff, v19;
	v1 =	vmov v14  }
0x2ea: {  	v14 =	vmul.f32 v23, v15;
	v11 =	vmul.f32 v12, v15;
	[tilespmem:v3+s1+$0x0] =	vst.idx.add.f32.msk $0xffff, v16  }
0x2eb: {  	s8 =	sadd.s32 $0x40, s8;
	v12 =	vmul.f32 v20, v15;
	[tilespmem:v3+s0+$0x0] =	vst.idx.add.f32.msk $0xffff, v9;
	v9 =	vmul.f32 v24, v15  }
0x2ec: {  	_ =	sdelay $0x3  }
0x2ed: {  	[tilespmem:v3+s3+$0x0] =	vst.idx.add.f32.msk $0xffff, v13  }
0x2ee: {  	[tilespmem:v2+s1+$0x0] =	vst.idx.add.f32.msk $0xffff, v14  }
0x2ef: {  	[tilespmem:v3+s4+$0x0] =	vst.idx.add.f32.msk $0xffff, v10  }
0x2f0: {  	[tilespmem:v2+s0+$0x0] =	vst.idx.add.f32.msk $0xffff, v11  }
0x2f1: {  	v3 =	vmul.f32 v5, v4;
	[tilespmem:v2+s3+$0x0] =	vst.idx.add.f32.msk $0xffff, v12  }
0x2f2: {  	v60 =	vmul.f32 v6, v4;
	[tilespmem:v2+s4+$0x0] =	vst.idx.add.f32.msk $0xffff, v9  }
0x2f3: {  	v2 =	vmul.f32 v7, v4;
	[tilespmem:v1+s1+$0x0] =	vst.idx.add.f32.msk $0xffff, v3  }
0x2f4: {  	v3 =	vmul.f32 v8, v4;
	[tilespmem:v1+s0+$0x0] =	vst.idx.add.f32.msk $0xffff, v60  }
0x2f5: {  	[tilespmem:v1+s3+$0x0] =	vst.idx.add.f32.msk $0xffff, v2  }
0x2f6: {  	[tilespmem:v1+s4+$0x0] =	vst.idx.add.f32.msk $0xffff, v3  }
0x2f7: {  	v1 =	vld [tilespmem:$0x13E80];
	_ =	sdelay $0x4  }
0x2f8: {  	v2 =	vshrl.u32 v1, $0xE;
	_ =	sdelay $0x4  }
0x2f9: {  	v3 =	vld.idx.msk [tilespmem:v2+s2+$0x0], $0xffff  }
0x2fa: {  	v61 =	vld [tilespmem:$0x18D80]  }
0x2fb: {  	v2 =	vld.idx.msk [tilespmem:v2+s31+$0x0], $0xffff  }
0x2fc: {  	v1 =	vand.u32 $0x3FFF, v1;
	_ =	sdelay $0x1  }
0x2fd: {  	v62 =	vshll.u32 v3, $0x10  }
0x2fe: {  	v3 =	vand.u32 $0xFFFF0000, v3;
	v5 =	vmul.f32 v62, v61  }
0x2ff: {  	v63 =	vshll.u32 v2, $0x10;
	v3 =	vmul.f32 v3, v61  }
0x300: {  	v2 =	vand.u32 $0xFFFF0000, v2;
	v6 =	vmul.f32 v63, v61;
	[tilespmem:v1+s1+$0x0] =	vst.idx.add.f32.msk $0xffff, v5  }
0x301: {  	s5 =	sadd.s32 $0x1, s5;
	v2 =	vmul.f32 v2, v61;
	[tilespmem:v1+s0+$0x0] =	vst.idx.add.f32.msk $0xffff, v3  }
0x302: {  	p0 =	sne.s32 s5, s21;
	[tilespmem:v1+s3+$0x0] =	vst.idx.add.f32.msk $0xffff, v6  }
.Ltmp9:
0x303: {  	s7 =	simm.s32 $0x80;
	s8 =	simm.s32 $0x400;
	[tilespmem:v1+s4+$0x0] =	vst.idx.add.f32.msk $0xffff, v2;
	(pc) =	sbr.rel @p0 .LBB2_1-.Ltmp9, $4  }
0x304: {  	[hbm4b:s20+s7] =	stream.strided.scatter [tilespmem:s1], [sflag:$0x4], $0xA000, s8, s7, $0x38;
	[tilespmem:$0x18E00] =	vst v63  }
0x305: {  	_ =	swait.ge [sflag:s25], $0xA000  }
0x306: {  	[sflag:s25] =	ssyncset.done $0x0  }
0x307: {  	[sflag:s25] =	ssyncadd.s32 $0xFFFF6000  }
0x308: {  	_ =	sfence.sel $0x180000  }
0x309: {  	[bflag:$0x0] =	sbarrier.arrive $0xFFFF  }
0x30a: {  	_ =	strace $0x9000004A  }
0x30b: {  	s0 =	stileid.u32;
	[bflag:$0x2] =	sbarrier.arrive $0xFFFF  }
0x30c: {  	p0 =	sne.s32 s0, $0x0;
	s0 =	rddreg [dreg:$0x3]  }
0x30d: {  	s0 =	sadd.s32 @!p0 $0x100000, s0  }
0x30e: {  	[sflag:s0] =	ssyncadd.tile.s32 @!p0 $0x1;
	_ =	shalt  }
.Lfunc_end2:
_tile_overlayer_lowered:
.L_overlay_start_2:
0x30f: {  	(tag) =	ssettag $0x2  }
0x310: {  	s0 =	rddreg [dreg:$0x0];
	s2 =	stileid.u32  }
0x311: {  	s1 =	rddreg [dreg:$0x1];
	p0 =	sne.s32 s2, $0x0  }
0x312: {  	s3 =	rddreg [dreg:$0x2];
	[bflag:$0x3] =	sbarrier.arrive $0xFFFF;
	s2 =	simm.s32 @!p0 $0x1C04  }
0x313: {  	[timem:s3], [sflag:s2] =	dma.local @!p0 [hbm:s0], s1  }
0x314: {  	s0 =	simm.s32 @!p0 $0x4  }
0x315: {  	_ =	swait.ge @!p0 [sflag:s0], s1  }
0x316: {  	s1 =	ssub.s32 @!p0 $0x0, s1;
	[sflag:s0] =	ssyncset.done @!p0 $0x0  }
0x317: {  	[sflag:s0] =	ssyncadd.s32 @!p0 s1  }
0x318: {  	[bflag:$0x3] =	sbarrier.arrive $0xFFFF  }
0x319: {  	_ =	shalt  }

// kernel: kernel.8.cloned.1.call-start
scs
__scs_entry_jumppad:
0x0: {  	(pc) =	sbr.rel $0x88, $3  }
0x1: {  	(tag) =	ssettag $0x0;
	lr =	simm.s32 $0x1  }
0x2: {  	[smem:$0x3F98] =	sst lr;
	_ =	strace $0xD0000000  }
0x3: {  	_ = 	snop  }
0x4: {  	_ = 	snop  }
0x5: {  	_ = 	snop  }
0x6: {  	_ = 	snop  }
0x7: {  	_ = 	snop  }
__scs_overlays_trampoline_lowered:
0x8: {  	[smem:$0x3FA7] =	sst s0  }
0x9: {  	[smem:$0x3FA8] =	sst s1  }
0xa: {  	[smem:$0x3FA9] =	sst s2  }
0xb: {  	[smem:$0x3FAA] =	sst s3  }
0xc: {  	[smem:$0x3FAB] =	sst s4  }
0xd: {  	[smem:$0x3FAC] =	sst s5  }
0xe: {  	[smem:$0x3FAD] =	sst s6  }
0xf: {  	[smem:$0x3FAE] =	sst s7  }
0x10: {  	[smem:$0x3FAF] =	sst s8  }
0x11: {  	[smem:$0x3FB0] =	sst s9;
	s0 =	simm.s32 @!p0 $0x0  }
0x12: {  	s1 =	sld [smem:$0x3F96];
	s0 =	simm.s32 @p0 $0x1  }
0x13: {  	[smem:$0x3FB1] =	sst s0;
	s0 =	simm.s32 @!p1 $0x0  }
0x14: {  	s2 =	sld [smem:$0x3F95];
	s0 =	simm.s32 @p1 $0x1  }
0x15: {  	[smem:$0x3FB2] =	sst s0;
	s0 =	simm.s32 @!p2 $0x0  }
0x16: {  	s3 =	sld [smem:$0x3FDB];
	s0 =	simm.s32 @p2 $0x1  }
0x17: {  	s4 =	simm.s32 $0x1BF5;
	[smem:$0x3FB4] =	sst s0  }
0x18: {  	s0 =	sld [smem:$0x3F97];
	_ =	swait.ge [sflag:s4], $0x0  }
0x19: {  	s7 =	sld [smem:$0x3F98]  }
0x1a: {  	s8 =	sadd.s32 $0xFFFFE003, lr  }
0x1b: {  	s9 =	sadd.s32 $0xFFFFFEF7, lr;
	s5 =	simm.s32 $0xFFFFFFFF;
	p2 =	slt.u32 s8, $0xFFFFF086  }
0x1c: {  	p1 =	slt.u32 s9, $0xF7A;
	s5 =	simm.s32 @!p2 $0x0  }
0x1d: {  	s5 =	simm.s32 @p1 $0x1;
	p0 =	seq.s32 s7, s2  }
0x1e: {  	s7 =	smul.u32 @!p0 $0xF7A, s2;
	p2 =	seq.s32 @!p0 s5, $0x0  }
0x1f: {  	s9 =	smul.u32 $0xF7A, s1;
	s8 =	simm.s32 @!p0 $0x1BF5;
	p2 =	por !p2, p0  }
0x20: {  	[sflag:s8] =	ssyncset.s32 @!p0 $0xFFFFF086;
	s6 =	sadd.s32 @!p0 s3, s7;
	s7 =	simm.s32 @!p0 $0x108  }
0x21: {  	s3 =	sadd.s32 s3, s9;
	s6 =	sadd.s32 @!p0 $0x88, s6;
	s7 =	simm.s32 @p2 $0x1082  }
0x22: {  	[simem:s7], [sflag:s8] =	dma.local @!p0 [hbm:s6], $0xF7A  }
0x23: {  	s9 =	sor.u32 $0xD0000000, s2;
	s6 =	simm.s32 $0x108;
	_ =	swait.ge @!p0 [sflag:s8], $0x0  }
0x24: {  	s3 =	sadd.s32 $0x88, s3;
	s6 =	simm.s32 @!p1 $0x1082;
	[sflag:s4] =	ssyncset.s32 $0xFFFFF086  }
0x25: {  	[simem:s6], [sflag:s4] =	dma.local [hbm:s3], $0xF7A  }
0x26: {  	[smem:$0x3F98] =	sst s1;
	(tag) =	ssettag s2;
	_ =	strace s9  }
0x27: {  	s1 =	sld [smem:$0x3FA8]  }
0x28: {  	s2 =	sld [smem:$0x3FA9]  }
0x29: {  	s4 =	sld [smem:$0x3FAB]  }
0x2a: {  	p0 =	seq.s32 s5, $0x0;
	s5 =	sld [smem:$0x3FAC]  }
0x2b: {  	s6 =	sld [smem:$0x3FAD]  }
0x2c: {  	s7 =	sld [smem:$0x3FAE]  }
0x2d: {  	s3 =	simm.s32 $0x108;
	s8 =	sld [smem:$0x3FAF]  }
0x2e: {  	s3 =	simm.s32 @!p0 $0x1082;
	s9 =	sld [smem:$0x3FB0]  }
0x2f: {  	lr =	sadd.s32 s0, s3;
	s0 =	sld [smem:$0x3FA7]  }
0x30: {  	s3 =	sld [smem:$0x3FAA]  }
0x31: {  	[smem:$0x3FB3] =	sst s10  }
0x32: {  	s10 =	sld [smem:$0x3FB1];
	_ =	sdelay $0x3  }
0x33: {  	p0 =	seq.s32 s10, $0x1;
	s10 =	sld [smem:$0x3FB3];
	_ =	sdelay $0x3  }
0x34: {  	[smem:$0x3FB3] =	sst s10  }
0x35: {  	s10 =	sld [smem:$0x3FB2];
	_ =	sdelay $0x3  }
0x36: {  	p1 =	seq.s32 s10, $0x1;
	s10 =	sld [smem:$0x3FB3];
	_ =	sdelay $0x3  }
0x37: {  	[smem:$0x3FB3] =	sst s10  }
0x38: {  	s10 =	sld [smem:$0x3FB4]  }
0x39: {  	_ = 	snop;
	(pc) =	sbr.ind lr, $3  }
0x3a: {  	_ = 	snop  }
0x3b: {  	_ = 	snop  }
0x3c: {  	p2 =	seq.s32 s10, $0x1;
	s10 =	sld [smem:$0x3FB3]  }
0x3d: {  	_ =	shalt  }
0x3e: {  	_ =	shalt  }
0x3f: {  	_ =	shalt  }
0x40: {  	_ =	shalt  }
0x41: {  	_ =	shalt  }
0x42: {  	_ =	shalt  }
0x43: {  	_ =	shalt  }
0x44: {  	_ =	shalt  }
0x45: {  	_ =	shalt  }
0x46: {  	_ =	shalt  }
0x47: {  	_ =	shalt  }
0x48: {  	_ =	shalt  }
0x49: {  	_ =	shalt  }
0x4a: {  	_ =	shalt  }
0x4b: {  	_ =	shalt  }
0x4c: {  	_ =	shalt  }
0x4d: {  	_ =	shalt  }
0x4e: {  	_ =	shalt  }
0x4f: {  	_ =	shalt  }
0x50: {  	_ =	shalt  }
0x51: {  	_ =	shalt  }
0x52: {  	_ =	shalt  }
0x53: {  	_ =	shalt  }
0x54: {  	_ =	shalt  }
0x55: {  	_ =	shalt  }
0x56: {  	_ =	shalt  }
0x57: {  	_ =	shalt  }
0x58: {  	_ =	shalt  }
0x59: {  	_ =	shalt  }
0x5a: {  	_ =	shalt  }
0x5b: {  	_ =	shalt  }
0x5c: {  	_ =	shalt  }
0x5d: {  	_ =	shalt  }
0x5e: {  	_ =	shalt  }
0x5f: {  	_ =	shalt  }
0x60: {  	_ =	shalt  }
0x61: {  	_ =	shalt  }
0x62: {  	_ =	shalt  }
0x63: {  	_ =	shalt  }
0x64: {  	_ =	shalt  }
0x65: {  	_ =	shalt  }
0x66: {  	_ =	shalt  }
0x67: {  	_ =	shalt  }
0x68: {  	_ =	shalt  }
0x69: {  	_ =	shalt  }
0x6a: {  	_ =	shalt  }
0x6b: {  	_ =	shalt  }
0x6c: {  	_ =	shalt  }
0x6d: {  	_ =	shalt  }
0x6e: {  	_ =	shalt  }
0x6f: {  	_ =	shalt  }
0x70: {  	_ =	shalt  }
0x71: {  	_ =	shalt  }
0x72: {  	_ =	shalt  }
0x73: {  	_ =	shalt  }
0x74: {  	_ =	shalt  }
0x75: {  	_ =	shalt  }
0x76: {  	_ =	shalt  }
0x77: {  	_ =	shalt  }
0x78: {  	_ =	shalt  }
0x79: {  	_ =	shalt  }
0x7a: {  	_ =	shalt  }
0x7b: {  	_ =	shalt  }
0x7c: {  	_ =	shalt  }
0x7d: {  	_ =	shalt  }
0x7e: {  	_ =	shalt  }
0x7f: {  	_ =	shalt  }
0x80: {  	_ =	shalt  }
0x81: {  	_ =	shalt  }
0x82: {  	_ =	shalt  }
0x83: {  	_ =	shalt  }
0x84: {  	_ =	shalt  }
0x85: {  	_ =	shalt  }
0x86: {  	_ =	shalt  }
0x87: {  	_ =	shalt  }
.Lfunc_end0:
.L_simem_size_0:
called_computation_lowered:
.L_overlay_start_0:
0x88: {  	s2 =	sld [smem:$0x3FD9]  }
0x89: {  	s3 =	sld [smem:$0x3FFE];
	_ =	sdelay $0x1  }
0x8a: {  	s1 =	srdreg.scid  }
0x8b: {  	s0 =	sand.u32 $0x1, s1  }
0x8c: {  	s17 =	sshll.u32 s0, $0xA;
	s2 =	sadd.s32 s3, s2  }
0x8d: {  	s2 =	sadd.s32 s2, s17  }
0x8e: {  	[smem:$0x3FBF] =	sst s2  }
0x8f: {  	_ = 	snop  }
0x90: {  	s2 =	sld [smem:$0x3FC7]  }
0x91: {  	s18 =	sld [smem:$0x3FD0];
	(tm) =	ssettm $0x1  }
0x92: {  	s4 =	sld [smem:$0x3FFB];
	_ =	sdelay $0x3  }
0x93: {  	_ =	strace s4  }
0x94: {  	s4 =	sld [smem:$0x3FFC];
	_ =	sdelay $0x3  }
0x95: {  	_ =	strace s4  }
0x96: {  	s4 =	sld [smem:$0x3FFD];
	_ =	sdelay $0x3  }
0x97: {  	_ =	strace s4  }
0x98: {  	_ =	strace $0x8FFFFFFF  }
0x99: {  	s19 =	sld [smem:$0x3FDB];
	_ =	sdelay $0x1  }
0x9a: {  	s5 =	simm.s32 $_scs_section_size  }
0x9b: {  	s6 =	simm.s32 $_size__tile_overlayer_lowered;
	s7 =	simm.s32 $_tile_overlayer_lowered  }
0x9c: {  	s22 =	simm.s32 $0x1BFF;
	s21 =	sshll.u32 s7, $0x1;
	s4 =	sadd.s32 s5, s19  }
0x9d: {  	s8 =	simm.s32 $0x0;
	s20 =	sshll.u32 s6, $0x1;
	s6 =	sadd.s32 s21, s4  }
0x9e: {  	[timem:s8], [sflag:s22] =	dma.local [hbm:s6], s20  }
0x9f: {  	_ =	swait.ge [sflag:s22], s20  }
0xa0: {  	s5 =	ssub.s32 $0x0, s20;
	[sflag:s22] =	ssyncset.done $0x0  }
0xa1: {  	[sflag:s22] =	ssyncadd.s32 s5;
	_ =	sdelay $0x1  }
0xa2: {  	s23 =	simm.s32 $0x1B8B  }
0xa3: {  	_ =	swait.ge [sflag:s23], $0x1  }
0xa4: {  	[sflag:s23] =	ssyncset.done $0x0  }
0xa5: {  	s25 =	simm.s32 $0x1B8E;
	s24 =	sld [smem:$0x3FFE];
	[sflag:s23] =	ssyncadd.s32 $0xFFFFFFFF  }
0xa6: {  	s26 =	simm.s32 $execute0_lowered;
	[smem:$0x3FD2] =	sst s25  }
0xa7: {  	s6 =	sshll.u32 s26, $0x1;
	_ =	strace $0x80000046;
	[dreg:$0x1] =	wrdreg $0xFFFFFFFF  }
0xa8: {  	s28 =	simm.s32 $_size_execute0_lowered;
	s4 =	sadd.s32 s4, s6;
	[dreg:$0x0] =	wrdreg $0x0  }
0xa9: {  	s6 =	sshll.u32 s28, $0x1;
	[dreg:$0x2] =	wrdreg s4  }
0xaa: {  	[dreg:$0x3] =	wrdreg s6  }
0xab: {  	[dreg:$0x4] =	wrdreg $0xC0  }
0xac: {  	_ =	task [dreg:s8], $0x5FFFF  }
0xad: {  	[dreg:$0x1] =	wrdreg $0xFFFFFFFF  }
0xae: {  	[dreg:$0x0] =	wrdreg $0x60  }
0xaf: {  	[dreg:$0x2] =	wrdreg s24  }
0xb0: {  	[dreg:$0x3] =	wrdreg s2  }
0xb1: {  	[dreg:$0x4] =	wrdreg s18  }
0xb2: {  	[dreg:$0x5] =	wrdreg $0x9  }
0xb3: {  	_ =	task.clear_ibuf [dreg:s8], $0x6FFFF;
	_ =	strace $0x90000046  }
0xb4: {  	s29 =	simm.s32 $0x9;
	_ =	strace $0x80000048  }
0xb5: {  	_ =	swait.ge [sflag:s29], $0x1  }
0xb6: {  	[sflag:s29] =	ssyncadd.s32 $0xFFFFFFFF  }
0xb7: {  	_ =	strace $0x90000048  }
0xb8: {  	_ =	sfence  }
0xb9: {  	s30 =	sld [smem:$0x0];
	_ =	sdelay $0x2  }
0xba: {  	s31 =	sshll.u32 s1, $0xD;
	s1 =	sshrl.u32 s1, $0x2  }
0xbb: {  	s3 =	sand.u32 $0x4000, s31;
	s1 =	sadd.s32 s1, s30  }
0xbc: {  	s0 =	sor.u32 s3, s0;
	s1 =	sshll.u32 s1, $0x11  }
0xbd: {  	s0 =	sor.u32 s1, s0  }
0xbe: {  	s0 =	sadd.s32 $0x8F2B, s0  }
0xbf: {  	[sflag:s0] =	ssyncadd.remote.s32 $0x1  }
0xc0: {  	_ =	sfence.sel $0xFFFF  }
0xc1: {  	[dreg:$0x0] =	wrdreg $0xFFFFFFFF;
	(pc) =	sbr.abs _section_cstart, $3  }
0xc2: {  	[dreg:$0x1] =	wrdreg $0xFFFFFFFF  }
0xc3: {  	_ =	task.clear_ibuf [dreg:s8], $0x2FFFF;
	_ =	strace $0x9FFFFFFF  }
0xc4: {  	(tm) =	ssettm $0x7FFFFFFF  }
0xc5: {  	_ =	shalt  }
tec
execute0_lowered:
.L_overlay_start_1:
0x0: {  	(tag) =	ssettag $0x1  }
0x1: {  	s3 =	rddreg [dreg:$0x0]  }
0x2: {  	s4 =	rddreg [dreg:$0x1]  }
0x3: {  	s5 =	rddreg [dreg:$0x2]  }
0x4: {  	s2 =	srdreg.scid;
	s1 =	stileid.u32  }
0x5: {  	s0 =	rddreg [dreg:$0x3];
	s11 =	simm.s32 $0x80;
	s12 =	simm.s32 $0x400  }
0x6: {  	s13 =	simm.s32 $0x3;
	s14 =	simm.s32 $0x0;
	s6 =	sand.u32 $0x1, s2  }
0x7: {  	s7 =	sshll.u32 s1, $0x1;
	s2 =	simm.s32 $0x0;
	s8 =	sshrl.u32 s1, $0x2  }
0x8: {  	s7 =	sor.u32 s6, s7;
	[smem:$0x7FF] =	sst s2;
	s8 =	smul.u32 $0x13C00, s8  }
0x9: {  	s6 =	ssub.s32 $0x2, s6;
	s9 =	sshll.u32 s7, $0x7;
	s7 =	smul.u32 $0x4E2, s7  }
0xa: {  	_ =	strace $0x80000047;
	s10 =	sshrl.u32 s6, $0x1;
	s9 =	sand.u32 $0x380, s9  }
0xb: {  	s6 =	ssub.s32 s6, s10;
	s10 =	simm.s32 $0x2;
	s8 =	sor.u32 s8, s9  }
0xc: {  	s3 =	sadd.s32 s7, s3;
	s4 =	sadd.s32 s4, s7;
	s6 =	smax.u32 s6, $0x1  }
0xd: {  	s7 =	simm.s32 $0x2780;
	s9 =	simm.s32 $0x1;
	s8 =	sshrl.u32 s8, $0x3  }
0xe: {  	v0 =	vimm.f32 $0.0e+00;
	s3 =	sadd.s32 $0x2E00, s3;
	s5 =	sadd.s32 s5, s8;
	s8 =	simm.s32 $0x4F00  }
.LBB2_1:
0xf: {  	[tilespmem:s7], [sflag:$0x1] =	stream.linear.gather [hbm4b:s3+s2], $0x2710, $0x38;
	[tilespmem:$0x7680] =	vst v63  }
0x10: {  	s15 =	simm.s32 $0x20  }
0x11: {  	[tilespmem:s8], [sflag:$0x2] =	stream.linear.gather [hbm4b:s4+s2], $0x2710, $0x38;
	[tilespmem:$0x7680] =	vst v63  }
0x12: {  	[tilespmem:s15+$0xFFFFFFE0] =	vst v0  }
0x13: {  	[tilespmem:s15+$0x10] =	vst v0  }
0x14: {  	s16 =	simm.s32 $0x0;
	[tilespmem:s15+$0x0] =	vst v0  }
.LBB2_2:
0x15: {  	s16 =	sadd.s32 $0x4, s16  }
0x16: {  	[tilespmem:s15+$0xFFFFFFF0] =	vst v0;
	s15 =	sadd.s32 $0x40, s15;
	p0 =	slt.u32 s16, $0x26C  }
.Ltmp0:
0x17: {  	[tilespmem:s15+$0xFFFFFFE0] =	vst v0;
	(pc) =	sbr.rel @p0 .LBB2_2-.Ltmp0, $3  }
0x18: {  	_ =	sdelay $0x1  }
0x19: {  	[tilespmem:s15+$0x10] =	vst v0  }
0x1a: {  	[tilespmem:s15+$0x0] =	vst v0  }
0x1b: {  	[tilespmem:s15+$0xFFFFFFF0] =	vst v0  }
0x1c: {  	[tilespmem:$0x2700] =	vst v0  }
0x1d: {  	_ =	swait.ge [sflag:s9], $0x2710  }
0x1e: {  	[sflag:s9] =	ssyncset.done $0x0  }
0x1f: {  	[sflag:s9] =	ssyncadd.s32 $0xFFFFD8F0  }
0x20: {  	_ =	swait.ge [sflag:s10], $0x2710  }
0x21: {  	[sflag:s10] =	ssyncset.done $0x0  }
0x22: {  	s16 =	simm.s32 $0x27A0;
	[sflag:s10] =	ssyncadd.s32 $0xFFFFD8F0  }
0x23: {  	v5 =	vld [tilespmem:s16+$0x10]  }
0x24: {  	v6 =	vld [tilespmem:s16+$0xFFFFFFF0]  }
0x25: {  	s15 =	simm.s32 $0x4F20;
	v1 =	vld [tilespmem:s16+$0x0]  }
0x26: {  	v7 =	vld [tilespmem:s15+$0x10]  }
0x27: {  	v8 =	vld [tilespmem:s15+$0xFFFFFFF0]  }
0x28: {  	v4 =	vld [tilespmem:s15+$0x0]  }
0x29: {  	v2 =	vld [tilespmem:s16+$0xFFFFFFE0]  }
0x2a: {  	v3 =	vld [tilespmem:s15+$0xFFFFFFE0]  }
0x2b: {  	[tilespmem:v5+s2+$0x0] =	vst.idx.add.f32.msk $0xffff, v7  }
0x2c: {  	s17 =	simm.s32 $0x27E0;
	s16 =	simm.s32 $0x0;
	[tilespmem:v6+s2+$0x0] =	vst.idx.add.f32.msk $0xffff, v8  }
.LBB2_4:
0x2d: {  	v5 =	vld [tilespmem:s17+$0x10];
	s16 =	sadd.s32 $0x4, s16;
	v6 =	vmov v4  }
0x2e: {  	v7 =	vld [tilespmem:s17+$0xFFFFFFF0];
	p0 =	slt.u32 s16, $0x26C  }
0x2f: {  	s15 =	sadd.s32 $0x40, s15;
	v8 =	vld [tilespmem:s17+$0x0]  }
0x30: {  	v9 =	vld [tilespmem:s15+$0x10]  }
0x31: {  	v10 =	vld [tilespmem:s17+$0xFFFFFFE0]  }
0x32: {  	v11 =	vld [tilespmem:s15+$0xFFFFFFE0]  }
0x33: {  	v12 =	vld [tilespmem:s15+$0xFFFFFFF0]  }
.Ltmp1:
0x34: {  	v4 =	vld [tilespmem:s15+$0x0];
	(pc) =	sbr.rel @p0 .LBB2_4-.Ltmp1, $4  }
0x35: {  	[tilespmem:v5+s2+$0x0] =	vst.idx.add.f32.msk $0xffff, v9  }
0x36: {  	[tilespmem:v2+s2+$0x0] =	vst.idx.add.f32.msk $0xffff, v3;
	v2 =	vmov v10  }
0x37: {  	[tilespmem:v1+s2+$0x0] =	vst.idx.add.f32.msk $0xffff, v6;
	v1 =	vmov v8;
	v3 =	vmov v11  }
0x38: {  	s17 =	sadd.s32 $0x40, s17;
	[tilespmem:v7+s2+$0x0] =	vst.idx.add.f32.msk $0xffff, v12  }
0x39: {  	_ =	sdelay $0x3  }
0x3a: {  	[tilespmem:v2+s2+$0x0] =	vst.idx.add.f32.msk $0xffff, v3  }
0x3b: {  	[tilespmem:v1+s2+$0x0] =	vst.idx.add.f32.msk $0xffff, v4  }
0x3c: {  	v1 =	vld [tilespmem:$0x4E80];
	_ =	sdelay $0x2  }
0x3d: {  	v2 =	vld [tilespmem:$0x7600];
	_ =	sdelay $0x2  }
0x3e: {  	s14 =	sadd.s32 $0x1, s14  }
0x3f: {  	p0 =	sne.s32 s14, s6  }
.Ltmp2:
0x40: {  	[tilespmem:v1+s2+$0x0] =	vst.idx.add.f32.msk $0xffff, v2;
	(pc) =	sbr.rel @p0 .LBB2_1-.Ltmp2, $4  }
0x41: {  	[hbm4b:s5+s11] =	stream.strided.scatter [tilespmem:s2], [sflag:$0x3], $0x2780, s12, s11, $0x38;
	[tilespmem:$0x7680] =	vst v63  }
0x42: {  	_ =	swait.ge [sflag:s13], $0x2780  }
0x43: {  	[sflag:s13] =	ssyncset.done $0x0  }
0x44: {  	[sflag:s13] =	ssyncadd.s32 $0xFFFFD880  }
0x45: {  	_ =	sfence.sel $0x180000  }
0x46: {  	[bflag:$0x0] =	sbarrier.arrive $0xFFFF  }
0x47: {  	p0 =	sne.s32 s1, $0x0;
	_ =	strace $0x90000047  }
0x48: {  	s0 =	sadd.s32 @!p0 $0x100000, s0;
	[bflag:$0x2] =	sbarrier.arrive $0xFFFF  }
0x49: {  	[sflag:s0] =	ssyncadd.tile.s32 @!p0 $0x1;
	_ =	shalt  }
.Lfunc_end2:
_tile_overlayer_lowered:
.L_overlay_start_2:
0x4a: {  	(tag) =	ssettag $0x2  }
0x4b: {  	s0 =	rddreg [dreg:$0x0];
	s2 =	stileid.u32  }
0x4c: {  	s1 =	rddreg [dreg:$0x1];
	p0 =	sne.s32 s2, $0x0  }
0x4d: {  	s3 =	rddreg [dreg:$0x2];
	[bflag:$0x3] =	sbarrier.arrive $0xFFFF;
	s2 =	simm.s32 @!p0 $0x1C03  }
0x4e: {  	[timem:s3], [sflag:s2] =	dma.local @!p0 [hbm:s0], s1  }
0x4f: {  	s0 =	simm.s32 @!p0 $0x3  }
0x50: {  	_ =	swait.ge @!p0 [sflag:s0], s1  }
0x51: {  	s1 =	ssub.s32 @!p0 $0x0, s1;
	[sflag:s0] =	ssyncset.done @!p0 $0x0  }
0x52: {  	[sflag:s0] =	ssyncadd.s32 @!p0 s1  }
0x53: {  	[bflag:$0x3] =	sbarrier.arrive $0xFFFF  }
0x54: {  	_ =	shalt  }

</sc_bundles>
